<compile_context>
chip_gen: v7x
topology: tpu7x:2x2x1
jax: 0.10.2.dev20260603
libtpu: 0.0.44.dev20260713+nightly
codegen_flags: <defaults>
</compile_context>

<pallas_src>
import functools

import jax
import jax.numpy as jnp
from jax import lax
from jax.experimental import pallas as pl
from jax.experimental.pallas import tpu as pltpu
from jax.experimental.pallas import tpu_sc as plsc

N = 10000
NP = 10240
E = 320000
D = 128
G = 16
NC = 2
NS = 16
NW = NC * NS
EPT = E // NW
CH = 128
EPT_P = 10240
E_P = NW * EPT_P
NH = 2
HIT = EPT_P // CH // NH
RPT = NP // NS
DEGC = 128
BR = 1024
NB = NP // BR

_MESH = plsc.VectorSubcoreMesh(core_axis_name="c", subcore_axis_name="s")



@functools.partial(
    pl.kernel,
    mesh=_MESH,
    out_type=jax.ShapeDtypeStruct((NC, NP, DEGC), jnp.float32),
    scratch_types=[
        pltpu.VMEM((NH, HIT, CH), jnp.int32),
        pltpu.VMEM((CH, DEGC), jnp.float32),
        pltpu.VMEM_SHARED((NP, DEGC), jnp.float32),
    ],
)
def _sc_degree(dst_hbm, zeros_hbm, ones_hbm, out_hbm, dst_v, ones_v, acc_sh):
    cid = lax.axis_index("c")
    sid = lax.axis_index("s")
    wid = sid * NC + cid
    pltpu.sync_copy(zeros_hbm, acc_sh.at[pl.ds(sid * RPT, RPT)])
    pltpu.sync_copy(dst_hbm.at[wid], dst_v)
    pltpu.sync_copy(ones_hbm, ones_v)
    plsc.subcore_barrier()

    def body(i, carry):
        h = i // HIT
        k = i % HIT
        pltpu.sync_copy(ones_v, acc_sh.at[dst_v.at[h, k]], add=True)
        return carry

    lax.fori_loop(0, NH * HIT, body, 0)
    plsc.subcore_barrier()
    pltpu.sync_copy(acc_sh.at[pl.ds(sid * RPT, RPT)],
                    out_hbm.at[cid, pl.ds(sid * RPT, RPT)])


@functools.partial(
    pl.kernel,
    mesh=_MESH,
    out_type=jax.ShapeDtypeStruct((NC, NP, D), jnp.float32),
    scratch_types=[
        pltpu.VMEM((HIT, CH), jnp.int32),
        pltpu.VMEM((HIT, CH), jnp.int32),
        pltpu.VMEM((2, CH, D), jnp.float32),
        pltpu.VMEM_SHARED((NP, D), jnp.float32),
        pltpu.SemaphoreType.DMA,
        pltpu.SemaphoreType.DMA,
    ],
)
def _sc_aggregate(y_hbm, src_hbm, dst_hbm, zeros_hbm, out_hbm,
                  src_v, dst_v, rows_v, acc_sh, sem0, sem1):
    cid = lax.axis_index("c")
    sid = lax.axis_index("s")
    wid = sid * NC + cid
    pltpu.sync_copy(zeros_hbm, acc_sh.at[pl.ds(sid * RPT, RPT)])
    plsc.subcore_barrier()

    sems = (sem0, sem1)
    for h in range(NH):
        pltpu.sync_copy(src_hbm.at[wid, h], src_v)
        pltpu.sync_copy(dst_hbm.at[wid, h], dst_v)
        pltpu.async_copy(y_hbm.at[src_v.at[0]], rows_v.at[0], sem0)
        pltpu.async_copy(y_hbm.at[src_v.at[1]], rows_v.at[1], sem1)

        def body(j, carry):
            for b in range(2):
                i = j * 2 + b
                pltpu.make_async_copy(
                    y_hbm.at[src_v.at[i]], rows_v.at[b], sems[b]).wait()
                pltpu.sync_copy(rows_v.at[b], acc_sh.at[dst_v.at[i]],
                                add=True)
                pltpu.async_copy(y_hbm.at[src_v.at[i + 2]], rows_v.at[b],
                                 sems[b])
            return carry

        lax.fori_loop(0, HIT // 2 - 1, body, 0)
        for b in range(2):
            i = HIT - 2 + b
            pltpu.make_async_copy(
                y_hbm.at[src_v.at[i]], rows_v.at[b], sems[b]).wait()
            pltpu.sync_copy(rows_v.at[b], acc_sh.at[dst_v.at[i]], add=True)
    plsc.subcore_barrier()
    pltpu.sync_copy(acc_sh.at[pl.ds(sid * RPT, RPT)],
                    out_hbm.at[cid, pl.ds(sid * RPT, RPT)])



def _dinv_from(deg_ref):
    deg = deg_ref[0, :, 0] + deg_ref[1, :, 0]
    return jnp.where(deg > 0, lax.rsqrt(deg), 0.0)


def _tc1_body(x_ref, w_ref, deg_ref, o_ref, dinv_ref):
    dinv = _dinv_from(deg_ref)
    xw = jnp.dot(x_ref[...], w_ref[...], preferred_element_type=jnp.float32)
    o_ref[...] = xw * dinv[:, None]
    dinv_ref[0, 0, :] = dinv


def _tc2_body(p_ref, dinv_ref, b_ref, w_ref, o_ref):
    dinv = dinv_ref[0, 0, :]
    h = (p_ref[0] + p_ref[1]) * dinv[:, None] + b_ref[...]
    hw = jnp.dot(h, w_ref[...], preferred_element_type=jnp.float32)
    o_ref[...] = hw * dinv[:, None]


def _tc3_body(p_ref, dinv_ref, b_ref, batch_ref, o_ref):
    i = pl.program_id(0)
    dinv = dinv_ref[0, 0, :]
    h = (p_ref[0] + p_ref[1]) * dinv[:, None] + b_ref[...]
    bvec = batch_ref[0, 0, :]
    onehot = (bvec[None, :] ==
              lax.broadcasted_iota(jnp.int32, (G, BR), 0)).astype(jnp.float32)
    contrib = jnp.dot(onehot, h, preferred_element_type=jnp.float32)

    @pl.when(i == 0)
    def _():
        o_ref[...] = jnp.zeros_like(o_ref)

    o_ref[...] += contrib


def _tc_scale_matmul(x, W, degp):
    return pl.pallas_call(
        _tc1_body,
        grid=(NB,),
        in_specs=[
            pl.BlockSpec((BR, D), lambda i: (i, 0)),
            pl.BlockSpec((D, D), lambda i: (0, 0)),
            pl.BlockSpec((NC, BR, DEGC), lambda i: (0, i, 0)),
        ],
        out_specs=[
            pl.BlockSpec((BR, D), lambda i: (i, 0)),
            pl.BlockSpec((1, 1, BR), lambda i: (i, 0, 0)),
        ],
        out_shape=[
            jax.ShapeDtypeStruct((NP, D), jnp.float32),
            jax.ShapeDtypeStruct((NB, 1, BR), jnp.float32),
        ],
    )(x, W, degp)


def _tc_combine_matmul(p, dinv3, b, W):
    return pl.pallas_call(
        _tc2_body,
        grid=(NB,),
        in_specs=[
            pl.BlockSpec((NC, BR, D), lambda i: (0, i, 0)),
            pl.BlockSpec((1, 1, BR), lambda i: (i, 0, 0)),
            pl.BlockSpec((1, D), lambda i: (0, 0)),
            pl.BlockSpec((D, D), lambda i: (0, 0)),
        ],
        out_specs=pl.BlockSpec((BR, D), lambda i: (i, 0)),
        out_shape=jax.ShapeDtypeStruct((NP, D), jnp.float32),
    )(p, dinv3, b, W)


def _tc_combine_pool(p, dinv3, b, batch_r):
    return pl.pallas_call(
        _tc3_body,
        grid=(NB,),
        in_specs=[
            pl.BlockSpec((NC, BR, D), lambda i: (0, i, 0)),
            pl.BlockSpec((1, 1, BR), lambda i: (i, 0, 0)),
            pl.BlockSpec((1, D), lambda i: (0, 0)),
            pl.BlockSpec((1, 1, BR), lambda i: (i, 0, 0)),
        ],
        out_specs=pl.BlockSpec((G, D), lambda i: (0, 0)),
        out_shape=jax.ShapeDtypeStruct((G, D), jnp.float32),
    )(p, dinv3, b, batch_r)



def kernel(x, edge_index, batch, W1, b1, W2, b2):
    ei = edge_index.astype(jnp.int32)
    padv = N + jnp.arange(E_P - E, dtype=jnp.int32) % (NP - N)
    ep = jnp.concatenate([ei, jnp.stack([padv, padv])], axis=1)
    src = ep[0].reshape(NW, NH, HIT, CH)
    dst = ep[1].reshape(NW, NH, HIT, CH)
    xp = jnp.concatenate([x, jnp.zeros((NP - N, D), jnp.float32)], axis=0)
    batch_p = jnp.concatenate(
        [batch.astype(jnp.int32), jnp.full((NP - N,), G, jnp.int32)])
    batch_r = batch_p.reshape(NB, 1, BR)
    zeros_deg = jnp.zeros((RPT, DEGC), jnp.float32)
    ones_deg = jnp.ones((CH, DEGC), jnp.float32)
    zeros_rows = jnp.zeros((RPT, D), jnp.float32)
    b1r = b1.reshape(1, D)
    b2r = b2.reshape(1, D)

    degp = _sc_degree(dst, zeros_deg, ones_deg)
    y1, dinv3 = _tc_scale_matmul(xp, W1, degp)
    p1 = _sc_aggregate(y1, src, dst, zeros_rows)
    y2 = _tc_combine_matmul(p1, dinv3, b1r, W2)
    p2 = _sc_aggregate(y2, src, dst, zeros_rows)
    return _tc_combine_pool(p2, dinv3, b2r, batch_r)

# --- scband reference (transcript-rebuilt; emitter-appended) ---
"""Pipeline reference for scband-graph-encoder-42760694399014 (READ-ONLY COPY).

The authoritative reference and input builder live on the scoring server;
editing this copy changes nothing except your own understanding.
"""

import jax, jax.numpy as jnp
import numpy as np

NUM_NODES = 10000
NUM_EDGES = 320000
D_IN = 128
D_HID = 128
NUM_GRAPHS = 16


def _gcn_layer(x, W, b, src, dst, num_nodes):
    # PyG GCNConv with add_self_loops=False, edge_weight=1:
    #   deg computed via scatter-add of ones onto dst (col)
    #   norm = deg^{-1/2}[src] * deg^{-1/2}[dst]
    #   out[dst] += norm * (x @ W)[src]; then add bias
    ones = jnp.ones((src.shape[0],), dtype=x.dtype)
    deg = jnp.zeros((num_nodes,), dtype=x.dtype).at[dst].add(ones)
    deg_inv_sqrt = jnp.where(deg > 0, deg ** -0.5, 0.0)
    norm = deg_inv_sqrt[src] * deg_inv_sqrt[dst]
    xw = x @ W
    msg = xw[src] * norm[:, None]
    out = jnp.zeros((num_nodes, xw.shape[1]), dtype=x.dtype).at[dst].add(msg)
    return out + b


def setup_inputs(seed: int = 0) -> dict:
    key = jax.random.key(seed)
    k1, k2, k3, k4, k5, k6, k7 = jax.random.split(key, 7)
    x = jax.random.normal(k1, (NUM_NODES, D_IN), dtype=jnp.float32)
    edge_index = jax.random.randint(k2, (2, NUM_EDGES), 0, NUM_NODES, dtype=jnp.int64)
    batch = jnp.sort(jax.random.randint(k3, (NUM_NODES,), 0, NUM_GRAPHS, dtype=jnp.int64))
    W1 = jax.random.normal(k4, (D_IN, D_HID), dtype=jnp.float32) * 0.05
    b1 = jnp.zeros((D_HID,), dtype=jnp.float32)
    W2 = jax.random.normal(k5, (D_HID, D_HID), dtype=jnp.float32) * 0.05
    b2 = jnp.zeros((D_HID,), dtype=jnp.float32)
    return {"x": x, "edge_index": edge_index, "batch": batch,
            "W1": W1, "b1": b1, "W2": W2, "b2": b2}


def reference(x, edge_index, batch, W1, b1, W2, b2):
    src = edge_index[0]
    dst = edge_index[1]
    h = _gcn_layer(x, W1, b1, src, dst, NUM_NODES)
    h = _gcn_layer(h, W2, b2, src, dst, NUM_NODES)
    # global_add_pool: segment-sum node features by graph id
    pooled = jax.ops.segment_sum(h, batch, num_segments=NUM_GRAPHS)
    return pooled

if __name__ == "__main__":
    import jax
    _d = setup_inputs()
    print(jax.jit(kernel)(*tuple(_d.values())))

</pallas_src>

<mosaic_0001>
#map = affine_map<(d0, d1) -> (0, 0, 0, 0)>
#map1 = affine_map<(d0, d1) -> (0, 0)>
#map2 = affine_map<(d0, d1) -> (0, 0, 0)>
module attributes {stable_mosaic.version = 14 : i64} {
  func.func @_sc_degree(%arg0: i32, %arg1: i32, %arg2: memref<32x2x40x128xi32, #tpu.memory_space<hbm>>, %arg3: memref<640x128xf32, #tpu.memory_space<hbm>>, %arg4: memref<128x128xf32, #tpu.memory_space<hbm>>, %arg5: memref<2x10240x128xf32, #tpu.memory_space<hbm>>, %arg6: memref<2x40x128xi32, #tpu.memory_space<vmem>>, %arg7: memref<128x128xf32, #tpu.memory_space<vmem>>, %arg8: memref<10240x128xf32, #tpu.memory_space<vmem_shared>>) attributes {dimension_semantics = [#tpu.dimension_semantics<core_parallel>, #tpu.dimension_semantics<subcore_parallel>], iteration_bounds = array<i64: 2, 16>, scalar_prefetch = 0 : i64, scratch_operands = 3 : i64, tpu.core_type = #tpu.core_type<sc_vector_subcore>, window_params = [{transform_indices = #map}, {transform_indices = #map1}, {transform_indices = #map1}, {transform_indices = #map2}]} {
    %mul3A = arith.constant 2 : i32
    %mul3A_0 = arith.muli %arg1, %mul3A : i32
    %add3A = arith.addi %mul3A_0, %arg0 : i32
    %mul3A_1 = arith.constant 640 : i32
    %mul3A_2 = arith.muli %arg1, %mul3A_1 : i32
    "tpu.region"() ({
      %run_scoped3A = tpu.sem_alloc : memref<!tpu.dma_semaphore, #tpu.memory_space<semaphore_mem>>
      %dma_start3A = arith.constant 0 : i32
      %dma_start3A_13 = tpu.memref_slice %arg8[%mul3A_2, %dma_start3A] : memref<10240x128xf32, #tpu.memory_space<vmem_shared>> -> memref<640x128xf32, #tpu.memory_space<vmem_shared>>
      tpu.enqueue_dma source(%arg3 : memref<640x128xf32, #tpu.memory_space<hbm>>) target(%dma_start3A_13 : memref<640x128xf32, #tpu.memory_space<vmem_shared>>) target_semaphore(%run_scoped3A : memref<!tpu.dma_semaphore, #tpu.memory_space<semaphore_mem>>)
      %dma_wait3A = arith.constant 0 : i32
      %dma_wait3A_14 = tpu.memref_slice %arg8[%mul3A_2, %dma_wait3A] : memref<10240x128xf32, #tpu.memory_space<vmem_shared>> -> memref<640x128xf32, #tpu.memory_space<vmem_shared>>
      tpu.wait_dma2 semaphore(%run_scoped3A : memref<!tpu.dma_semaphore, #tpu.memory_space<semaphore_mem>>) src(%arg3 : memref<640x128xf32, #tpu.memory_space<hbm>>) dst(%dma_wait3A_14 : memref<640x128xf32, #tpu.memory_space<vmem_shared>>)
      tpu.yield
    }) : () -> ()
    "tpu.region"() ({
      %run_scoped3A = tpu.sem_alloc : memref<!tpu.dma_semaphore, #tpu.memory_space<semaphore_mem>>
      %dma_start3A = arith.constant 0 : i32
      %dma_start3A_13 = arith.constant 0 : i32
      %dma_start3A_14 = arith.constant 0 : i32
      %dma_start3A_15 = tpu.memref_slice %arg2[%add3A, %dma_start3A, %dma_start3A_13, %dma_start3A_14] : memref<32x2x40x128xi32, #tpu.memory_space<hbm>> -> memref<1x2x40x128xi32, #tpu.memory_space<hbm>>
      %dma_start3A_16 = tpu.memref_squeeze %dma_start3A_15 : memref<1x2x40x128xi32, #tpu.memory_space<hbm>> -> memref<2x40x128xi32, #tpu.memory_space<hbm>>
      %dma_start3A_17 = arith.constant 0 : i32
      %dma_start3A_18 = arith.constant 0 : i32
      %dma_start3A_19 = arith.constant 0 : i32
      %dma_start3A_20 = tpu.memref_slice %arg2[%add3A, %dma_start3A_17, %dma_start3A_18, %dma_start3A_19] : memref<32x2x40x128xi32, #tpu.memory_space<hbm>> -> memref<1x2x40x128xi32, #tpu.memory_space<hbm>>
      %dma_start3A_21 = tpu.memref_squeeze %dma_start3A_20 : memref<1x2x40x128xi32, #tpu.memory_space<hbm>> -> memref<2x40x128xi32, #tpu.memory_space<hbm>>
      tpu.enqueue_dma source(%dma_start3A_21 : memref<2x40x128xi32, #tpu.memory_space<hbm>>) target(%arg6 : memref<2x40x128xi32, #tpu.memory_space<vmem>>) target_semaphore(%run_scoped3A : memref<!tpu.dma_semaphore, #tpu.memory_space<semaphore_mem>>)
      %dma_wait3A = arith.constant 0 : i32
      %dma_wait3A_22 = arith.constant 0 : i32
      %dma_wait3A_23 = arith.constant 0 : i32
      %dma_wait3A_24 = tpu.memref_slice %arg2[%add3A, %dma_wait3A, %dma_wait3A_22, %dma_wait3A_23] : memref<32x2x40x128xi32, #tpu.memory_space<hbm>> -> memref<1x2x40x128xi32, #tpu.memory_space<hbm>>
      %dma_wait3A_25 = tpu.memref_squeeze %dma_wait3A_24 : memref<1x2x40x128xi32, #tpu.memory_space<hbm>> -> memref<2x40x128xi32, #tpu.memory_space<hbm>>
      %dma_wait3A_26 = arith.constant 0 : i32
      %dma_wait3A_27 = arith.constant 0 : i32
      %dma_wait3A_28 = arith.constant 0 : i32
      %dma_wait3A_29 = tpu.memref_slice %arg2[%add3A, %dma_wait3A_26, %dma_wait3A_27, %dma_wait3A_28] : memref<32x2x40x128xi32, #tpu.memory_space<hbm>> -> memref<1x2x40x128xi32, #tpu.memory_space<hbm>>
      %dma_wait3A_30 = tpu.memref_squeeze %dma_wait3A_29 : memref<1x2x40x128xi32, #tpu.memory_space<hbm>> -> memref<2x40x128xi32, #tpu.memory_space<hbm>>
      tpu.wait_dma2 semaphore(%run_scoped3A : memref<!tpu.dma_semaphore, #tpu.memory_space<semaphore_mem>>) src(%dma_wait3A_30 : memref<2x40x128xi32, #tpu.memory_space<hbm>>) dst(%arg6 : memref<2x40x128xi32, #tpu.memory_space<vmem>>)
      tpu.yield
    }) : () -> ()
    "tpu.region"() ({
      %run_scoped3A = tpu.sem_alloc : memref<!tpu.dma_semaphore, #tpu.memory_space<semaphore_mem>>
      tpu.enqueue_dma source(%arg4 : memref<128x128xf32, #tpu.memory_space<hbm>>) target(%arg7 : memref<128x128xf32, #tpu.memory_space<vmem>>) target_semaphore(%run_scoped3A : memref<!tpu.dma_semaphore, #tpu.memory_space<semaphore_mem>>)
      tpu.wait_dma2 semaphore(%run_scoped3A : memref<!tpu.dma_semaphore, #tpu.memory_space<semaphore_mem>>) src(%arg4 : memref<128x128xf32, #tpu.memory_space<hbm>>) dst(%arg7 : memref<128x128xf32, #tpu.memory_space<vmem>>)
      tpu.yield
    }) : () -> ()
    %barrier3A = arith.constant 0 : index
    tpu.barrier barrier_id(%barrier3A)
    %scan3A = arith.constant 0 : i32
    %scan3A_3 = arith.constant 0 : i32
    %scan3A_4 = arith.constant 80 : i32
    %scan3A_5 = arith.addi %scan3A_3, %scan3A_4 : i32
    %scan3A_6 = arith.constant 1 : i32
    scf.for %scan3A_13 = %scan3A_3 to %scan3A_5 step %scan3A_6  : i32 {
      %jit3A = arith.constant 40 : i32
      %div3A = arith.divsi %scan3A_13, %jit3A : i32
      %sign3A = arith.constant 0 : i32
      %sign3A_14 = arith.cmpi sgt, %scan3A_13, %sign3A : i32
      %sign3A_15 = arith.extui %sign3A_14 : i1 to i32
      %sign3A_16 = arith.constant 0 : i32
      %sign3A_17 = arith.cmpi slt, %scan3A_13, %sign3A_16 : i32
      %sign3A_18 = arith.extui %sign3A_17 : i1 to i32
      %sign3A_19 = arith.subi %sign3A_15, %sign3A_18 : i32
      %sign3A_20 = arith.constant 0 : i32
      %sign3A_21 = arith.cmpi sgt, %jit3A, %sign3A_20 : i32
      %sign3A_22 = arith.extui %sign3A_21 : i1 to i32
      %sign3A_23 = arith.constant 0 : i32
      %sign3A_24 = arith.cmpi slt, %jit3A, %sign3A_23 : i32
      %sign3A_25 = arith.extui %sign3A_24 : i1 to i32
      %sign3A_26 = arith.subi %sign3A_22, %sign3A_25 : i32
      %ne3A = arith.cmpi ne, %sign3A_19, %sign3A_26 : i32
      %rem3A = arith.remsi %scan3A_13, %jit3A : i32
      %ne3A_27 = arith.constant 0 : i32
      %ne3A_28 = arith.cmpi ne, %rem3A, %ne3A_27 : i32
      %and3A = arith.andi %ne3A, %ne3A_28 : i1
      %sub3A = arith.constant 1 : i32
      %sub3A_29 = arith.subi %div3A, %sub3A : i32
      %select_n3A = arith.select %and3A, %sub3A_29, %div3A : i32
      %jit3A_30 = arith.constant 40 : i32
      %eq3A = arith.constant 0 : i32
      %eq3A_31 = arith.cmpi eq, %jit3A_30, %eq3A : i32
      %jit3A_32 = arith.constant 1 : i32
      %select_n3A_33 = arith.select %eq3A_31, %jit3A_32, %jit3A_30 : i32
      %rem3A_34 = arith.remsi %scan3A_13, %select_n3A_33 : i32
      %ne3A_35 = arith.constant 0 : i32
      %ne3A_36 = arith.cmpi ne, %rem3A_34, %ne3A_35 : i32
      %lt3A = arith.constant 0 : i32
      %lt3A_37 = arith.cmpi slt, %rem3A_34, %lt3A : i32
      %lt3A_38 = arith.constant 0 : i32
      %lt3A_39 = arith.cmpi slt, %select_n3A_33, %lt3A_38 : i32
      %ne3A_40 = arith.xori %lt3A_37, %lt3A_39 : i1
      %and3A_41 = arith.andi %ne3A_40, %ne3A_36 : i1
      %add3A_42 = arith.addi %rem3A_34, %select_n3A_33 : i32
      %select_n3A_43 = arith.select %and3A_41, %add3A_42, %rem3A_34 : i32
      "tpu.region"() ({
        %run_scoped3A = tpu.sem_alloc : memref<!tpu.dma_semaphore, #tpu.memory_space<semaphore_mem>>
        %dma_start3A = arith.constant 0 : i32
        %dma_start3A_44 = tpu.memref_slice %arg6[%select_n3A, %select_n3A_43, %dma_start3A] : memref<2x40x128xi32, #tpu.memory_space<vmem>> -> memref<1x1x128xi32, #tpu.memory_space<vmem>>
        %dma_start3A_45 = tpu.memref_squeeze %dma_start3A_44 : memref<1x1x128xi32, #tpu.memory_space<vmem>> -> memref<128xi32, #tpu.memory_space<vmem>>
        %dma_start3A_46 = arith.constant 0 : i32
        %dma_start3A_47 = arith.constant 0 : i32
        %dma_start3A_48 = tpu.memref_slice %arg8[%dma_start3A_46, %dma_start3A_47] : memref<10240x128xf32, #tpu.memory_space<vmem_shared>> -> memref<10240x128xf32, #tpu.memory_space<vmem_shared>>
        tpu.enqueue_indirect_dma source(%arg7 : memref<128x128xf32, #tpu.memory_space<vmem>>) target(%dma_start3A_48 : memref<10240x128xf32, #tpu.memory_space<vmem_shared>>) offsets(%dma_start3A_45 : memref<128xi32, #tpu.memory_space<vmem>>) semaphore(%run_scoped3A : memref<!tpu.dma_semaphore, #tpu.memory_space<semaphore_mem>>) {add = true}
        %dma_wait3A = arith.constant 0 : i32
        %dma_wait3A_49 = tpu.memref_slice %arg6[%select_n3A, %select_n3A_43, %dma_wait3A] : memref<2x40x128xi32, #tpu.memory_space<vmem>> -> memref<1x1x128xi32, #tpu.memory_space<vmem>>
        %dma_wait3A_50 = tpu.memref_squeeze %dma_wait3A_49 : memref<1x1x128xi32, #tpu.memory_space<vmem>> -> memref<128xi32, #tpu.memory_space<vmem>>
        %dma_wait3A_51 = arith.constant 0 : i32
        %dma_wait3A_52 = arith.constant 0 : i32
        %dma_wait3A_53 = tpu.memref_slice %arg8[%dma_wait3A_51, %dma_wait3A_52] : memref<10240x128xf32, #tpu.memory_space<vmem_shared>> -> memref<10240x128xf32, #tpu.memory_space<vmem_shared>>
        tpu.wait_indirect_dma semaphore(%run_scoped3A : memref<!tpu.dma_semaphore, #tpu.memory_space<semaphore_mem>>) src(%arg7 : memref<128x128xf32, #tpu.memory_space<vmem>>) dst(%dma_wait3A_53 : memref<10240x128xf32, #tpu.memory_space<vmem_shared>>)
        tpu.yield
      }) : () -> ()
    }
    %scan3A_7 = arith.constant 80 : i32
    %barrier3A_8 = arith.constant 0 : index
    tpu.barrier barrier_id(%barrier3A_8)
    %mul3A_9 = arith.constant 640 : i32
    %mul3A_10 = arith.muli %arg1, %mul3A_9 : i32
    %mul3A_11 = arith.constant 640 : i32
    %mul3A_12 = arith.muli %arg1, %mul3A_11 : i32
    "tpu.region"() ({
      %run_scoped3A = tpu.sem_alloc : memref<!tpu.dma_semaphore, #tpu.memory_space<semaphore_mem>>
      %dma_start3A = arith.constant 0 : i32
      %dma_start3A_13 = tpu.memref_slice %arg5[%arg0, %mul3A_12, %dma_start3A] : memref<2x10240x128xf32, #tpu.memory_space<hbm>> -> memref<1x640x128xf32, #tpu.memory_space<hbm>>
      %dma_start3A_14 = tpu.memref_squeeze %dma_start3A_13 : memref<1x640x128xf32, #tpu.memory_space<hbm>> -> memref<640x128xf32, #tpu.memory_space<hbm>>
      %dma_start3A_15 = arith.constant 0 : i32
      %dma_start3A_16 = tpu.memref_slice %arg8[%mul3A_10, %dma_start3A_15] : memref<10240x128xf32, #tpu.memory_space<vmem_shared>> -> memref<640x128xf32, #tpu.memory_space<vmem_shared>>
      tpu.enqueue_dma source(%dma_start3A_16 : memref<640x128xf32, #tpu.memory_space<vmem_shared>>) target(%dma_start3A_14 : memref<640x128xf32, #tpu.memory_space<hbm>>) target_semaphore(%run_scoped3A : memref<!tpu.dma_semaphore, #tpu.memory_space<semaphore_mem>>)
      %dma_wait3A = arith.constant 0 : i32
      %dma_wait3A_17 = tpu.memref_slice %arg5[%arg0, %mul3A_12, %dma_wait3A] : memref<2x10240x128xf32, #tpu.memory_space<hbm>> -> memref<1x640x128xf32, #tpu.memory_space<hbm>>
      %dma_wait3A_18 = tpu.memref_squeeze %dma_wait3A_17 : memref<1x640x128xf32, #tpu.memory_space<hbm>> -> memref<640x128xf32, #tpu.memory_space<hbm>>
      %dma_wait3A_19 = arith.constant 0 : i32
      %dma_wait3A_20 = tpu.memref_slice %arg8[%mul3A_10, %dma_wait3A_19] : memref<10240x128xf32, #tpu.memory_space<vmem_shared>> -> memref<640x128xf32, #tpu.memory_space<vmem_shared>>
      tpu.wait_dma2 semaphore(%run_scoped3A : memref<!tpu.dma_semaphore, #tpu.memory_space<semaphore_mem>>) src(%dma_wait3A_20 : memref<640x128xf32, #tpu.memory_space<vmem_shared>>) dst(%dma_wait3A_18 : memref<640x128xf32, #tpu.memory_space<hbm>>)
      tpu.yield
    }) : () -> ()
    return
  }
}

#map = affine_map<(d0, d1) -> (0, 0)>
#map1 = affine_map<(d0, d1) -> (0, 0, 0, 0)>
#map2 = affine_map<(d0, d1) -> (0, 0, 0)>
module attributes {stable_mosaic.version = 14 : i64} {
  func.func @_sc_aggregate(%arg0: i32, %arg1: i32, %arg2: memref<10240x128xf32, #tpu.memory_space<hbm>>, %arg3: memref<32x2x40x128xi32, #tpu.memory_space<hbm>>, %arg4: memref<32x2x40x128xi32, #tpu.memory_space<hbm>>, %arg5: memref<640x128xf32, #tpu.memory_space<hbm>>, %arg6: memref<2x10240x128xf32, #tpu.memory_space<hbm>>, %arg7: memref<40x128xi32, #tpu.memory_space<vmem>>, %arg8: memref<40x128xi32, #tpu.memory_space<vmem>>, %arg9: memref<2x128x128xf32, #tpu.memory_space<vmem>>, %arg10: memref<10240x128xf32, #tpu.memory_space<vmem_shared>>, %arg11: memref<!tpu.dma_semaphore, #tpu.memory_space<semaphore_mem>>, %arg12: memref<!tpu.dma_semaphore, #tpu.memory_space<semaphore_mem>>) attributes {dimension_semantics = [#tpu.dimension_semantics<core_parallel>, #tpu.dimension_semantics<subcore_parallel>], iteration_bounds = array<i64: 2, 16>, scalar_prefetch = 0 : i64, scratch_operands = 6 : i64, tpu.core_type = #tpu.core_type<sc_vector_subcore>, window_params = [{transform_indices = #map}, {transform_indices = #map1}, {transform_indices = #map1}, {transform_indices = #map}, {transform_indices = #map2}]} {
    %mul3A = arith.constant 2 : i32
    %mul3A_0 = arith.muli %arg1, %mul3A : i32
    %add3A = arith.addi %mul3A_0, %arg0 : i32
    %mul3A_1 = arith.constant 640 : i32
    %mul3A_2 = arith.muli %arg1, %mul3A_1 : i32
    "tpu.region"() ({
      %run_scoped3A_124 = tpu.sem_alloc : memref<!tpu.dma_semaphore, #tpu.memory_space<semaphore_mem>>
      %dma_start3A_125 = arith.constant 0 : i32
      %dma_start3A_126 = tpu.memref_slice %arg10[%mul3A_2, %dma_start3A_125] : memref<10240x128xf32, #tpu.memory_space<vmem_shared>> -> memref<640x128xf32, #tpu.memory_space<vmem_shared>>
      tpu.enqueue_dma source(%arg5 : memref<640x128xf32, #tpu.memory_space<hbm>>) target(%dma_start3A_126 : memref<640x128xf32, #tpu.memory_space<vmem_shared>>) target_semaphore(%run_scoped3A_124 : memref<!tpu.dma_semaphore, #tpu.memory_space<semaphore_mem>>)
      %dma_wait3A_127 = arith.constant 0 : i32
      %dma_wait3A_128 = tpu.memref_slice %arg10[%mul3A_2, %dma_wait3A_127] : memref<10240x128xf32, #tpu.memory_space<vmem_shared>> -> memref<640x128xf32, #tpu.memory_space<vmem_shared>>
      tpu.wait_dma2 semaphore(%run_scoped3A_124 : memref<!tpu.dma_semaphore, #tpu.memory_space<semaphore_mem>>) src(%arg5 : memref<640x128xf32, #tpu.memory_space<hbm>>) dst(%dma_wait3A_128 : memref<640x128xf32, #tpu.memory_space<vmem_shared>>)
      tpu.yield
    }) : () -> ()
    %barrier3A = arith.constant 0 : index
    tpu.barrier barrier_id(%barrier3A)
    %run_scoped3A = arith.constant 0 : i32
    "tpu.region"() ({
      %run_scoped3A_124 = tpu.sem_alloc : memref<!tpu.dma_semaphore, #tpu.memory_space<semaphore_mem>>
      %dma_start3A_125 = arith.constant 0 : i32
      %dma_start3A_126 = arith.constant 0 : i32
      %dma_start3A_127 = tpu.memref_slice %arg3[%add3A, %run_scoped3A, %dma_start3A_125, %dma_start3A_126] : memref<32x2x40x128xi32, #tpu.memory_space<hbm>> -> memref<1x1x40x128xi32, #tpu.memory_space<hbm>>
      %dma_start3A_128 = tpu.memref_squeeze %dma_start3A_127 : memref<1x1x40x128xi32, #tpu.memory_space<hbm>> -> memref<40x128xi32, #tpu.memory_space<hbm>>
      %dma_start3A_129 = arith.constant 0 : i32
      %dma_start3A_130 = arith.constant 0 : i32
      %dma_start3A_131 = tpu.memref_slice %arg3[%add3A, %run_scoped3A, %dma_start3A_129, %dma_start3A_130] : memref<32x2x40x128xi32, #tpu.memory_space<hbm>> -> memref<1x1x40x128xi32, #tpu.memory_space<hbm>>
      %dma_start3A_132 = tpu.memref_squeeze %dma_start3A_131 : memref<1x1x40x128xi32, #tpu.memory_space<hbm>> -> memref<40x128xi32, #tpu.memory_space<hbm>>
      tpu.enqueue_dma source(%dma_start3A_132 : memref<40x128xi32, #tpu.memory_space<hbm>>) target(%arg7 : memref<40x128xi32, #tpu.memory_space<vmem>>) target_semaphore(%run_scoped3A_124 : memref<!tpu.dma_semaphore, #tpu.memory_space<semaphore_mem>>)
      %dma_wait3A_133 = arith.constant 0 : i32
      %dma_wait3A_134 = arith.constant 0 : i32
      %dma_wait3A_135 = tpu.memref_slice %arg3[%add3A, %run_scoped3A, %dma_wait3A_133, %dma_wait3A_134] : memref<32x2x40x128xi32, #tpu.memory_space<hbm>> -> memref<1x1x40x128xi32, #tpu.memory_space<hbm>>
      %dma_wait3A_136 = tpu.memref_squeeze %dma_wait3A_135 : memref<1x1x40x128xi32, #tpu.memory_space<hbm>> -> memref<40x128xi32, #tpu.memory_space<hbm>>
      %dma_wait3A_137 = arith.constant 0 : i32
      %dma_wait3A_138 = arith.constant 0 : i32
      %dma_wait3A_139 = tpu.memref_slice %arg3[%add3A, %run_scoped3A, %dma_wait3A_137, %dma_wait3A_138] : memref<32x2x40x128xi32, #tpu.memory_space<hbm>> -> memref<1x1x40x128xi32, #tpu.memory_space<hbm>>
      %dma_wait3A_140 = tpu.memref_squeeze %dma_wait3A_139 : memref<1x1x40x128xi32, #tpu.memory_space<hbm>> -> memref<40x128xi32, #tpu.memory_space<hbm>>
      tpu.wait_dma2 semaphore(%run_scoped3A_124 : memref<!tpu.dma_semaphore, #tpu.memory_space<semaphore_mem>>) src(%dma_wait3A_140 : memref<40x128xi32, #tpu.memory_space<hbm>>) dst(%arg7 : memref<40x128xi32, #tpu.memory_space<vmem>>)
      tpu.yield
    }) : () -> ()
    %run_scoped3A_3 = arith.constant 0 : i32
    "tpu.region"() ({
      %run_scoped3A_124 = tpu.sem_alloc : memref<!tpu.dma_semaphore, #tpu.memory_space<semaphore_mem>>
      %dma_start3A_125 = arith.constant 0 : i32
      %dma_start3A_126 = arith.constant 0 : i32
      %dma_start3A_127 = tpu.memref_slice %arg4[%add3A, %run_scoped3A_3, %dma_start3A_125, %dma_start3A_126] : memref<32x2x40x128xi32, #tpu.memory_space<hbm>> -> memref<1x1x40x128xi32, #tpu.memory_space<hbm>>
      %dma_start3A_128 = tpu.memref_squeeze %dma_start3A_127 : memref<1x1x40x128xi32, #tpu.memory_space<hbm>> -> memref<40x128xi32, #tpu.memory_space<hbm>>
      %dma_start3A_129 = arith.constant 0 : i32
      %dma_start3A_130 = arith.constant 0 : i32
      %dma_start3A_131 = tpu.memref_slice %arg4[%add3A, %run_scoped3A_3, %dma_start3A_129, %dma_start3A_130] : memref<32x2x40x128xi32, #tpu.memory_space<hbm>> -> memref<1x1x40x128xi32, #tpu.memory_space<hbm>>
      %dma_start3A_132 = tpu.memref_squeeze %dma_start3A_131 : memref<1x1x40x128xi32, #tpu.memory_space<hbm>> -> memref<40x128xi32, #tpu.memory_space<hbm>>
      tpu.enqueue_dma source(%dma_start3A_132 : memref<40x128xi32, #tpu.memory_space<hbm>>) target(%arg8 : memref<40x128xi32, #tpu.memory_space<vmem>>) target_semaphore(%run_scoped3A_124 : memref<!tpu.dma_semaphore, #tpu.memory_space<semaphore_mem>>)
      %dma_wait3A_133 = arith.constant 0 : i32
      %dma_wait3A_134 = arith.constant 0 : i32
      %dma_wait3A_135 = tpu.memref_slice %arg4[%add3A, %run_scoped3A_3, %dma_wait3A_133, %dma_wait3A_134] : memref<32x2x40x128xi32, #tpu.memory_space<hbm>> -> memref<1x1x40x128xi32, #tpu.memory_space<hbm>>
      %dma_wait3A_136 = tpu.memref_squeeze %dma_wait3A_135 : memref<1x1x40x128xi32, #tpu.memory_space<hbm>> -> memref<40x128xi32, #tpu.memory_space<hbm>>
      %dma_wait3A_137 = arith.constant 0 : i32
      %dma_wait3A_138 = arith.constant 0 : i32
      %dma_wait3A_139 = tpu.memref_slice %arg4[%add3A, %run_scoped3A_3, %dma_wait3A_137, %dma_wait3A_138] : memref<32x2x40x128xi32, #tpu.memory_space<hbm>> -> memref<1x1x40x128xi32, #tpu.memory_space<hbm>>
      %dma_wait3A_140 = tpu.memref_squeeze %dma_wait3A_139 : memref<1x1x40x128xi32, #tpu.memory_space<hbm>> -> memref<40x128xi32, #tpu.memory_space<hbm>>
      tpu.wait_dma2 semaphore(%run_scoped3A_124 : memref<!tpu.dma_semaphore, #tpu.memory_space<semaphore_mem>>) src(%dma_wait3A_140 : memref<40x128xi32, #tpu.memory_space<hbm>>) dst(%arg8 : memref<40x128xi32, #tpu.memory_space<vmem>>)
      tpu.yield
    }) : () -> ()
    %dma_start3A = arith.constant 0 : i32
    %dma_start3A_4 = arith.constant 0 : i32
    %dma_start3A_5 = arith.constant 0 : i32
    %dma_start3A_6 = arith.constant 0 : i32
    %dma_start3A_7 = tpu.memref_slice %arg9[%dma_start3A_4, %dma_start3A_5, %dma_start3A_6] : memref<2x128x128xf32, #tpu.memory_space<vmem>> -> memref<1x128x128xf32, #tpu.memory_space<vmem>>
    %dma_start3A_8 = tpu.memref_squeeze %dma_start3A_7 : memref<1x128x128xf32, #tpu.memory_space<vmem>> -> memref<128x128xf32, #tpu.memory_space<vmem>>
    %dma_start3A_9 = arith.constant 0 : i32
    %dma_start3A_10 = tpu.memref_slice %arg7[%dma_start3A, %dma_start3A_9] : memref<40x128xi32, #tpu.memory_space<vmem>> -> memref<1x128xi32, #tpu.memory_space<vmem>>
    %dma_start3A_11 = tpu.memref_squeeze %dma_start3A_10 : memref<1x128xi32, #tpu.memory_space<vmem>> -> memref<128xi32, #tpu.memory_space<vmem>>
    %dma_start3A_12 = arith.constant 0 : i32
    %dma_start3A_13 = arith.constant 0 : i32
    %dma_start3A_14 = tpu.memref_slice %arg2[%dma_start3A_12, %dma_start3A_13] : memref<10240x128xf32, #tpu.memory_space<hbm>> -> memref<10240x128xf32, #tpu.memory_space<hbm>>
    tpu.enqueue_indirect_dma source(%dma_start3A_14 : memref<10240x128xf32, #tpu.memory_space<hbm>>) target(%dma_start3A_8 : memref<128x128xf32, #tpu.memory_space<vmem>>) offsets(%dma_start3A_11 : memref<128xi32, #tpu.memory_space<vmem>>) semaphore(%arg11 : memref<!tpu.dma_semaphore, #tpu.memory_space<semaphore_mem>>)
    %dma_start3A_15 = arith.constant 1 : i32
    %dma_start3A_16 = arith.constant 1 : i32
    %dma_start3A_17 = arith.constant 0 : i32
    %dma_start3A_18 = arith.constant 0 : i32
    %dma_start3A_19 = tpu.memref_slice %arg9[%dma_start3A_16, %dma_start3A_17, %dma_start3A_18] : memref<2x128x128xf32, #tpu.memory_space<vmem>> -> memref<1x128x128xf32, #tpu.memory_space<vmem>>
    %dma_start3A_20 = tpu.memref_squeeze %dma_start3A_19 : memref<1x128x128xf32, #tpu.memory_space<vmem>> -> memref<128x128xf32, #tpu.memory_space<vmem>>
    %dma_start3A_21 = arith.constant 0 : i32
    %dma_start3A_22 = tpu.memref_slice %arg7[%dma_start3A_15, %dma_start3A_21] : memref<40x128xi32, #tpu.memory_space<vmem>> -> memref<1x128xi32, #tpu.memory_space<vmem>>
    %dma_start3A_23 = tpu.memref_squeeze %dma_start3A_22 : memref<1x128xi32, #tpu.memory_space<vmem>> -> memref<128xi32, #tpu.memory_space<vmem>>
    %dma_start3A_24 = arith.constant 0 : i32
    %dma_start3A_25 = arith.constant 0 : i32
    %dma_start3A_26 = tpu.memref_slice %arg2[%dma_start3A_24, %dma_start3A_25] : memref<10240x128xf32, #tpu.memory_space<hbm>> -> memref<10240x128xf32, #tpu.memory_space<hbm>>
    tpu.enqueue_indirect_dma source(%dma_start3A_26 : memref<10240x128xf32, #tpu.memory_space<hbm>>) target(%dma_start3A_20 : memref<128x128xf32, #tpu.memory_space<vmem>>) offsets(%dma_start3A_23 : memref<128xi32, #tpu.memory_space<vmem>>) semaphore(%arg12 : memref<!tpu.dma_semaphore, #tpu.memory_space<semaphore_mem>>)
    %scan3A = arith.constant 0 : i32
    %scan3A_27 = arith.constant 0 : i32
    %scan3A_28 = arith.constant 19 : i32
    %scan3A_29 = arith.addi %scan3A_27, %scan3A_28 : i32
    %scan3A_30 = arith.constant 1 : i32
    scf.for %scan3A_124 = %scan3A_27 to %scan3A_29 step %scan3A_30  : i32 {
      %mul3A_125 = arith.constant 2 : i32
      %mul3A_126 = arith.muli %scan3A_124, %mul3A_125 : i32
      %add3A_127 = arith.constant 0 : i32
      %add3A_128 = arith.addi %mul3A_126, %add3A_127 : i32
      %dma_wait3A_129 = arith.constant 0 : i32
      %dma_wait3A_130 = arith.constant 0 : i32
      %dma_wait3A_131 = arith.constant 0 : i32
      %dma_wait3A_132 = tpu.memref_slice %arg9[%dma_wait3A_129, %dma_wait3A_130, %dma_wait3A_131] : memref<2x128x128xf32, #tpu.memory_space<vmem>> -> memref<1x128x128xf32, #tpu.memory_space<vmem>>
      %dma_wait3A_133 = tpu.memref_squeeze %dma_wait3A_132 : memref<1x128x128xf32, #tpu.memory_space<vmem>> -> memref<128x128xf32, #tpu.memory_space<vmem>>
      %dma_wait3A_134 = arith.constant 0 : i32
      %dma_wait3A_135 = tpu.memref_slice %arg7[%add3A_128, %dma_wait3A_134] : memref<40x128xi32, #tpu.memory_space<vmem>> -> memref<1x128xi32, #tpu.memory_space<vmem>>
      %dma_wait3A_136 = tpu.memref_squeeze %dma_wait3A_135 : memref<1x128xi32, #tpu.memory_space<vmem>> -> memref<128xi32, #tpu.memory_space<vmem>>
      %dma_wait3A_137 = arith.constant 0 : i32
      %dma_wait3A_138 = arith.constant 0 : i32
      %dma_wait3A_139 = tpu.memref_slice %arg2[%dma_wait3A_137, %dma_wait3A_138] : memref<10240x128xf32, #tpu.memory_space<hbm>> -> memref<10240x128xf32, #tpu.memory_space<hbm>>
      tpu.wait_indirect_dma semaphore(%arg11 : memref<!tpu.dma_semaphore, #tpu.memory_space<semaphore_mem>>) src(%dma_wait3A_139 : memref<10240x128xf32, #tpu.memory_space<hbm>>) dst(%dma_wait3A_133 : memref<128x128xf32, #tpu.memory_space<vmem>>)
      %run_scoped3A_140 = arith.constant 0 : i32
      "tpu.region"() ({
        %run_scoped3A_183 = tpu.sem_alloc : memref<!tpu.dma_semaphore, #tpu.memory_space<semaphore_mem>>
        %dma_start3A_184 = arith.constant 0 : i32
        %dma_start3A_185 = arith.constant 0 : i32
        %dma_start3A_186 = tpu.memref_slice %arg9[%run_scoped3A_140, %dma_start3A_184, %dma_start3A_185] : memref<2x128x128xf32, #tpu.memory_space<vmem>> -> memref<1x128x128xf32, #tpu.memory_space<vmem>>
        %dma_start3A_187 = tpu.memref_squeeze %dma_start3A_186 : memref<1x128x128xf32, #tpu.memory_space<vmem>> -> memref<128x128xf32, #tpu.memory_space<vmem>>
        %dma_start3A_188 = arith.constant 0 : i32
        %dma_start3A_189 = tpu.memref_slice %arg8[%add3A_128, %dma_start3A_188] : memref<40x128xi32, #tpu.memory_space<vmem>> -> memref<1x128xi32, #tpu.memory_space<vmem>>
        %dma_start3A_190 = tpu.memref_squeeze %dma_start3A_189 : memref<1x128xi32, #tpu.memory_space<vmem>> -> memref<128xi32, #tpu.memory_space<vmem>>
        %dma_start3A_191 = arith.constant 0 : i32
        %dma_start3A_192 = arith.constant 0 : i32
        %dma_start3A_193 = tpu.memref_slice %arg10[%dma_start3A_191, %dma_start3A_192] : memref<10240x128xf32, #tpu.memory_space<vmem_shared>> -> memref<10240x128xf32, #tpu.memory_space<vmem_shared>>
        tpu.enqueue_indirect_dma source(%dma_start3A_187 : memref<128x128xf32, #tpu.memory_space<vmem>>) target(%dma_start3A_193 : memref<10240x128xf32, #tpu.memory_space<vmem_shared>>) offsets(%dma_start3A_190 : memref<128xi32, #tpu.memory_space<vmem>>) semaphore(%run_scoped3A_183 : memref<!tpu.dma_semaphore, #tpu.memory_space<semaphore_mem>>) {add = true}
        %dma_wait3A_194 = arith.constant 0 : i32
        %dma_wait3A_195 = arith.constant 0 : i32
        %dma_wait3A_196 = tpu.memref_slice %arg9[%run_scoped3A_140, %dma_wait3A_194, %dma_wait3A_195] : memref<2x128x128xf32, #tpu.memory_space<vmem>> -> memref<1x128x128xf32, #tpu.memory_space<vmem>>
        %dma_wait3A_197 = tpu.memref_squeeze %dma_wait3A_196 : memref<1x128x128xf32, #tpu.memory_space<vmem>> -> memref<128x128xf32, #tpu.memory_space<vmem>>
        %dma_wait3A_198 = arith.constant 0 : i32
        %dma_wait3A_199 = tpu.memref_slice %arg8[%add3A_128, %dma_wait3A_198] : memref<40x128xi32, #tpu.memory_space<vmem>> -> memref<1x128xi32, #tpu.memory_space<vmem>>
        %dma_wait3A_200 = tpu.memref_squeeze %dma_wait3A_199 : memref<1x128xi32, #tpu.memory_space<vmem>> -> memref<128xi32, #tpu.memory_space<vmem>>
        %dma_wait3A_201 = arith.constant 0 : i32
        %dma_wait3A_202 = arith.constant 0 : i32
        %dma_wait3A_203 = tpu.memref_slice %arg10[%dma_wait3A_201, %dma_wait3A_202] : memref<10240x128xf32, #tpu.memory_space<vmem_shared>> -> memref<10240x128xf32, #tpu.memory_space<vmem_shared>>
        tpu.wait_indirect_dma semaphore(%run_scoped3A_183 : memref<!tpu.dma_semaphore, #tpu.memory_space<semaphore_mem>>) src(%dma_wait3A_197 : memref<128x128xf32, #tpu.memory_space<vmem>>) dst(%dma_wait3A_203 : memref<10240x128xf32, #tpu.memory_space<vmem_shared>>)
        tpu.yield
      }) : () -> ()
      %add3A_141 = arith.constant 2 : i32
      %add3A_142 = arith.addi %add3A_128, %add3A_141 : i32
      %dma_start3A_143 = arith.constant 0 : i32
      %dma_start3A_144 = arith.constant 0 : i32
      %dma_start3A_145 = arith.constant 0 : i32
      %dma_start3A_146 = tpu.memref_slice %arg9[%dma_start3A_143, %dma_start3A_144, %dma_start3A_145] : memref<2x128x128xf32, #tpu.memory_space<vmem>> -> memref<1x128x128xf32, #tpu.memory_space<vmem>>
      %dma_start3A_147 = tpu.memref_squeeze %dma_start3A_146 : memref<1x128x128xf32, #tpu.memory_space<vmem>> -> memref<128x128xf32, #tpu.memory_space<vmem>>
      %dma_start3A_148 = arith.constant 0 : i32
      %dma_start3A_149 = tpu.memref_slice %arg7[%add3A_142, %dma_start3A_148] : memref<40x128xi32, #tpu.memory_space<vmem>> -> memref<1x128xi32, #tpu.memory_space<vmem>>
      %dma_start3A_150 = tpu.memref_squeeze %dma_start3A_149 : memref<1x128xi32, #tpu.memory_space<vmem>> -> memref<128xi32, #tpu.memory_space<vmem>>
      %dma_start3A_151 = arith.constant 0 : i32
      %dma_start3A_152 = arith.constant 0 : i32
      %dma_start3A_153 = tpu.memref_slice %arg2[%dma_start3A_151, %dma_start3A_152] : memref<10240x128xf32, #tpu.memory_space<hbm>> -> memref<10240x128xf32, #tpu.memory_space<hbm>>
      tpu.enqueue_indirect_dma source(%dma_start3A_153 : memref<10240x128xf32, #tpu.memory_space<hbm>>) target(%dma_start3A_147 : memref<128x128xf32, #tpu.memory_space<vmem>>) offsets(%dma_start3A_150 : memref<128xi32, #tpu.memory_space<vmem>>) semaphore(%arg11 : memref<!tpu.dma_semaphore, #tpu.memory_space<semaphore_mem>>)
      %mul3A_154 = arith.constant 2 : i32
      %mul3A_155 = arith.muli %scan3A_124, %mul3A_154 : i32
      %add3A_156 = arith.constant 1 : i32
      %add3A_157 = arith.addi %mul3A_155, %add3A_156 : i32
      %dma_wait3A_158 = arith.constant 1 : i32
      %dma_wait3A_159 = arith.constant 0 : i32
      %dma_wait3A_160 = arith.constant 0 : i32
      %dma_wait3A_161 = tpu.memref_slice %arg9[%dma_wait3A_158, %dma_wait3A_159, %dma_wait3A_160] : memref<2x128x128xf32, #tpu.memory_space<vmem>> -> memref<1x128x128xf32, #tpu.memory_space<vmem>>
      %dma_wait3A_162 = tpu.memref_squeeze %dma_wait3A_161 : memref<1x128x128xf32, #tpu.memory_space<vmem>> -> memref<128x128xf32, #tpu.memory_space<vmem>>
      %dma_wait3A_163 = arith.constant 0 : i32
      %dma_wait3A_164 = tpu.memref_slice %arg7[%add3A_157, %dma_wait3A_163] : memref<40x128xi32, #tpu.memory_space<vmem>> -> memref<1x128xi32, #tpu.memory_space<vmem>>
      %dma_wait3A_165 = tpu.memref_squeeze %dma_wait3A_164 : memref<1x128xi32, #tpu.memory_space<vmem>> -> memref<128xi32, #tpu.memory_space<vmem>>
      %dma_wait3A_166 = arith.constant 0 : i32
      %dma_wait3A_167 = arith.constant 0 : i32
      %dma_wait3A_168 = tpu.memref_slice %arg2[%dma_wait3A_166, %dma_wait3A_167] : memref<10240x128xf32, #tpu.memory_space<hbm>> -> memref<10240x128xf32, #tpu.memory_space<hbm>>
      tpu.wait_indirect_dma semaphore(%arg12 : memref<!tpu.dma_semaphore, #tpu.memory_space<semaphore_mem>>) src(%dma_wait3A_168 : memref<10240x128xf32, #tpu.memory_space<hbm>>) dst(%dma_wait3A_162 : memref<128x128xf32, #tpu.memory_space<vmem>>)
      %run_scoped3A_169 = arith.constant 1 : i32
      "tpu.region"() ({
        %run_scoped3A_183 = tpu.sem_alloc : memref<!tpu.dma_semaphore, #tpu.memory_space<semaphore_mem>>
        %dma_start3A_184 = arith.constant 0 : i32
        %dma_start3A_185 = arith.constant 0 : i32
        %dma_start3A_186 = tpu.memref_slice %arg9[%run_scoped3A_169, %dma_start3A_184, %dma_start3A_185] : memref<2x128x128xf32, #tpu.memory_space<vmem>> -> memref<1x128x128xf32, #tpu.memory_space<vmem>>
        %dma_start3A_187 = tpu.memref_squeeze %dma_start3A_186 : memref<1x128x128xf32, #tpu.memory_space<vmem>> -> memref<128x128xf32, #tpu.memory_space<vmem>>
        %dma_start3A_188 = arith.constant 0 : i32
        %dma_start3A_189 = tpu.memref_slice %arg8[%add3A_157, %dma_start3A_188] : memref<40x128xi32, #tpu.memory_space<vmem>> -> memref<1x128xi32, #tpu.memory_space<vmem>>
        %dma_start3A_190 = tpu.memref_squeeze %dma_start3A_189 : memref<1x128xi32, #tpu.memory_space<vmem>> -> memref<128xi32, #tpu.memory_space<vmem>>
        %dma_start3A_191 = arith.constant 0 : i32
        %dma_start3A_192 = arith.constant 0 : i32
        %dma_start3A_193 = tpu.memref_slice %arg10[%dma_start3A_191, %dma_start3A_192] : memref<10240x128xf32, #tpu.memory_space<vmem_shared>> -> memref<10240x128xf32, #tpu.memory_space<vmem_shared>>
        tpu.enqueue_indirect_dma source(%dma_start3A_187 : memref<128x128xf32, #tpu.memory_space<vmem>>) target(%dma_start3A_193 : memref<10240x128xf32, #tpu.memory_space<vmem_shared>>) offsets(%dma_start3A_190 : memref<128xi32, #tpu.memory_space<vmem>>) semaphore(%run_scoped3A_183 : memref<!tpu.dma_semaphore, #tpu.memory_space<semaphore_mem>>) {add = true}
        %dma_wait3A_194 = arith.constant 0 : i32
        %dma_wait3A_195 = arith.constant 0 : i32
        %dma_wait3A_196 = tpu.memref_slice %arg9[%run_scoped3A_169, %dma_wait3A_194, %dma_wait3A_195] : memref<2x128x128xf32, #tpu.memory_space<vmem>> -> memref<1x128x128xf32, #tpu.memory_space<vmem>>
        %dma_wait3A_197 = tpu.memref_squeeze %dma_wait3A_196 : memref<1x128x128xf32, #tpu.memory_space<vmem>> -> memref<128x128xf32, #tpu.memory_space<vmem>>
        %dma_wait3A_198 = arith.constant 0 : i32
        %dma_wait3A_199 = tpu.memref_slice %arg8[%add3A_157, %dma_wait3A_198] : memref<40x128xi32, #tpu.memory_space<vmem>> -> memref<1x128xi32, #tpu.memory_space<vmem>>
        %dma_wait3A_200 = tpu.memref_squeeze %dma_wait3A_199 : memref<1x128xi32, #tpu.memory_space<vmem>> -> memref<128xi32, #tpu.memory_space<vmem>>
        %dma_wait3A_201 = arith.constant 0 : i32
        %dma_wait3A_202 = arith.constant 0 : i32
        %dma_wait3A_203 = tpu.memref_slice %arg10[%dma_wait3A_201, %dma_wait3A_202] : memref<10240x128xf32, #tpu.memory_space<vmem_shared>> -> memref<10240x128xf32, #tpu.memory_space<vmem_shared>>
        tpu.wait_indirect_dma semaphore(%run_scoped3A_183 : memref<!tpu.dma_semaphore, #tpu.memory_space<semaphore_mem>>) src(%dma_wait3A_197 : memref<128x128xf32, #tpu.memory_space<vmem>>) dst(%dma_wait3A_203 : memref<10240x128xf32, #tpu.memory_space<vmem_shared>>)
        tpu.yield
      }) : () -> ()
      %add3A_170 = arith.constant 2 : i32
      %add3A_171 = arith.addi %add3A_157, %add3A_170 : i32
      %dma_start3A_172 = arith.constant 1 : i32
      %dma_start3A_173 = arith.constant 0 : i32
      %dma_start3A_174 = arith.constant 0 : i32
      %dma_start3A_175 = tpu.memref_slice %arg9[%dma_start3A_172, %dma_start3A_173, %dma_start3A_174] : memref<2x128x128xf32, #tpu.memory_space<vmem>> -> memref<1x128x128xf32, #tpu.memory_space<vmem>>
      %dma_start3A_176 = tpu.memref_squeeze %dma_start3A_175 : memref<1x128x128xf32, #tpu.memory_space<vmem>> -> memref<128x128xf32, #tpu.memory_space<vmem>>
      %dma_start3A_177 = arith.constant 0 : i32
      %dma_start3A_178 = tpu.memref_slice %arg7[%add3A_171, %dma_start3A_177] : memref<40x128xi32, #tpu.memory_space<vmem>> -> memref<1x128xi32, #tpu.memory_space<vmem>>
      %dma_start3A_179 = tpu.memref_squeeze %dma_start3A_178 : memref<1x128xi32, #tpu.memory_space<vmem>> -> memref<128xi32, #tpu.memory_space<vmem>>
      %dma_start3A_180 = arith.constant 0 : i32
      %dma_start3A_181 = arith.constant 0 : i32
      %dma_start3A_182 = tpu.memref_slice %arg2[%dma_start3A_180, %dma_start3A_181] : memref<10240x128xf32, #tpu.memory_space<hbm>> -> memref<10240x128xf32, #tpu.memory_space<hbm>>
      tpu.enqueue_indirect_dma source(%dma_start3A_182 : memref<10240x128xf32, #tpu.memory_space<hbm>>) target(%dma_start3A_176 : memref<128x128xf32, #tpu.memory_space<vmem>>) offsets(%dma_start3A_179 : memref<128xi32, #tpu.memory_space<vmem>>) semaphore(%arg12 : memref<!tpu.dma_semaphore, #tpu.memory_space<semaphore_mem>>)
    }
    %scan3A_31 = arith.constant 19 : i32
    %dma_wait3A = arith.constant 38 : i32
    %dma_wait3A_32 = arith.constant 0 : i32
    %dma_wait3A_33 = arith.constant 0 : i32
    %dma_wait3A_34 = arith.constant 0 : i32
    %dma_wait3A_35 = tpu.memref_slice %arg9[%dma_wait3A_32, %dma_wait3A_33, %dma_wait3A_34] : memref<2x128x128xf32, #tpu.memory_space<vmem>> -> memref<1x128x128xf32, #tpu.memory_space<vmem>>
    %dma_wait3A_36 = tpu.memref_squeeze %dma_wait3A_35 : memref<1x128x128xf32, #tpu.memory_space<vmem>> -> memref<128x128xf32, #tpu.memory_space<vmem>>
    %dma_wait3A_37 = arith.constant 0 : i32
    %dma_wait3A_38 = tpu.memref_slice %arg7[%dma_wait3A, %dma_wait3A_37] : memref<40x128xi32, #tpu.memory_space<vmem>> -> memref<1x128xi32, #tpu.memory_space<vmem>>
    %dma_wait3A_39 = tpu.memref_squeeze %dma_wait3A_38 : memref<1x128xi32, #tpu.memory_space<vmem>> -> memref<128xi32, #tpu.memory_space<vmem>>
    %dma_wait3A_40 = arith.constant 0 : i32
    %dma_wait3A_41 = arith.constant 0 : i32
    %dma_wait3A_42 = tpu.memref_slice %arg2[%dma_wait3A_40, %dma_wait3A_41] : memref<10240x128xf32, #tpu.memory_space<hbm>> -> memref<10240x128xf32, #tpu.memory_space<hbm>>
    tpu.wait_indirect_dma semaphore(%arg11 : memref<!tpu.dma_semaphore, #tpu.memory_space<semaphore_mem>>) src(%dma_wait3A_42 : memref<10240x128xf32, #tpu.memory_space<hbm>>) dst(%dma_wait3A_36 : memref<128x128xf32, #tpu.memory_space<vmem>>)
    %run_scoped3A_43 = arith.constant 0 : i32
    %run_scoped3A_44 = arith.constant 38 : i32
    "tpu.region"() ({
      %run_scoped3A_124 = tpu.sem_alloc : memref<!tpu.dma_semaphore, #tpu.memory_space<semaphore_mem>>
      %dma_start3A_125 = arith.constant 0 : i32
      %dma_start3A_126 = arith.constant 0 : i32
      %dma_start3A_127 = tpu.memref_slice %arg9[%run_scoped3A_43, %dma_start3A_125, %dma_start3A_126] : memref<2x128x128xf32, #tpu.memory_space<vmem>> -> memref<1x128x128xf32, #tpu.memory_space<vmem>>
      %dma_start3A_128 = tpu.memref_squeeze %dma_start3A_127 : memref<1x128x128xf32, #tpu.memory_space<vmem>> -> memref<128x128xf32, #tpu.memory_space<vmem>>
      %dma_start3A_129 = arith.constant 0 : i32
      %dma_start3A_130 = tpu.memref_slice %arg8[%run_scoped3A_44, %dma_start3A_129] : memref<40x128xi32, #tpu.memory_space<vmem>> -> memref<1x128xi32, #tpu.memory_space<vmem>>
      %dma_start3A_131 = tpu.memref_squeeze %dma_start3A_130 : memref<1x128xi32, #tpu.memory_space<vmem>> -> memref<128xi32, #tpu.memory_space<vmem>>
      %dma_start3A_132 = arith.constant 0 : i32
      %dma_start3A_133 = arith.constant 0 : i32
      %dma_start3A_134 = tpu.memref_slice %arg10[%dma_start3A_132, %dma_start3A_133] : memref<10240x128xf32, #tpu.memory_space<vmem_shared>> -> memref<10240x128xf32, #tpu.memory_space<vmem_shared>>
      tpu.enqueue_indirect_dma source(%dma_start3A_128 : memref<128x128xf32, #tpu.memory_space<vmem>>) target(%dma_start3A_134 : memref<10240x128xf32, #tpu.memory_space<vmem_shared>>) offsets(%dma_start3A_131 : memref<128xi32, #tpu.memory_space<vmem>>) semaphore(%run_scoped3A_124 : memref<!tpu.dma_semaphore, #tpu.memory_space<semaphore_mem>>) {add = true}
      %dma_wait3A_135 = arith.constant 0 : i32
      %dma_wait3A_136 = arith.constant 0 : i32
      %dma_wait3A_137 = tpu.memref_slice %arg9[%run_scoped3A_43, %dma_wait3A_135, %dma_wait3A_136] : memref<2x128x128xf32, #tpu.memory_space<vmem>> -> memref<1x128x128xf32, #tpu.memory_space<vmem>>
      %dma_wait3A_138 = tpu.memref_squeeze %dma_wait3A_137 : memref<1x128x128xf32, #tpu.memory_space<vmem>> -> memref<128x128xf32, #tpu.memory_space<vmem>>
      %dma_wait3A_139 = arith.constant 0 : i32
      %dma_wait3A_140 = tpu.memref_slice %arg8[%run_scoped3A_44, %dma_wait3A_139] : memref<40x128xi32, #tpu.memory_space<vmem>> -> memref<1x128xi32, #tpu.memory_space<vmem>>
      %dma_wait3A_141 = tpu.memref_squeeze %dma_wait3A_140 : memref<1x128xi32, #tpu.memory_space<vmem>> -> memref<128xi32, #tpu.memory_space<vmem>>
      %dma_wait3A_142 = arith.constant 0 : i32
      %dma_wait3A_143 = arith.constant 0 : i32
      %dma_wait3A_144 = tpu.memref_slice %arg10[%dma_wait3A_142, %dma_wait3A_143] : memref<10240x128xf32, #tpu.memory_space<vmem_shared>> -> memref<10240x128xf32, #tpu.memory_space<vmem_shared>>
      tpu.wait_indirect_dma semaphore(%run_scoped3A_124 : memref<!tpu.dma_semaphore, #tpu.memory_space<semaphore_mem>>) src(%dma_wait3A_138 : memref<128x128xf32, #tpu.memory_space<vmem>>) dst(%dma_wait3A_144 : memref<10240x128xf32, #tpu.memory_space<vmem_shared>>)
      tpu.yield
    }) : () -> ()
    %dma_wait3A_45 = arith.constant 39 : i32
    %dma_wait3A_46 = arith.constant 1 : i32
    %dma_wait3A_47 = arith.constant 0 : i32
    %dma_wait3A_48 = arith.constant 0 : i32
    %dma_wait3A_49 = tpu.memref_slice %arg9[%dma_wait3A_46, %dma_wait3A_47, %dma_wait3A_48] : memref<2x128x128xf32, #tpu.memory_space<vmem>> -> memref<1x128x128xf32, #tpu.memory_space<vmem>>
    %dma_wait3A_50 = tpu.memref_squeeze %dma_wait3A_49 : memref<1x128x128xf32, #tpu.memory_space<vmem>> -> memref<128x128xf32, #tpu.memory_space<vmem>>
    %dma_wait3A_51 = arith.constant 0 : i32
    %dma_wait3A_52 = tpu.memref_slice %arg7[%dma_wait3A_45, %dma_wait3A_51] : memref<40x128xi32, #tpu.memory_space<vmem>> -> memref<1x128xi32, #tpu.memory_space<vmem>>
    %dma_wait3A_53 = tpu.memref_squeeze %dma_wait3A_52 : memref<1x128xi32, #tpu.memory_space<vmem>> -> memref<128xi32, #tpu.memory_space<vmem>>
    %dma_wait3A_54 = arith.constant 0 : i32
    %dma_wait3A_55 = arith.constant 0 : i32
    %dma_wait3A_56 = tpu.memref_slice %arg2[%dma_wait3A_54, %dma_wait3A_55] : memref<10240x128xf32, #tpu.memory_space<hbm>> -> memref<10240x128xf32, #tpu.memory_space<hbm>>
    tpu.wait_indirect_dma semaphore(%arg12 : memref<!tpu.dma_semaphore, #tpu.memory_space<semaphore_mem>>) src(%dma_wait3A_56 : memref<10240x128xf32, #tpu.memory_space<hbm>>) dst(%dma_wait3A_50 : memref<128x128xf32, #tpu.memory_space<vmem>>)
    %run_scoped3A_57 = arith.constant 1 : i32
    %run_scoped3A_58 = arith.constant 39 : i32
    "tpu.region"() ({
      %run_scoped3A_124 = tpu.sem_alloc : memref<!tpu.dma_semaphore, #tpu.memory_space<semaphore_mem>>
      %dma_start3A_125 = arith.constant 0 : i32
      %dma_start3A_126 = arith.constant 0 : i32
      %dma_start3A_127 = tpu.memref_slice %arg9[%run_scoped3A_57, %dma_start3A_125, %dma_start3A_126] : memref<2x128x128xf32, #tpu.memory_space<vmem>> -> memref<1x128x128xf32, #tpu.memory_space<vmem>>
      %dma_start3A_128 = tpu.memref_squeeze %dma_start3A_127 : memref<1x128x128xf32, #tpu.memory_space<vmem>> -> memref<128x128xf32, #tpu.memory_space<vmem>>
      %dma_start3A_129 = arith.constant 0 : i32
      %dma_start3A_130 = tpu.memref_slice %arg8[%run_scoped3A_58, %dma_start3A_129] : memref<40x128xi32, #tpu.memory_space<vmem>> -> memref<1x128xi32, #tpu.memory_space<vmem>>
      %dma_start3A_131 = tpu.memref_squeeze %dma_start3A_130 : memref<1x128xi32, #tpu.memory_space<vmem>> -> memref<128xi32, #tpu.memory_space<vmem>>
      %dma_start3A_132 = arith.constant 0 : i32
      %dma_start3A_133 = arith.constant 0 : i32
      %dma_start3A_134 = tpu.memref_slice %arg10[%dma_start3A_132, %dma_start3A_133] : memref<10240x128xf32, #tpu.memory_space<vmem_shared>> -> memref<10240x128xf32, #tpu.memory_space<vmem_shared>>
      tpu.enqueue_indirect_dma source(%dma_start3A_128 : memref<128x128xf32, #tpu.memory_space<vmem>>) target(%dma_start3A_134 : memref<10240x128xf32, #tpu.memory_space<vmem_shared>>) offsets(%dma_start3A_131 : memref<128xi32, #tpu.memory_space<vmem>>) semaphore(%run_scoped3A_124 : memref<!tpu.dma_semaphore, #tpu.memory_space<semaphore_mem>>) {add = true}
      %dma_wait3A_135 = arith.constant 0 : i32
      %dma_wait3A_136 = arith.constant 0 : i32
      %dma_wait3A_137 = tpu.memref_slice %arg9[%run_scoped3A_57, %dma_wait3A_135, %dma_wait3A_136] : memref<2x128x128xf32, #tpu.memory_space<vmem>> -> memref<1x128x128xf32, #tpu.memory_space<vmem>>
      %dma_wait3A_138 = tpu.memref_squeeze %dma_wait3A_137 : memref<1x128x128xf32, #tpu.memory_space<vmem>> -> memref<128x128xf32, #tpu.memory_space<vmem>>
      %dma_wait3A_139 = arith.constant 0 : i32
      %dma_wait3A_140 = tpu.memref_slice %arg8[%run_scoped3A_58, %dma_wait3A_139] : memref<40x128xi32, #tpu.memory_space<vmem>> -> memref<1x128xi32, #tpu.memory_space<vmem>>
      %dma_wait3A_141 = tpu.memref_squeeze %dma_wait3A_140 : memref<1x128xi32, #tpu.memory_space<vmem>> -> memref<128xi32, #tpu.memory_space<vmem>>
      %dma_wait3A_142 = arith.constant 0 : i32
      %dma_wait3A_143 = arith.constant 0 : i32
      %dma_wait3A_144 = tpu.memref_slice %arg10[%dma_wait3A_142, %dma_wait3A_143] : memref<10240x128xf32, #tpu.memory_space<vmem_shared>> -> memref<10240x128xf32, #tpu.memory_space<vmem_shared>>
      tpu.wait_indirect_dma semaphore(%run_scoped3A_124 : memref<!tpu.dma_semaphore, #tpu.memory_space<semaphore_mem>>) src(%dma_wait3A_138 : memref<128x128xf32, #tpu.memory_space<vmem>>) dst(%dma_wait3A_144 : memref<10240x128xf32, #tpu.memory_space<vmem_shared>>)
      tpu.yield
    }) : () -> ()
    %run_scoped3A_59 = arith.constant 1 : i32
    "tpu.region"() ({
      %run_scoped3A_124 = tpu.sem_alloc : memref<!tpu.dma_semaphore, #tpu.memory_space<semaphore_mem>>
      %dma_start3A_125 = arith.constant 0 : i32
      %dma_start3A_126 = arith.constant 0 : i32
      %dma_start3A_127 = tpu.memref_slice %arg3[%add3A, %run_scoped3A_59, %dma_start3A_125, %dma_start3A_126] : memref<32x2x40x128xi32, #tpu.memory_space<hbm>> -> memref<1x1x40x128xi32, #tpu.memory_space<hbm>>
      %dma_start3A_128 = tpu.memref_squeeze %dma_start3A_127 : memref<1x1x40x128xi32, #tpu.memory_space<hbm>> -> memref<40x128xi32, #tpu.memory_space<hbm>>
      %dma_start3A_129 = arith.constant 0 : i32
      %dma_start3A_130 = arith.constant 0 : i32
      %dma_start3A_131 = tpu.memref_slice %arg3[%add3A, %run_scoped3A_59, %dma_start3A_129, %dma_start3A_130] : memref<32x2x40x128xi32, #tpu.memory_space<hbm>> -> memref<1x1x40x128xi32, #tpu.memory_space<hbm>>
      %dma_start3A_132 = tpu.memref_squeeze %dma_start3A_131 : memref<1x1x40x128xi32, #tpu.memory_space<hbm>> -> memref<40x128xi32, #tpu.memory_space<hbm>>
      tpu.enqueue_dma source(%dma_start3A_132 : memref<40x128xi32, #tpu.memory_space<hbm>>) target(%arg7 : memref<40x128xi32, #tpu.memory_space<vmem>>) target_semaphore(%run_scoped3A_124 : memref<!tpu.dma_semaphore, #tpu.memory_space<semaphore_mem>>)
      %dma_wait3A_133 = arith.constant 0 : i32
      %dma_wait3A_134 = arith.constant 0 : i32
      %dma_wait3A_135 = tpu.memref_slice %arg3[%add3A, %run_scoped3A_59, %dma_wait3A_133, %dma_wait3A_134] : memref<32x2x40x128xi32, #tpu.memory_space<hbm>> -> memref<1x1x40x128xi32, #tpu.memory_space<hbm>>
      %dma_wait3A_136 = tpu.memref_squeeze %dma_wait3A_135 : memref<1x1x40x128xi32, #tpu.memory_space<hbm>> -> memref<40x128xi32, #tpu.memory_space<hbm>>
      %dma_wait3A_137 = arith.constant 0 : i32
      %dma_wait3A_138 = arith.constant 0 : i32
      %dma_wait3A_139 = tpu.memref_slice %arg3[%add3A, %run_scoped3A_59, %dma_wait3A_137, %dma_wait3A_138] : memref<32x2x40x128xi32, #tpu.memory_space<hbm>> -> memref<1x1x40x128xi32, #tpu.memory_space<hbm>>
      %dma_wait3A_140 = tpu.memref_squeeze %dma_wait3A_139 : memref<1x1x40x128xi32, #tpu.memory_space<hbm>> -> memref<40x128xi32, #tpu.memory_space<hbm>>
      tpu.wait_dma2 semaphore(%run_scoped3A_124 : memref<!tpu.dma_semaphore, #tpu.memory_space<semaphore_mem>>) src(%dma_wait3A_140 : memref<40x128xi32, #tpu.memory_space<hbm>>) dst(%arg7 : memref<40x128xi32, #tpu.memory_space<vmem>>)
      tpu.yield
    }) : () -> ()
    %run_scoped3A_60 = arith.constant 1 : i32
    "tpu.region"() ({
      %run_scoped3A_124 = tpu.sem_alloc : memref<!tpu.dma_semaphore, #tpu.memory_space<semaphore_mem>>
      %dma_start3A_125 = arith.constant 0 : i32
      %dma_start3A_126 = arith.constant 0 : i32
      %dma_start3A_127 = tpu.memref_slice %arg4[%add3A, %run_scoped3A_60, %dma_start3A_125, %dma_start3A_126] : memref<32x2x40x128xi32, #tpu.memory_space<hbm>> -> memref<1x1x40x128xi32, #tpu.memory_space<hbm>>
      %dma_start3A_128 = tpu.memref_squeeze %dma_start3A_127 : memref<1x1x40x128xi32, #tpu.memory_space<hbm>> -> memref<40x128xi32, #tpu.memory_space<hbm>>
      %dma_start3A_129 = arith.constant 0 : i32
      %dma_start3A_130 = arith.constant 0 : i32
      %dma_start3A_131 = tpu.memref_slice %arg4[%add3A, %run_scoped3A_60, %dma_start3A_129, %dma_start3A_130] : memref<32x2x40x128xi32, #tpu.memory_space<hbm>> -> memref<1x1x40x128xi32, #tpu.memory_space<hbm>>
      %dma_start3A_132 = tpu.memref_squeeze %dma_start3A_131 : memref<1x1x40x128xi32, #tpu.memory_space<hbm>> -> memref<40x128xi32, #tpu.memory_space<hbm>>
      tpu.enqueue_dma source(%dma_start3A_132 : memref<40x128xi32, #tpu.memory_space<hbm>>) target(%arg8 : memref<40x128xi32, #tpu.memory_space<vmem>>) target_semaphore(%run_scoped3A_124 : memref<!tpu.dma_semaphore, #tpu.memory_space<semaphore_mem>>)
      %dma_wait3A_133 = arith.constant 0 : i32
      %dma_wait3A_134 = arith.constant 0 : i32
      %dma_wait3A_135 = tpu.memref_slice %arg4[%add3A, %run_scoped3A_60, %dma_wait3A_133, %dma_wait3A_134] : memref<32x2x40x128xi32, #tpu.memory_space<hbm>> -> memref<1x1x40x128xi32, #tpu.memory_space<hbm>>
      %dma_wait3A_136 = tpu.memref_squeeze %dma_wait3A_135 : memref<1x1x40x128xi32, #tpu.memory_space<hbm>> -> memref<40x128xi32, #tpu.memory_space<hbm>>
      %dma_wait3A_137 = arith.constant 0 : i32
      %dma_wait3A_138 = arith.constant 0 : i32
      %dma_wait3A_139 = tpu.memref_slice %arg4[%add3A, %run_scoped3A_60, %dma_wait3A_137, %dma_wait3A_138] : memref<32x2x40x128xi32, #tpu.memory_space<hbm>> -> memref<1x1x40x128xi32, #tpu.memory_space<hbm>>
      %dma_wait3A_140 = tpu.memref_squeeze %dma_wait3A_139 : memref<1x1x40x128xi32, #tpu.memory_space<hbm>> -> memref<40x128xi32, #tpu.memory_space<hbm>>
      tpu.wait_dma2 semaphore(%run_scoped3A_124 : memref<!tpu.dma_semaphore, #tpu.memory_space<semaphore_mem>>) src(%dma_wait3A_140 : memref<40x128xi32, #tpu.memory_space<hbm>>) dst(%arg8 : memref<40x128xi32, #tpu.memory_space<vmem>>)
      tpu.yield
    }) : () -> ()
    %dma_start3A_61 = arith.constant 0 : i32
    %dma_start3A_62 = arith.constant 0 : i32
    %dma_start3A_63 = arith.constant 0 : i32
    %dma_start3A_64 = arith.constant 0 : i32
    %dma_start3A_65 = tpu.memref_slice %arg9[%dma_start3A_62, %dma_start3A_63, %dma_start3A_64] : memref<2x128x128xf32, #tpu.memory_space<vmem>> -> memref<1x128x128xf32, #tpu.memory_space<vmem>>
    %dma_start3A_66 = tpu.memref_squeeze %dma_start3A_65 : memref<1x128x128xf32, #tpu.memory_space<vmem>> -> memref<128x128xf32, #tpu.memory_space<vmem>>
    %dma_start3A_67 = arith.constant 0 : i32
    %dma_start3A_68 = tpu.memref_slice %arg7[%dma_start3A_61, %dma_start3A_67] : memref<40x128xi32, #tpu.memory_space<vmem>> -> memref<1x128xi32, #tpu.memory_space<vmem>>
    %dma_start3A_69 = tpu.memref_squeeze %dma_start3A_68 : memref<1x128xi32, #tpu.memory_space<vmem>> -> memref<128xi32, #tpu.memory_space<vmem>>
    %dma_start3A_70 = arith.constant 0 : i32
    %dma_start3A_71 = arith.constant 0 : i32
    %dma_start3A_72 = tpu.memref_slice %arg2[%dma_start3A_70, %dma_start3A_71] : memref<10240x128xf32, #tpu.memory_space<hbm>> -> memref<10240x128xf32, #tpu.memory_space<hbm>>
    tpu.enqueue_indirect_dma source(%dma_start3A_72 : memref<10240x128xf32, #tpu.memory_space<hbm>>) target(%dma_start3A_66 : memref<128x128xf32, #tpu.memory_space<vmem>>) offsets(%dma_start3A_69 : memref<128xi32, #tpu.memory_space<vmem>>) semaphore(%arg11 : memref<!tpu.dma_semaphore, #tpu.memory_space<semaphore_mem>>)
    %dma_start3A_73 = arith.constant 1 : i32
    %dma_start3A_74 = arith.constant 1 : i32
    %dma_start3A_75 = arith.constant 0 : i32
    %dma_start3A_76 = arith.constant 0 : i32
    %dma_start3A_77 = tpu.memref_slice %arg9[%dma_start3A_74, %dma_start3A_75, %dma_start3A_76] : memref<2x128x128xf32, #tpu.memory_space<vmem>> -> memref<1x128x128xf32, #tpu.memory_space<vmem>>
    %dma_start3A_78 = tpu.memref_squeeze %dma_start3A_77 : memref<1x128x128xf32, #tpu.memory_space<vmem>> -> memref<128x128xf32, #tpu.memory_space<vmem>>
    %dma_start3A_79 = arith.constant 0 : i32
    %dma_start3A_80 = tpu.memref_slice %arg7[%dma_start3A_73, %dma_start3A_79] : memref<40x128xi32, #tpu.memory_space<vmem>> -> memref<1x128xi32, #tpu.memory_space<vmem>>
    %dma_start3A_81 = tpu.memref_squeeze %dma_start3A_80 : memref<1x128xi32, #tpu.memory_space<vmem>> -> memref<128xi32, #tpu.memory_space<vmem>>
    %dma_start3A_82 = arith.constant 0 : i32
    %dma_start3A_83 = arith.constant 0 : i32
    %dma_start3A_84 = tpu.memref_slice %arg2[%dma_start3A_82, %dma_start3A_83] : memref<10240x128xf32, #tpu.memory_space<hbm>> -> memref<10240x128xf32, #tpu.memory_space<hbm>>
    tpu.enqueue_indirect_dma source(%dma_start3A_84 : memref<10240x128xf32, #tpu.memory_space<hbm>>) target(%dma_start3A_78 : memref<128x128xf32, #tpu.memory_space<vmem>>) offsets(%dma_start3A_81 : memref<128xi32, #tpu.memory_space<vmem>>) semaphore(%arg12 : memref<!tpu.dma_semaphore, #tpu.memory_space<semaphore_mem>>)
    %scan3A_85 = arith.constant 0 : i32
    %scan3A_86 = arith.constant 0 : i32
    %scan3A_87 = arith.constant 19 : i32
    %scan3A_88 = arith.addi %scan3A_86, %scan3A_87 : i32
    %scan3A_89 = arith.constant 1 : i32
    scf.for %scan3A_124 = %scan3A_86 to %scan3A_88 step %scan3A_89  : i32 {
      %mul3A_125 = arith.constant 2 : i32
      %mul3A_126 = arith.muli %scan3A_124, %mul3A_125 : i32
      %add3A_127 = arith.constant 0 : i32
      %add3A_128 = arith.addi %mul3A_126, %add3A_127 : i32
      %dma_wait3A_129 = arith.constant 0 : i32
      %dma_wait3A_130 = arith.constant 0 : i32
      %dma_wait3A_131 = arith.constant 0 : i32
      %dma_wait3A_132 = tpu.memref_slice %arg9[%dma_wait3A_129, %dma_wait3A_130, %dma_wait3A_131] : memref<2x128x128xf32, #tpu.memory_space<vmem>> -> memref<1x128x128xf32, #tpu.memory_space<vmem>>
      %dma_wait3A_133 = tpu.memref_squeeze %dma_wait3A_132 : memref<1x128x128xf32, #tpu.memory_space<vmem>> -> memref<128x128xf32, #tpu.memory_space<vmem>>
      %dma_wait3A_134 = arith.constant 0 : i32
      %dma_wait3A_135 = tpu.memref_slice %arg7[%add3A_128, %dma_wait3A_134] : memref<40x128xi32, #tpu.memory_space<vmem>> -> memref<1x128xi32, #tpu.memory_space<vmem>>
      %dma_wait3A_136 = tpu.memref_squeeze %dma_wait3A_135 : memref<1x128xi32, #tpu.memory_space<vmem>> -> memref<128xi32, #tpu.memory_space<vmem>>
      %dma_wait3A_137 = arith.constant 0 : i32
      %dma_wait3A_138 = arith.constant 0 : i32
      %dma_wait3A_139 = tpu.memref_slice %arg2[%dma_wait3A_137, %dma_wait3A_138] : memref<10240x128xf32, #tpu.memory_space<hbm>> -> memref<10240x128xf32, #tpu.memory_space<hbm>>
      tpu.wait_indirect_dma semaphore(%arg11 : memref<!tpu.dma_semaphore, #tpu.memory_space<semaphore_mem>>) src(%dma_wait3A_139 : memref<10240x128xf32, #tpu.memory_space<hbm>>) dst(%dma_wait3A_133 : memref<128x128xf32, #tpu.memory_space<vmem>>)
      %run_scoped3A_140 = arith.constant 0 : i32
      "tpu.region"() ({
        %run_scoped3A_183 = tpu.sem_alloc : memref<!tpu.dma_semaphore, #tpu.memory_space<semaphore_mem>>
        %dma_start3A_184 = arith.constant 0 : i32
        %dma_start3A_185 = arith.constant 0 : i32
        %dma_start3A_186 = tpu.memref_slice %arg9[%run_scoped3A_140, %dma_start3A_184, %dma_start3A_185] : memref<2x128x128xf32, #tpu.memory_space<vmem>> -> memref<1x128x128xf32, #tpu.memory_space<vmem>>
        %dma_start3A_187 = tpu.memref_squeeze %dma_start3A_186 : memref<1x128x128xf32, #tpu.memory_space<vmem>> -> memref<128x128xf32, #tpu.memory_space<vmem>>
        %dma_start3A_188 = arith.constant 0 : i32
        %dma_start3A_189 = tpu.memref_slice %arg8[%add3A_128, %dma_start3A_188] : memref<40x128xi32, #tpu.memory_space<vmem>> -> memref<1x128xi32, #tpu.memory_space<vmem>>
        %dma_start3A_190 = tpu.memref_squeeze %dma_start3A_189 : memref<1x128xi32, #tpu.memory_space<vmem>> -> memref<128xi32, #tpu.memory_space<vmem>>
        %dma_start3A_191 = arith.constant 0 : i32
        %dma_start3A_192 = arith.constant 0 : i32
        %dma_start3A_193 = tpu.memref_slice %arg10[%dma_start3A_191, %dma_start3A_192] : memref<10240x128xf32, #tpu.memory_space<vmem_shared>> -> memref<10240x128xf32, #tpu.memory_space<vmem_shared>>
        tpu.enqueue_indirect_dma source(%dma_start3A_187 : memref<128x128xf32, #tpu.memory_space<vmem>>) target(%dma_start3A_193 : memref<10240x128xf32, #tpu.memory_space<vmem_shared>>) offsets(%dma_start3A_190 : memref<128xi32, #tpu.memory_space<vmem>>) semaphore(%run_scoped3A_183 : memref<!tpu.dma_semaphore, #tpu.memory_space<semaphore_mem>>) {add = true}
        %dma_wait3A_194 = arith.constant 0 : i32
        %dma_wait3A_195 = arith.constant 0 : i32
        %dma_wait3A_196 = tpu.memref_slice %arg9[%run_scoped3A_140, %dma_wait3A_194, %dma_wait3A_195] : memref<2x128x128xf32, #tpu.memory_space<vmem>> -> memref<1x128x128xf32, #tpu.memory_space<vmem>>
        %dma_wait3A_197 = tpu.memref_squeeze %dma_wait3A_196 : memref<1x128x128xf32, #tpu.memory_space<vmem>> -> memref<128x128xf32, #tpu.memory_space<vmem>>
        %dma_wait3A_198 = arith.constant 0 : i32
        %dma_wait3A_199 = tpu.memref_slice %arg8[%add3A_128, %dma_wait3A_198] : memref<40x128xi32, #tpu.memory_space<vmem>> -> memref<1x128xi32, #tpu.memory_space<vmem>>
        %dma_wait3A_200 = tpu.memref_squeeze %dma_wait3A_199 : memref<1x128xi32, #tpu.memory_space<vmem>> -> memref<128xi32, #tpu.memory_space<vmem>>
        %dma_wait3A_201 = arith.constant 0 : i32
        %dma_wait3A_202 = arith.constant 0 : i32
        %dma_wait3A_203 = tpu.memref_slice %arg10[%dma_wait3A_201, %dma_wait3A_202] : memref<10240x128xf32, #tpu.memory_space<vmem_shared>> -> memref<10240x128xf32, #tpu.memory_space<vmem_shared>>
        tpu.wait_indirect_dma semaphore(%run_scoped3A_183 : memref<!tpu.dma_semaphore, #tpu.memory_space<semaphore_mem>>) src(%dma_wait3A_197 : memref<128x128xf32, #tpu.memory_space<vmem>>) dst(%dma_wait3A_203 : memref<10240x128xf32, #tpu.memory_space<vmem_shared>>)
        tpu.yield
      }) : () -> ()
      %add3A_141 = arith.constant 2 : i32
      %add3A_142 = arith.addi %add3A_128, %add3A_141 : i32
      %dma_start3A_143 = arith.constant 0 : i32
      %dma_start3A_144 = arith.constant 0 : i32
      %dma_start3A_145 = arith.constant 0 : i32
      %dma_start3A_146 = tpu.memref_slice %arg9[%dma_start3A_143, %dma_start3A_144, %dma_start3A_145] : memref<2x128x128xf32, #tpu.memory_space<vmem>> -> memref<1x128x128xf32, #tpu.memory_space<vmem>>
      %dma_start3A_147 = tpu.memref_squeeze %dma_start3A_146 : memref<1x128x128xf32, #tpu.memory_space<vmem>> -> memref<128x128xf32, #tpu.memory_space<vmem>>
      %dma_start3A_148 = arith.constant 0 : i32
      %dma_start3A_149 = tpu.memref_slice %arg7[%add3A_142, %dma_start3A_148] : memref<40x128xi32, #tpu.memory_space<vmem>> -> memref<1x128xi32, #tpu.memory_space<vmem>>
      %dma_start3A_150 = tpu.memref_squeeze %dma_start3A_149 : memref<1x128xi32, #tpu.memory_space<vmem>> -> memref<128xi32, #tpu.memory_space<vmem>>
      %dma_start3A_151 = arith.constant 0 : i32
      %dma_start3A_152 = arith.constant 0 : i32
      %dma_start3A_153 = tpu.memref_slice %arg2[%dma_start3A_151, %dma_start3A_152] : memref<10240x128xf32, #tpu.memory_space<hbm>> -> memref<10240x128xf32, #tpu.memory_space<hbm>>
      tpu.enqueue_indirect_dma source(%dma_start3A_153 : memref<10240x128xf32, #tpu.memory_space<hbm>>) target(%dma_start3A_147 : memref<128x128xf32, #tpu.memory_space<vmem>>) offsets(%dma_start3A_150 : memref<128xi32, #tpu.memory_space<vmem>>) semaphore(%arg11 : memref<!tpu.dma_semaphore, #tpu.memory_space<semaphore_mem>>)
      %mul3A_154 = arith.constant 2 : i32
      %mul3A_155 = arith.muli %scan3A_124, %mul3A_154 : i32
      %add3A_156 = arith.constant 1 : i32
      %add3A_157 = arith.addi %mul3A_155, %add3A_156 : i32
      %dma_wait3A_158 = arith.constant 1 : i32
      %dma_wait3A_159 = arith.constant 0 : i32
      %dma_wait3A_160 = arith.constant 0 : i32
      %dma_wait3A_161 = tpu.memref_slice %arg9[%dma_wait3A_158, %dma_wait3A_159, %dma_wait3A_160] : memref<2x128x128xf32, #tpu.memory_space<vmem>> -> memref<1x128x128xf32, #tpu.memory_space<vmem>>
      %dma_wait3A_162 = tpu.memref_squeeze %dma_wait3A_161 : memref<1x128x128xf32, #tpu.memory_space<vmem>> -> memref<128x128xf32, #tpu.memory_space<vmem>>
      %dma_wait3A_163 = arith.constant 0 : i32
      %dma_wait3A_164 = tpu.memref_slice %arg7[%add3A_157, %dma_wait3A_163] : memref<40x128xi32, #tpu.memory_space<vmem>> -> memref<1x128xi32, #tpu.memory_space<vmem>>
      %dma_wait3A_165 = tpu.memref_squeeze %dma_wait3A_164 : memref<1x128xi32, #tpu.memory_space<vmem>> -> memref<128xi32, #tpu.memory_space<vmem>>
      %dma_wait3A_166 = arith.constant 0 : i32
      %dma_wait3A_167 = arith.constant 0 : i32
      %dma_wait3A_168 = tpu.memref_slice %arg2[%dma_wait3A_166, %dma_wait3A_167] : memref<10240x128xf32, #tpu.memory_space<hbm>> -> memref<10240x128xf32, #tpu.memory_space<hbm>>
      tpu.wait_indirect_dma semaphore(%arg12 : memref<!tpu.dma_semaphore, #tpu.memory_space<semaphore_mem>>) src(%dma_wait3A_168 : memref<10240x128xf32, #tpu.memory_space<hbm>>) dst(%dma_wait3A_162 : memref<128x128xf32, #tpu.memory_space<vmem>>)
      %run_scoped3A_169 = arith.constant 1 : i32
      "tpu.region"() ({
        %run_scoped3A_183 = tpu.sem_alloc : memref<!tpu.dma_semaphore, #tpu.memory_space<semaphore_mem>>
        %dma_start3A_184 = arith.constant 0 : i32
        %dma_start3A_185 = arith.constant 0 : i32
        %dma_start3A_186 = tpu.memref_slice %arg9[%run_scoped3A_169, %dma_start3A_184, %dma_start3A_185] : memref<2x128x128xf32, #tpu.memory_space<vmem>> -> memref<1x128x128xf32, #tpu.memory_space<vmem>>
        %dma_start3A_187 = tpu.memref_squeeze %dma_start3A_186 : memref<1x128x128xf32, #tpu.memory_space<vmem>> -> memref<128x128xf32, #tpu.memory_space<vmem>>
        %dma_start3A_188 = arith.constant 0 : i32
        %dma_start3A_189 = tpu.memref_slice %arg8[%add3A_157, %dma_start3A_188] : memref<40x128xi32, #tpu.memory_space<vmem>> -> memref<1x128xi32, #tpu.memory_space<vmem>>
        %dma_start3A_190 = tpu.memref_squeeze %dma_start3A_189 : memref<1x128xi32, #tpu.memory_space<vmem>> -> memref<128xi32, #tpu.memory_space<vmem>>
        %dma_start3A_191 = arith.constant 0 : i32
        %dma_start3A_192 = arith.constant 0 : i32
        %dma_start3A_193 = tpu.memref_slice %arg10[%dma_start3A_191, %dma_start3A_192] : memref<10240x128xf32, #tpu.memory_space<vmem_shared>> -> memref<10240x128xf32, #tpu.memory_space<vmem_shared>>
        tpu.enqueue_indirect_dma source(%dma_start3A_187 : memref<128x128xf32, #tpu.memory_space<vmem>>) target(%dma_start3A_193 : memref<10240x128xf32, #tpu.memory_space<vmem_shared>>) offsets(%dma_start3A_190 : memref<128xi32, #tpu.memory_space<vmem>>) semaphore(%run_scoped3A_183 : memref<!tpu.dma_semaphore, #tpu.memory_space<semaphore_mem>>) {add = true}
        %dma_wait3A_194 = arith.constant 0 : i32
        %dma_wait3A_195 = arith.constant 0 : i32
        %dma_wait3A_196 = tpu.memref_slice %arg9[%run_scoped3A_169, %dma_wait3A_194, %dma_wait3A_195] : memref<2x128x128xf32, #tpu.memory_space<vmem>> -> memref<1x128x128xf32, #tpu.memory_space<vmem>>
        %dma_wait3A_197 = tpu.memref_squeeze %dma_wait3A_196 : memref<1x128x128xf32, #tpu.memory_space<vmem>> -> memref<128x128xf32, #tpu.memory_space<vmem>>
        %dma_wait3A_198 = arith.constant 0 : i32
        %dma_wait3A_199 = tpu.memref_slice %arg8[%add3A_157, %dma_wait3A_198] : memref<40x128xi32, #tpu.memory_space<vmem>> -> memref<1x128xi32, #tpu.memory_space<vmem>>
        %dma_wait3A_200 = tpu.memref_squeeze %dma_wait3A_199 : memref<1x128xi32, #tpu.memory_space<vmem>> -> memref<128xi32, #tpu.memory_space<vmem>>
        %dma_wait3A_201 = arith.constant 0 : i32
        %dma_wait3A_202 = arith.constant 0 : i32
        %dma_wait3A_203 = tpu.memref_slice %arg10[%dma_wait3A_201, %dma_wait3A_202] : memref<10240x128xf32, #tpu.memory_space<vmem_shared>> -> memref<10240x128xf32, #tpu.memory_space<vmem_shared>>
        tpu.wait_indirect_dma semaphore(%run_scoped3A_183 : memref<!tpu.dma_semaphore, #tpu.memory_space<semaphore_mem>>) src(%dma_wait3A_197 : memref<128x128xf32, #tpu.memory_space<vmem>>) dst(%dma_wait3A_203 : memref<10240x128xf32, #tpu.memory_space<vmem_shared>>)
        tpu.yield
      }) : () -> ()
      %add3A_170 = arith.constant 2 : i32
      %add3A_171 = arith.addi %add3A_157, %add3A_170 : i32
      %dma_start3A_172 = arith.constant 1 : i32
      %dma_start3A_173 = arith.constant 0 : i32
      %dma_start3A_174 = arith.constant 0 : i32
      %dma_start3A_175 = tpu.memref_slice %arg9[%dma_start3A_172, %dma_start3A_173, %dma_start3A_174] : memref<2x128x128xf32, #tpu.memory_space<vmem>> -> memref<1x128x128xf32, #tpu.memory_space<vmem>>
      %dma_start3A_176 = tpu.memref_squeeze %dma_start3A_175 : memref<1x128x128xf32, #tpu.memory_space<vmem>> -> memref<128x128xf32, #tpu.memory_space<vmem>>
      %dma_start3A_177 = arith.constant 0 : i32
      %dma_start3A_178 = tpu.memref_slice %arg7[%add3A_171, %dma_start3A_177] : memref<40x128xi32, #tpu.memory_space<vmem>> -> memref<1x128xi32, #tpu.memory_space<vmem>>
      %dma_start3A_179 = tpu.memref_squeeze %dma_start3A_178 : memref<1x128xi32, #tpu.memory_space<vmem>> -> memref<128xi32, #tpu.memory_space<vmem>>
      %dma_start3A_180 = arith.constant 0 : i32
      %dma_start3A_181 = arith.constant 0 : i32
      %dma_start3A_182 = tpu.memref_slice %arg2[%dma_start3A_180, %dma_start3A_181] : memref<10240x128xf32, #tpu.memory_space<hbm>> -> memref<10240x128xf32, #tpu.memory_space<hbm>>
      tpu.enqueue_indirect_dma source(%dma_start3A_182 : memref<10240x128xf32, #tpu.memory_space<hbm>>) target(%dma_start3A_176 : memref<128x128xf32, #tpu.memory_space<vmem>>) offsets(%dma_start3A_179 : memref<128xi32, #tpu.memory_space<vmem>>) semaphore(%arg12 : memref<!tpu.dma_semaphore, #tpu.memory_space<semaphore_mem>>)
    }
    %scan3A_90 = arith.constant 19 : i32
    %dma_wait3A_91 = arith.constant 38 : i32
    %dma_wait3A_92 = arith.constant 0 : i32
    %dma_wait3A_93 = arith.constant 0 : i32
    %dma_wait3A_94 = arith.constant 0 : i32
    %dma_wait3A_95 = tpu.memref_slice %arg9[%dma_wait3A_92, %dma_wait3A_93, %dma_wait3A_94] : memref<2x128x128xf32, #tpu.memory_space<vmem>> -> memref<1x128x128xf32, #tpu.memory_space<vmem>>
    %dma_wait3A_96 = tpu.memref_squeeze %dma_wait3A_95 : memref<1x128x128xf32, #tpu.memory_space<vmem>> -> memref<128x128xf32, #tpu.memory_space<vmem>>
    %dma_wait3A_97 = arith.constant 0 : i32
    %dma_wait3A_98 = tpu.memref_slice %arg7[%dma_wait3A_91, %dma_wait3A_97] : memref<40x128xi32, #tpu.memory_space<vmem>> -> memref<1x128xi32, #tpu.memory_space<vmem>>
    %dma_wait3A_99 = tpu.memref_squeeze %dma_wait3A_98 : memref<1x128xi32, #tpu.memory_space<vmem>> -> memref<128xi32, #tpu.memory_space<vmem>>
    %dma_wait3A_100 = arith.constant 0 : i32
    %dma_wait3A_101 = arith.constant 0 : i32
    %dma_wait3A_102 = tpu.memref_slice %arg2[%dma_wait3A_100, %dma_wait3A_101] : memref<10240x128xf32, #tpu.memory_space<hbm>> -> memref<10240x128xf32, #tpu.memory_space<hbm>>
    tpu.wait_indirect_dma semaphore(%arg11 : memref<!tpu.dma_semaphore, #tpu.memory_space<semaphore_mem>>) src(%dma_wait3A_102 : memref<10240x128xf32, #tpu.memory_space<hbm>>) dst(%dma_wait3A_96 : memref<128x128xf32, #tpu.memory_space<vmem>>)
    %run_scoped3A_103 = arith.constant 0 : i32
    %run_scoped3A_104 = arith.constant 38 : i32
    "tpu.region"() ({
      %run_scoped3A_124 = tpu.sem_alloc : memref<!tpu.dma_semaphore, #tpu.memory_space<semaphore_mem>>
      %dma_start3A_125 = arith.constant 0 : i32
      %dma_start3A_126 = arith.constant 0 : i32
      %dma_start3A_127 = tpu.memref_slice %arg9[%run_scoped3A_103, %dma_start3A_125, %dma_start3A_126] : memref<2x128x128xf32, #tpu.memory_space<vmem>> -> memref<1x128x128xf32, #tpu.memory_space<vmem>>
      %dma_start3A_128 = tpu.memref_squeeze %dma_start3A_127 : memref<1x128x128xf32, #tpu.memory_space<vmem>> -> memref<128x128xf32, #tpu.memory_space<vmem>>
      %dma_start3A_129 = arith.constant 0 : i32
      %dma_start3A_130 = tpu.memref_slice %arg8[%run_scoped3A_104, %dma_start3A_129] : memref<40x128xi32, #tpu.memory_space<vmem>> -> memref<1x128xi32, #tpu.memory_space<vmem>>
      %dma_start3A_131 = tpu.memref_squeeze %dma_start3A_130 : memref<1x128xi32, #tpu.memory_space<vmem>> -> memref<128xi32, #tpu.memory_space<vmem>>
      %dma_start3A_132 = arith.constant 0 : i32
      %dma_start3A_133 = arith.constant 0 : i32
      %dma_start3A_134 = tpu.memref_slice %arg10[%dma_start3A_132, %dma_start3A_133] : memref<10240x128xf32, #tpu.memory_space<vmem_shared>> -> memref<10240x128xf32, #tpu.memory_space<vmem_shared>>
      tpu.enqueue_indirect_dma source(%dma_start3A_128 : memref<128x128xf32, #tpu.memory_space<vmem>>) target(%dma_start3A_134 : memref<10240x128xf32, #tpu.memory_space<vmem_shared>>) offsets(%dma_start3A_131 : memref<128xi32, #tpu.memory_space<vmem>>) semaphore(%run_scoped3A_124 : memref<!tpu.dma_semaphore, #tpu.memory_space<semaphore_mem>>) {add = true}
      %dma_wait3A_135 = arith.constant 0 : i32
      %dma_wait3A_136 = arith.constant 0 : i32
      %dma_wait3A_137 = tpu.memref_slice %arg9[%run_scoped3A_103, %dma_wait3A_135, %dma_wait3A_136] : memref<2x128x128xf32, #tpu.memory_space<vmem>> -> memref<1x128x128xf32, #tpu.memory_space<vmem>>
      %dma_wait3A_138 = tpu.memref_squeeze %dma_wait3A_137 : memref<1x128x128xf32, #tpu.memory_space<vmem>> -> memref<128x128xf32, #tpu.memory_space<vmem>>
      %dma_wait3A_139 = arith.constant 0 : i32
      %dma_wait3A_140 = tpu.memref_slice %arg8[%run_scoped3A_104, %dma_wait3A_139] : memref<40x128xi32, #tpu.memory_space<vmem>> -> memref<1x128xi32, #tpu.memory_space<vmem>>
      %dma_wait3A_141 = tpu.memref_squeeze %dma_wait3A_140 : memref<1x128xi32, #tpu.memory_space<vmem>> -> memref<128xi32, #tpu.memory_space<vmem>>
      %dma_wait3A_142 = arith.constant 0 : i32
      %dma_wait3A_143 = arith.constant 0 : i32
      %dma_wait3A_144 = tpu.memref_slice %arg10[%dma_wait3A_142, %dma_wait3A_143] : memref<10240x128xf32, #tpu.memory_space<vmem_shared>> -> memref<10240x128xf32, #tpu.memory_space<vmem_shared>>
      tpu.wait_indirect_dma semaphore(%run_scoped3A_124 : memref<!tpu.dma_semaphore, #tpu.memory_space<semaphore_mem>>) src(%dma_wait3A_138 : memref<128x128xf32, #tpu.memory_space<vmem>>) dst(%dma_wait3A_144 : memref<10240x128xf32, #tpu.memory_space<vmem_shared>>)
      tpu.yield
    }) : () -> ()
    %dma_wait3A_105 = arith.constant 39 : i32
    %dma_wait3A_106 = arith.constant 1 : i32
    %dma_wait3A_107 = arith.constant 0 : i32
    %dma_wait3A_108 = arith.constant 0 : i32
    %dma_wait3A_109 = tpu.memref_slice %arg9[%dma_wait3A_106, %dma_wait3A_107, %dma_wait3A_108] : memref<2x128x128xf32, #tpu.memory_space<vmem>> -> memref<1x128x128xf32, #tpu.memory_space<vmem>>
    %dma_wait3A_110 = tpu.memref_squeeze %dma_wait3A_109 : memref<1x128x128xf32, #tpu.memory_space<vmem>> -> memref<128x128xf32, #tpu.memory_space<vmem>>
    %dma_wait3A_111 = arith.constant 0 : i32
    %dma_wait3A_112 = tpu.memref_slice %arg7[%dma_wait3A_105, %dma_wait3A_111] : memref<40x128xi32, #tpu.memory_space<vmem>> -> memref<1x128xi32, #tpu.memory_space<vmem>>
    %dma_wait3A_113 = tpu.memref_squeeze %dma_wait3A_112 : memref<1x128xi32, #tpu.memory_space<vmem>> -> memref<128xi32, #tpu.memory_space<vmem>>
    %dma_wait3A_114 = arith.constant 0 : i32
    %dma_wait3A_115 = arith.constant 0 : i32
    %dma_wait3A_116 = tpu.memref_slice %arg2[%dma_wait3A_114, %dma_wait3A_115] : memref<10240x128xf32, #tpu.memory_space<hbm>> -> memref<10240x128xf32, #tpu.memory_space<hbm>>
    tpu.wait_indirect_dma semaphore(%arg12 : memref<!tpu.dma_semaphore, #tpu.memory_space<semaphore_mem>>) src(%dma_wait3A_116 : memref<10240x128xf32, #tpu.memory_space<hbm>>) dst(%dma_wait3A_110 : memref<128x128xf32, #tpu.memory_space<vmem>>)
    %run_scoped3A_117 = arith.constant 1 : i32
    %run_scoped3A_118 = arith.constant 39 : i32
    "tpu.region"() ({
      %run_scoped3A_124 = tpu.sem_alloc : memref<!tpu.dma_semaphore, #tpu.memory_space<semaphore_mem>>
      %dma_start3A_125 = arith.constant 0 : i32
      %dma_start3A_126 = arith.constant 0 : i32
      %dma_start3A_127 = tpu.memref_slice %arg9[%run_scoped3A_117, %dma_start3A_125, %dma_start3A_126] : memref<2x128x128xf32, #tpu.memory_space<vmem>> -> memref<1x128x128xf32, #tpu.memory_space<vmem>>
      %dma_start3A_128 = tpu.memref_squeeze %dma_start3A_127 : memref<1x128x128xf32, #tpu.memory_space<vmem>> -> memref<128x128xf32, #tpu.memory_space<vmem>>
      %dma_start3A_129 = arith.constant 0 : i32
      %dma_start3A_130 = tpu.memref_slice %arg8[%run_scoped3A_118, %dma_start3A_129] : memref<40x128xi32, #tpu.memory_space<vmem>> -> memref<1x128xi32, #tpu.memory_space<vmem>>
      %dma_start3A_131 = tpu.memref_squeeze %dma_start3A_130 : memref<1x128xi32, #tpu.memory_space<vmem>> -> memref<128xi32, #tpu.memory_space<vmem>>
      %dma_start3A_132 = arith.constant 0 : i32
      %dma_start3A_133 = arith.constant 0 : i32
      %dma_start3A_134 = tpu.memref_slice %arg10[%dma_start3A_132, %dma_start3A_133] : memref<10240x128xf32, #tpu.memory_space<vmem_shared>> -> memref<10240x128xf32, #tpu.memory_space<vmem_shared>>
      tpu.enqueue_indirect_dma source(%dma_start3A_128 : memref<128x128xf32, #tpu.memory_space<vmem>>) target(%dma_start3A_134 : memref<10240x128xf32, #tpu.memory_space<vmem_shared>>) offsets(%dma_start3A_131 : memref<128xi32, #tpu.memory_space<vmem>>) semaphore(%run_scoped3A_124 : memref<!tpu.dma_semaphore, #tpu.memory_space<semaphore_mem>>) {add = true}
      %dma_wait3A_135 = arith.constant 0 : i32
      %dma_wait3A_136 = arith.constant 0 : i32
      %dma_wait3A_137 = tpu.memref_slice %arg9[%run_scoped3A_117, %dma_wait3A_135, %dma_wait3A_136] : memref<2x128x128xf32, #tpu.memory_space<vmem>> -> memref<1x128x128xf32, #tpu.memory_space<vmem>>
      %dma_wait3A_138 = tpu.memref_squeeze %dma_wait3A_137 : memref<1x128x128xf32, #tpu.memory_space<vmem>> -> memref<128x128xf32, #tpu.memory_space<vmem>>
      %dma_wait3A_139 = arith.constant 0 : i32
      %dma_wait3A_140 = tpu.memref_slice %arg8[%run_scoped3A_118, %dma_wait3A_139] : memref<40x128xi32, #tpu.memory_space<vmem>> -> memref<1x128xi32, #tpu.memory_space<vmem>>
      %dma_wait3A_141 = tpu.memref_squeeze %dma_wait3A_140 : memref<1x128xi32, #tpu.memory_space<vmem>> -> memref<128xi32, #tpu.memory_space<vmem>>
      %dma_wait3A_142 = arith.constant 0 : i32
      %dma_wait3A_143 = arith.constant 0 : i32
      %dma_wait3A_144 = tpu.memref_slice %arg10[%dma_wait3A_142, %dma_wait3A_143] : memref<10240x128xf32, #tpu.memory_space<vmem_shared>> -> memref<10240x128xf32, #tpu.memory_space<vmem_shared>>
      tpu.wait_indirect_dma semaphore(%run_scoped3A_124 : memref<!tpu.dma_semaphore, #tpu.memory_space<semaphore_mem>>) src(%dma_wait3A_138 : memref<128x128xf32, #tpu.memory_space<vmem>>) dst(%dma_wait3A_144 : memref<10240x128xf32, #tpu.memory_space<vmem_shared>>)
      tpu.yield
    }) : () -> ()
    %barrier3A_119 = arith.constant 0 : index
    tpu.barrier barrier_id(%barrier3A_119)
    %mul3A_120 = arith.constant 640 : i32
    %mul3A_121 = arith.muli %arg1, %mul3A_120 : i32
    %mul3A_122 = arith.constant 640 : i32
    %mul3A_123 = arith.muli %arg1, %mul3A_122 : i32
    "tpu.region"() ({
      %run_scoped3A_124 = tpu.sem_alloc : memref<!tpu.dma_semaphore, #tpu.memory_space<semaphore_mem>>
      %dma_start3A_125 = arith.constant 0 : i32
      %dma_start3A_126 = tpu.memref_slice %arg6[%arg0, %mul3A_123, %dma_start3A_125] : memref<2x10240x128xf32, #tpu.memory_space<hbm>> -> memref<1x640x128xf32, #tpu.memory_space<hbm>>
      %dma_start3A_127 = tpu.memref_squeeze %dma_start3A_126 : memref<1x640x128xf32, #tpu.memory_space<hbm>> -> memref<640x128xf32, #tpu.memory_space<hbm>>
      %dma_start3A_128 = arith.constant 0 : i32
      %dma_start3A_129 = tpu.memref_slice %arg10[%mul3A_121, %dma_start3A_128] : memref<10240x128xf32, #tpu.memory_space<vmem_shared>> -> memref<640x128xf32, #tpu.memory_space<vmem_shared>>
      tpu.enqueue_dma source(%dma_start3A_129 : memref<640x128xf32, #tpu.memory_space<vmem_shared>>) target(%dma_start3A_127 : memref<640x128xf32, #tpu.memory_space<hbm>>) target_semaphore(%run_scoped3A_124 : memref<!tpu.dma_semaphore, #tpu.memory_space<semaphore_mem>>)
      %dma_wait3A_130 = arith.constant 0 : i32
      %dma_wait3A_131 = tpu.memref_slice %arg6[%arg0, %mul3A_123, %dma_wait3A_130] : memref<2x10240x128xf32, #tpu.memory_space<hbm>> -> memref<1x640x128xf32, #tpu.memory_space<hbm>>
      %dma_wait3A_132 = tpu.memref_squeeze %dma_wait3A_131 : memref<1x640x128xf32, #tpu.memory_space<hbm>> -> memref<640x128xf32, #tpu.memory_space<hbm>>
      %dma_wait3A_133 = arith.constant 0 : i32
      %dma_wait3A_134 = tpu.memref_slice %arg10[%mul3A_121, %dma_wait3A_133] : memref<10240x128xf32, #tpu.memory_space<vmem_shared>> -> memref<640x128xf32, #tpu.memory_space<vmem_shared>>
      tpu.wait_dma2 semaphore(%run_scoped3A_124 : memref<!tpu.dma_semaphore, #tpu.memory_space<semaphore_mem>>) src(%dma_wait3A_134 : memref<640x128xf32, #tpu.memory_space<vmem_shared>>) dst(%dma_wait3A_132 : memref<640x128xf32, #tpu.memory_space<hbm>>)
      tpu.yield
    }) : () -> ()
    return
  }
}

#map = affine_map<(d0, d1) -> (0, 0)>
#map1 = affine_map<(d0, d1) -> (0, 0, 0, 0)>
#map2 = affine_map<(d0, d1) -> (0, 0, 0)>
module attributes {stable_mosaic.version = 14 : i64} {
  func.func @_sc_aggregate(%arg0: i32, %arg1: i32, %arg2: memref<10240x128xf32, #tpu.memory_space<hbm>>, %arg3: memref<32x2x40x128xi32, #tpu.memory_space<hbm>>, %arg4: memref<32x2x40x128xi32, #tpu.memory_space<hbm>>, %arg5: memref<640x128xf32, #tpu.memory_space<hbm>>, %arg6: memref<2x10240x128xf32, #tpu.memory_space<hbm>>, %arg7: memref<40x128xi32, #tpu.memory_space<vmem>>, %arg8: memref<40x128xi32, #tpu.memory_space<vmem>>, %arg9: memref<2x128x128xf32, #tpu.memory_space<vmem>>, %arg10: memref<10240x128xf32, #tpu.memory_space<vmem_shared>>, %arg11: memref<!tpu.dma_semaphore, #tpu.memory_space<semaphore_mem>>, %arg12: memref<!tpu.dma_semaphore, #tpu.memory_space<semaphore_mem>>) attributes {dimension_semantics = [#tpu.dimension_semantics<core_parallel>, #tpu.dimension_semantics<subcore_parallel>], iteration_bounds = array<i64: 2, 16>, scalar_prefetch = 0 : i64, scratch_operands = 6 : i64, tpu.core_type = #tpu.core_type<sc_vector_subcore>, window_params = [{transform_indices = #map}, {transform_indices = #map1}, {transform_indices = #map1}, {transform_indices = #map}, {transform_indices = #map2}]} {
    %mul3A = arith.constant 2 : i32
    %mul3A_0 = arith.muli %arg1, %mul3A : i32
    %add3A = arith.addi %mul3A_0, %arg0 : i32
    %mul3A_1 = arith.constant 640 : i32
    %mul3A_2 = arith.muli %arg1, %mul3A_1 : i32
    "tpu.region"() ({
      %run_scoped3A_124 = tpu.sem_alloc : memref<!tpu.dma_semaphore, #tpu.memory_space<semaphore_mem>>
      %dma_start3A_125 = arith.constant 0 : i32
      %dma_start3A_126 = tpu.memref_slice %arg10[%mul3A_2, %dma_start3A_125] : memref<10240x128xf32, #tpu.memory_space<vmem_shared>> -> memref<640x128xf32, #tpu.memory_space<vmem_shared>>
      tpu.enqueue_dma source(%arg5 : memref<640x128xf32, #tpu.memory_space<hbm>>) target(%dma_start3A_126 : memref<640x128xf32, #tpu.memory_space<vmem_shared>>) target_semaphore(%run_scoped3A_124 : memref<!tpu.dma_semaphore, #tpu.memory_space<semaphore_mem>>)
      %dma_wait3A_127 = arith.constant 0 : i32
      %dma_wait3A_128 = tpu.memref_slice %arg10[%mul3A_2, %dma_wait3A_127] : memref<10240x128xf32, #tpu.memory_space<vmem_shared>> -> memref<640x128xf32, #tpu.memory_space<vmem_shared>>
      tpu.wait_dma2 semaphore(%run_scoped3A_124 : memref<!tpu.dma_semaphore, #tpu.memory_space<semaphore_mem>>) src(%arg5 : memref<640x128xf32, #tpu.memory_space<hbm>>) dst(%dma_wait3A_128 : memref<640x128xf32, #tpu.memory_space<vmem_shared>>)
      tpu.yield
    }) : () -> ()
    %barrier3A = arith.constant 0 : index
    tpu.barrier barrier_id(%barrier3A)
    %run_scoped3A = arith.constant 0 : i32
    "tpu.region"() ({
      %run_scoped3A_124 = tpu.sem_alloc : memref<!tpu.dma_semaphore, #tpu.memory_space<semaphore_mem>>
      %dma_start3A_125 = arith.constant 0 : i32
      %dma_start3A_126 = arith.constant 0 : i32
      %dma_start3A_127 = tpu.memref_slice %arg3[%add3A, %run_scoped3A, %dma_start3A_125, %dma_start3A_126] : memref<32x2x40x128xi32, #tpu.memory_space<hbm>> -> memref<1x1x40x128xi32, #tpu.memory_space<hbm>>
      %dma_start3A_128 = tpu.memref_squeeze %dma_start3A_127 : memref<1x1x40x128xi32, #tpu.memory_space<hbm>> -> memref<40x128xi32, #tpu.memory_space<hbm>>
      %dma_start3A_129 = arith.constant 0 : i32
      %dma_start3A_130 = arith.constant 0 : i32
      %dma_start3A_131 = tpu.memref_slice %arg3[%add3A, %run_scoped3A, %dma_start3A_129, %dma_start3A_130] : memref<32x2x40x128xi32, #tpu.memory_space<hbm>> -> memref<1x1x40x128xi32, #tpu.memory_space<hbm>>
      %dma_start3A_132 = tpu.memref_squeeze %dma_start3A_131 : memref<1x1x40x128xi32, #tpu.memory_space<hbm>> -> memref<40x128xi32, #tpu.memory_space<hbm>>
      tpu.enqueue_dma source(%dma_start3A_132 : memref<40x128xi32, #tpu.memory_space<hbm>>) target(%arg7 : memref<40x128xi32, #tpu.memory_space<vmem>>) target_semaphore(%run_scoped3A_124 : memref<!tpu.dma_semaphore, #tpu.memory_space<semaphore_mem>>)
      %dma_wait3A_133 = arith.constant 0 : i32
      %dma_wait3A_134 = arith.constant 0 : i32
      %dma_wait3A_135 = tpu.memref_slice %arg3[%add3A, %run_scoped3A, %dma_wait3A_133, %dma_wait3A_134] : memref<32x2x40x128xi32, #tpu.memory_space<hbm>> -> memref<1x1x40x128xi32, #tpu.memory_space<hbm>>
      %dma_wait3A_136 = tpu.memref_squeeze %dma_wait3A_135 : memref<1x1x40x128xi32, #tpu.memory_space<hbm>> -> memref<40x128xi32, #tpu.memory_space<hbm>>
      %dma_wait3A_137 = arith.constant 0 : i32
      %dma_wait3A_138 = arith.constant 0 : i32
      %dma_wait3A_139 = tpu.memref_slice %arg3[%add3A, %run_scoped3A, %dma_wait3A_137, %dma_wait3A_138] : memref<32x2x40x128xi32, #tpu.memory_space<hbm>> -> memref<1x1x40x128xi32, #tpu.memory_space<hbm>>
      %dma_wait3A_140 = tpu.memref_squeeze %dma_wait3A_139 : memref<1x1x40x128xi32, #tpu.memory_space<hbm>> -> memref<40x128xi32, #tpu.memory_space<hbm>>
      tpu.wait_dma2 semaphore(%run_scoped3A_124 : memref<!tpu.dma_semaphore, #tpu.memory_space<semaphore_mem>>) src(%dma_wait3A_140 : memref<40x128xi32, #tpu.memory_space<hbm>>) dst(%arg7 : memref<40x128xi32, #tpu.memory_space<vmem>>)
      tpu.yield
    }) : () -> ()
    %run_scoped3A_3 = arith.constant 0 : i32
    "tpu.region"() ({
      %run_scoped3A_124 = tpu.sem_alloc : memref<!tpu.dma_semaphore, #tpu.memory_space<semaphore_mem>>
      %dma_start3A_125 = arith.constant 0 : i32
      %dma_start3A_126 = arith.constant 0 : i32
      %dma_start3A_127 = tpu.memref_slice %arg4[%add3A, %run_scoped3A_3, %dma_start3A_125, %dma_start3A_126] : memref<32x2x40x128xi32, #tpu.memory_space<hbm>> -> memref<1x1x40x128xi32, #tpu.memory_space<hbm>>
      %dma_start3A_128 = tpu.memref_squeeze %dma_start3A_127 : memref<1x1x40x128xi32, #tpu.memory_space<hbm>> -> memref<40x128xi32, #tpu.memory_space<hbm>>
      %dma_start3A_129 = arith.constant 0 : i32
      %dma_start3A_130 = arith.constant 0 : i32
      %dma_start3A_131 = tpu.memref_slice %arg4[%add3A, %run_scoped3A_3, %dma_start3A_129, %dma_start3A_130] : memref<32x2x40x128xi32, #tpu.memory_space<hbm>> -> memref<1x1x40x128xi32, #tpu.memory_space<hbm>>
      %dma_start3A_132 = tpu.memref_squeeze %dma_start3A_131 : memref<1x1x40x128xi32, #tpu.memory_space<hbm>> -> memref<40x128xi32, #tpu.memory_space<hbm>>
      tpu.enqueue_dma source(%dma_start3A_132 : memref<40x128xi32, #tpu.memory_space<hbm>>) target(%arg8 : memref<40x128xi32, #tpu.memory_space<vmem>>) target_semaphore(%run_scoped3A_124 : memref<!tpu.dma_semaphore, #tpu.memory_space<semaphore_mem>>)
      %dma_wait3A_133 = arith.constant 0 : i32
      %dma_wait3A_134 = arith.constant 0 : i32
      %dma_wait3A_135 = tpu.memref_slice %arg4[%add3A, %run_scoped3A_3, %dma_wait3A_133, %dma_wait3A_134] : memref<32x2x40x128xi32, #tpu.memory_space<hbm>> -> memref<1x1x40x128xi32, #tpu.memory_space<hbm>>
      %dma_wait3A_136 = tpu.memref_squeeze %dma_wait3A_135 : memref<1x1x40x128xi32, #tpu.memory_space<hbm>> -> memref<40x128xi32, #tpu.memory_space<hbm>>
      %dma_wait3A_137 = arith.constant 0 : i32
      %dma_wait3A_138 = arith.constant 0 : i32
      %dma_wait3A_139 = tpu.memref_slice %arg4[%add3A, %run_scoped3A_3, %dma_wait3A_137, %dma_wait3A_138] : memref<32x2x40x128xi32, #tpu.memory_space<hbm>> -> memref<1x1x40x128xi32, #tpu.memory_space<hbm>>
      %dma_wait3A_140 = tpu.memref_squeeze %dma_wait3A_139 : memref<1x1x40x128xi32, #tpu.memory_space<hbm>> -> memref<40x128xi32, #tpu.memory_space<hbm>>
      tpu.wait_dma2 semaphore(%run_scoped3A_124 : memref<!tpu.dma_semaphore, #tpu.memory_space<semaphore_mem>>) src(%dma_wait3A_140 : memref<40x128xi32, #tpu.memory_space<hbm>>) dst(%arg8 : memref<40x128xi32, #tpu.memory_space<vmem>>)
      tpu.yield
    }) : () -> ()
    %dma_start3A = arith.constant 0 : i32
    %dma_start3A_4 = arith.constant 0 : i32
    %dma_start3A_5 = arith.constant 0 : i32
    %dma_start3A_6 = arith.constant 0 : i32
    %dma_start3A_7 = tpu.memref_slice %arg9[%dma_start3A_4, %dma_start3A_5, %dma_start3A_6] : memref<2x128x128xf32, #tpu.memory_space<vmem>> -> memref<1x128x128xf32, #tpu.memory_space<vmem>>
    %dma_start3A_8 = tpu.memref_squeeze %dma_start3A_7 : memref<1x128x128xf32, #tpu.memory_space<vmem>> -> memref<128x128xf32, #tpu.memory_space<vmem>>
    %dma_start3A_9 = arith.constant 0 : i32
    %dma_start3A_10 = tpu.memref_slice %arg7[%dma_start3A, %dma_start3A_9] : memref<40x128xi32, #tpu.memory_space<vmem>> -> memref<1x128xi32, #tpu.memory_space<vmem>>
    %dma_start3A_11 = tpu.memref_squeeze %dma_start3A_10 : memref<1x128xi32, #tpu.memory_space<vmem>> -> memref<128xi32, #tpu.memory_space<vmem>>
    %dma_start3A_12 = arith.constant 0 : i32
    %dma_start3A_13 = arith.constant 0 : i32
    %dma_start3A_14 = tpu.memref_slice %arg2[%dma_start3A_12, %dma_start3A_13] : memref<10240x128xf32, #tpu.memory_space<hbm>> -> memref<10240x128xf32, #tpu.memory_space<hbm>>
    tpu.enqueue_indirect_dma source(%dma_start3A_14 : memref<10240x128xf32, #tpu.memory_space<hbm>>) target(%dma_start3A_8 : memref<128x128xf32, #tpu.memory_space<vmem>>) offsets(%dma_start3A_11 : memref<128xi32, #tpu.memory_space<vmem>>) semaphore(%arg11 : memref<!tpu.dma_semaphore, #tpu.memory_space<semaphore_mem>>)
    %dma_start3A_15 = arith.constant 1 : i32
    %dma_start3A_16 = arith.constant 1 : i32
    %dma_start3A_17 = arith.constant 0 : i32
    %dma_start3A_18 = arith.constant 0 : i32
    %dma_start3A_19 = tpu.memref_slice %arg9[%dma_start3A_16, %dma_start3A_17, %dma_start3A_18] : memref<2x128x128xf32, #tpu.memory_space<vmem>> -> memref<1x128x128xf32, #tpu.memory_space<vmem>>
    %dma_start3A_20 = tpu.memref_squeeze %dma_start3A_19 : memref<1x128x128xf32, #tpu.memory_space<vmem>> -> memref<128x128xf32, #tpu.memory_space<vmem>>
    %dma_start3A_21 = arith.constant 0 : i32
    %dma_start3A_22 = tpu.memref_slice %arg7[%dma_start3A_15, %dma_start3A_21] : memref<40x128xi32, #tpu.memory_space<vmem>> -> memref<1x128xi32, #tpu.memory_space<vmem>>
    %dma_start3A_23 = tpu.memref_squeeze %dma_start3A_22 : memref<1x128xi32, #tpu.memory_space<vmem>> -> memref<128xi32, #tpu.memory_space<vmem>>
    %dma_start3A_24 = arith.constant 0 : i32
    %dma_start3A_25 = arith.constant 0 : i32
    %dma_start3A_26 = tpu.memref_slice %arg2[%dma_start3A_24, %dma_start3A_25] : memref<10240x128xf32, #tpu.memory_space<hbm>> -> memref<10240x128xf32, #tpu.memory_space<hbm>>
    tpu.enqueue_indirect_dma source(%dma_start3A_26 : memref<10240x128xf32, #tpu.memory_space<hbm>>) target(%dma_start3A_20 : memref<128x128xf32, #tpu.memory_space<vmem>>) offsets(%dma_start3A_23 : memref<128xi32, #tpu.memory_space<vmem>>) semaphore(%arg12 : memref<!tpu.dma_semaphore, #tpu.memory_space<semaphore_mem>>)
    %scan3A = arith.constant 0 : i32
    %scan3A_27 = arith.constant 0 : i32
    %scan3A_28 = arith.constant 19 : i32
    %scan3A_29 = arith.addi %scan3A_27, %scan3A_28 : i32
    %scan3A_30 = arith.constant 1 : i32
    scf.for %scan3A_124 = %scan3A_27 to %scan3A_29 step %scan3A_30  : i32 {
      %mul3A_125 = arith.constant 2 : i32
      %mul3A_126 = arith.muli %scan3A_124, %mul3A_125 : i32
      %add3A_127 = arith.constant 0 : i32
      %add3A_128 = arith.addi %mul3A_126, %add3A_127 : i32
      %dma_wait3A_129 = arith.constant 0 : i32
      %dma_wait3A_130 = arith.constant 0 : i32
      %dma_wait3A_131 = arith.constant 0 : i32
      %dma_wait3A_132 = tpu.memref_slice %arg9[%dma_wait3A_129, %dma_wait3A_130, %dma_wait3A_131] : memref<2x128x128xf32, #tpu.memory_space<vmem>> -> memref<1x128x128xf32, #tpu.memory_space<vmem>>
      %dma_wait3A_133 = tpu.memref_squeeze %dma_wait3A_132 : memref<1x128x128xf32, #tpu.memory_space<vmem>> -> memref<128x128xf32, #tpu.memory_space<vmem>>
      %dma_wait3A_134 = arith.constant 0 : i32
      %dma_wait3A_135 = tpu.memref_slice %arg7[%add3A_128, %dma_wait3A_134] : memref<40x128xi32, #tpu.memory_space<vmem>> -> memref<1x128xi32, #tpu.memory_space<vmem>>
      %dma_wait3A_136 = tpu.memref_squeeze %dma_wait3A_135 : memref<1x128xi32, #tpu.memory_space<vmem>> -> memref<128xi32, #tpu.memory_space<vmem>>
      %dma_wait3A_137 = arith.constant 0 : i32
      %dma_wait3A_138 = arith.constant 0 : i32
      %dma_wait3A_139 = tpu.memref_slice %arg2[%dma_wait3A_137, %dma_wait3A_138] : memref<10240x128xf32, #tpu.memory_space<hbm>> -> memref<10240x128xf32, #tpu.memory_space<hbm>>
      tpu.wait_indirect_dma semaphore(%arg11 : memref<!tpu.dma_semaphore, #tpu.memory_space<semaphore_mem>>) src(%dma_wait3A_139 : memref<10240x128xf32, #tpu.memory_space<hbm>>) dst(%dma_wait3A_133 : memref<128x128xf32, #tpu.memory_space<vmem>>)
      %run_scoped3A_140 = arith.constant 0 : i32
      "tpu.region"() ({
        %run_scoped3A_183 = tpu.sem_alloc : memref<!tpu.dma_semaphore, #tpu.memory_space<semaphore_mem>>
        %dma_start3A_184 = arith.constant 0 : i32
        %dma_start3A_185 = arith.constant 0 : i32
        %dma_start3A_186 = tpu.memref_slice %arg9[%run_scoped3A_140, %dma_start3A_184, %dma_start3A_185] : memref<2x128x128xf32, #tpu.memory_space<vmem>> -> memref<1x128x128xf32, #tpu.memory_space<vmem>>
        %dma_start3A_187 = tpu.memref_squeeze %dma_start3A_186 : memref<1x128x128xf32, #tpu.memory_space<vmem>> -> memref<128x128xf32, #tpu.memory_space<vmem>>
        %dma_start3A_188 = arith.constant 0 : i32
        %dma_start3A_189 = tpu.memref_slice %arg8[%add3A_128, %dma_start3A_188] : memref<40x128xi32, #tpu.memory_space<vmem>> -> memref<1x128xi32, #tpu.memory_space<vmem>>
        %dma_start3A_190 = tpu.memref_squeeze %dma_start3A_189 : memref<1x128xi32, #tpu.memory_space<vmem>> -> memref<128xi32, #tpu.memory_space<vmem>>
        %dma_start3A_191 = arith.constant 0 : i32
        %dma_start3A_192 = arith.constant 0 : i32
        %dma_start3A_193 = tpu.memref_slice %arg10[%dma_start3A_191, %dma_start3A_192] : memref<10240x128xf32, #tpu.memory_space<vmem_shared>> -> memref<10240x128xf32, #tpu.memory_space<vmem_shared>>
        tpu.enqueue_indirect_dma source(%dma_start3A_187 : memref<128x128xf32, #tpu.memory_space<vmem>>) target(%dma_start3A_193 : memref<10240x128xf32, #tpu.memory_space<vmem_shared>>) offsets(%dma_start3A_190 : memref<128xi32, #tpu.memory_space<vmem>>) semaphore(%run_scoped3A_183 : memref<!tpu.dma_semaphore, #tpu.memory_space<semaphore_mem>>) {add = true}
        %dma_wait3A_194 = arith.constant 0 : i32
        %dma_wait3A_195 = arith.constant 0 : i32
        %dma_wait3A_196 = tpu.memref_slice %arg9[%run_scoped3A_140, %dma_wait3A_194, %dma_wait3A_195] : memref<2x128x128xf32, #tpu.memory_space<vmem>> -> memref<1x128x128xf32, #tpu.memory_space<vmem>>
        %dma_wait3A_197 = tpu.memref_squeeze %dma_wait3A_196 : memref<1x128x128xf32, #tpu.memory_space<vmem>> -> memref<128x128xf32, #tpu.memory_space<vmem>>
        %dma_wait3A_198 = arith.constant 0 : i32
        %dma_wait3A_199 = tpu.memref_slice %arg8[%add3A_128, %dma_wait3A_198] : memref<40x128xi32, #tpu.memory_space<vmem>> -> memref<1x128xi32, #tpu.memory_space<vmem>>
        %dma_wait3A_200 = tpu.memref_squeeze %dma_wait3A_199 : memref<1x128xi32, #tpu.memory_space<vmem>> -> memref<128xi32, #tpu.memory_space<vmem>>
        %dma_wait3A_201 = arith.constant 0 : i32
        %dma_wait3A_202 = arith.constant 0 : i32
        %dma_wait3A_203 = tpu.memref_slice %arg10[%dma_wait3A_201, %dma_wait3A_202] : memref<10240x128xf32, #tpu.memory_space<vmem_shared>> -> memref<10240x128xf32, #tpu.memory_space<vmem_shared>>
        tpu.wait_indirect_dma semaphore(%run_scoped3A_183 : memref<!tpu.dma_semaphore, #tpu.memory_space<semaphore_mem>>) src(%dma_wait3A_197 : memref<128x128xf32, #tpu.memory_space<vmem>>) dst(%dma_wait3A_203 : memref<10240x128xf32, #tpu.memory_space<vmem_shared>>)
        tpu.yield
      }) : () -> ()
      %add3A_141 = arith.constant 2 : i32
      %add3A_142 = arith.addi %add3A_128, %add3A_141 : i32
      %dma_start3A_143 = arith.constant 0 : i32
      %dma_start3A_144 = arith.constant 0 : i32
      %dma_start3A_145 = arith.constant 0 : i32
      %dma_start3A_146 = tpu.memref_slice %arg9[%dma_start3A_143, %dma_start3A_144, %dma_start3A_145] : memref<2x128x128xf32, #tpu.memory_space<vmem>> -> memref<1x128x128xf32, #tpu.memory_space<vmem>>
      %dma_start3A_147 = tpu.memref_squeeze %dma_start3A_146 : memref<1x128x128xf32, #tpu.memory_space<vmem>> -> memref<128x128xf32, #tpu.memory_space<vmem>>
      %dma_start3A_148 = arith.constant 0 : i32
      %dma_start3A_149 = tpu.memref_slice %arg7[%add3A_142, %dma_start3A_148] : memref<40x128xi32, #tpu.memory_space<vmem>> -> memref<1x128xi32, #tpu.memory_space<vmem>>
      %dma_start3A_150 = tpu.memref_squeeze %dma_start3A_149 : memref<1x128xi32, #tpu.memory_space<vmem>> -> memref<128xi32, #tpu.memory_space<vmem>>
      %dma_start3A_151 = arith.constant 0 : i32
      %dma_start3A_152 = arith.constant 0 : i32
      %dma_start3A_153 = tpu.memref_slice %arg2[%dma_start3A_151, %dma_start3A_152] : memref<10240x128xf32, #tpu.memory_space<hbm>> -> memref<10240x128xf32, #tpu.memory_space<hbm>>
      tpu.enqueue_indirect_dma source(%dma_start3A_153 : memref<10240x128xf32, #tpu.memory_space<hbm>>) target(%dma_start3A_147 : memref<128x128xf32, #tpu.memory_space<vmem>>) offsets(%dma_start3A_150 : memref<128xi32, #tpu.memory_space<vmem>>) semaphore(%arg11 : memref<!tpu.dma_semaphore, #tpu.memory_space<semaphore_mem>>)
      %mul3A_154 = arith.constant 2 : i32
      %mul3A_155 = arith.muli %scan3A_124, %mul3A_154 : i32
      %add3A_156 = arith.constant 1 : i32
      %add3A_157 = arith.addi %mul3A_155, %add3A_156 : i32
      %dma_wait3A_158 = arith.constant 1 : i32
      %dma_wait3A_159 = arith.constant 0 : i32
      %dma_wait3A_160 = arith.constant 0 : i32
      %dma_wait3A_161 = tpu.memref_slice %arg9[%dma_wait3A_158, %dma_wait3A_159, %dma_wait3A_160] : memref<2x128x128xf32, #tpu.memory_space<vmem>> -> memref<1x128x128xf32, #tpu.memory_space<vmem>>
      %dma_wait3A_162 = tpu.memref_squeeze %dma_wait3A_161 : memref<1x128x128xf32, #tpu.memory_space<vmem>> -> memref<128x128xf32, #tpu.memory_space<vmem>>
      %dma_wait3A_163 = arith.constant 0 : i32
      %dma_wait3A_164 = tpu.memref_slice %arg7[%add3A_157, %dma_wait3A_163] : memref<40x128xi32, #tpu.memory_space<vmem>> -> memref<1x128xi32, #tpu.memory_space<vmem>>
      %dma_wait3A_165 = tpu.memref_squeeze %dma_wait3A_164 : memref<1x128xi32, #tpu.memory_space<vmem>> -> memref<128xi32, #tpu.memory_space<vmem>>
      %dma_wait3A_166 = arith.constant 0 : i32
      %dma_wait3A_167 = arith.constant 0 : i32
      %dma_wait3A_168 = tpu.memref_slice %arg2[%dma_wait3A_166, %dma_wait3A_167] : memref<10240x128xf32, #tpu.memory_space<hbm>> -> memref<10240x128xf32, #tpu.memory_space<hbm>>
      tpu.wait_indirect_dma semaphore(%arg12 : memref<!tpu.dma_semaphore, #tpu.memory_space<semaphore_mem>>) src(%dma_wait3A_168 : memref<10240x128xf32, #tpu.memory_space<hbm>>) dst(%dma_wait3A_162 : memref<128x128xf32, #tpu.memory_space<vmem>>)
      %run_scoped3A_169 = arith.constant 1 : i32
      "tpu.region"() ({
        %run_scoped3A_183 = tpu.sem_alloc : memref<!tpu.dma_semaphore, #tpu.memory_space<semaphore_mem>>
        %dma_start3A_184 = arith.constant 0 : i32
        %dma_start3A_185 = arith.constant 0 : i32
        %dma_start3A_186 = tpu.memref_slice %arg9[%run_scoped3A_169, %dma_start3A_184, %dma_start3A_185] : memref<2x128x128xf32, #tpu.memory_space<vmem>> -> memref<1x128x128xf32, #tpu.memory_space<vmem>>
        %dma_start3A_187 = tpu.memref_squeeze %dma_start3A_186 : memref<1x128x128xf32, #tpu.memory_space<vmem>> -> memref<128x128xf32, #tpu.memory_space<vmem>>
        %dma_start3A_188 = arith.constant 0 : i32
        %dma_start3A_189 = tpu.memref_slice %arg8[%add3A_157, %dma_start3A_188] : memref<40x128xi32, #tpu.memory_space<vmem>> -> memref<1x128xi32, #tpu.memory_space<vmem>>
        %dma_start3A_190 = tpu.memref_squeeze %dma_start3A_189 : memref<1x128xi32, #tpu.memory_space<vmem>> -> memref<128xi32, #tpu.memory_space<vmem>>
        %dma_start3A_191 = arith.constant 0 : i32
        %dma_start3A_192 = arith.constant 0 : i32
        %dma_start3A_193 = tpu.memref_slice %arg10[%dma_start3A_191, %dma_start3A_192] : memref<10240x128xf32, #tpu.memory_space<vmem_shared>> -> memref<10240x128xf32, #tpu.memory_space<vmem_shared>>
        tpu.enqueue_indirect_dma source(%dma_start3A_187 : memref<128x128xf32, #tpu.memory_space<vmem>>) target(%dma_start3A_193 : memref<10240x128xf32, #tpu.memory_space<vmem_shared>>) offsets(%dma_start3A_190 : memref<128xi32, #tpu.memory_space<vmem>>) semaphore(%run_scoped3A_183 : memref<!tpu.dma_semaphore, #tpu.memory_space<semaphore_mem>>) {add = true}
        %dma_wait3A_194 = arith.constant 0 : i32
        %dma_wait3A_195 = arith.constant 0 : i32
        %dma_wait3A_196 = tpu.memref_slice %arg9[%run_scoped3A_169, %dma_wait3A_194, %dma_wait3A_195] : memref<2x128x128xf32, #tpu.memory_space<vmem>> -> memref<1x128x128xf32, #tpu.memory_space<vmem>>
        %dma_wait3A_197 = tpu.memref_squeeze %dma_wait3A_196 : memref<1x128x128xf32, #tpu.memory_space<vmem>> -> memref<128x128xf32, #tpu.memory_space<vmem>>
        %dma_wait3A_198 = arith.constant 0 : i32
        %dma_wait3A_199 = tpu.memref_slice %arg8[%add3A_157, %dma_wait3A_198] : memref<40x128xi32, #tpu.memory_space<vmem>> -> memref<1x128xi32, #tpu.memory_space<vmem>>
        %dma_wait3A_200 = tpu.memref_squeeze %dma_wait3A_199 : memref<1x128xi32, #tpu.memory_space<vmem>> -> memref<128xi32, #tpu.memory_space<vmem>>
        %dma_wait3A_201 = arith.constant 0 : i32
        %dma_wait3A_202 = arith.constant 0 : i32
        %dma_wait3A_203 = tpu.memref_slice %arg10[%dma_wait3A_201, %dma_wait3A_202] : memref<10240x128xf32, #tpu.memory_space<vmem_shared>> -> memref<10240x128xf32, #tpu.memory_space<vmem_shared>>
        tpu.wait_indirect_dma semaphore(%run_scoped3A_183 : memref<!tpu.dma_semaphore, #tpu.memory_space<semaphore_mem>>) src(%dma_wait3A_197 : memref<128x128xf32, #tpu.memory_space<vmem>>) dst(%dma_wait3A_203 : memref<10240x128xf32, #tpu.memory_space<vmem_shared>>)
        tpu.yield
      }) : () -> ()
      %add3A_170 = arith.constant 2 : i32
      %add3A_171 = arith.addi %add3A_157, %add3A_170 : i32
      %dma_start3A_172 = arith.constant 1 : i32
      %dma_start3A_173 = arith.constant 0 : i32
      %dma_start3A_174 = arith.constant 0 : i32
      %dma_start3A_175 = tpu.memref_slice %arg9[%dma_start3A_172, %dma_start3A_173, %dma_start3A_174] : memref<2x128x128xf32, #tpu.memory_space<vmem>> -> memref<1x128x128xf32, #tpu.memory_space<vmem>>
      %dma_start3A_176 = tpu.memref_squeeze %dma_start3A_175 : memref<1x128x128xf32, #tpu.memory_space<vmem>> -> memref<128x128xf32, #tpu.memory_space<vmem>>
      %dma_start3A_177 = arith.constant 0 : i32
      %dma_start3A_178 = tpu.memref_slice %arg7[%add3A_171, %dma_start3A_177] : memref<40x128xi32, #tpu.memory_space<vmem>> -> memref<1x128xi32, #tpu.memory_space<vmem>>
      %dma_start3A_179 = tpu.memref_squeeze %dma_start3A_178 : memref<1x128xi32, #tpu.memory_space<vmem>> -> memref<128xi32, #tpu.memory_space<vmem>>
      %dma_start3A_180 = arith.constant 0 : i32
      %dma_start3A_181 = arith.constant 0 : i32
      %dma_start3A_182 = tpu.memref_slice %arg2[%dma_start3A_180, %dma_start3A_181] : memref<10240x128xf32, #tpu.memory_space<hbm>> -> memref<10240x128xf32, #tpu.memory_space<hbm>>
      tpu.enqueue_indirect_dma source(%dma_start3A_182 : memref<10240x128xf32, #tpu.memory_space<hbm>>) target(%dma_start3A_176 : memref<128x128xf32, #tpu.memory_space<vmem>>) offsets(%dma_start3A_179 : memref<128xi32, #tpu.memory_space<vmem>>) semaphore(%arg12 : memref<!tpu.dma_semaphore, #tpu.memory_space<semaphore_mem>>)
    }
    %scan3A_31 = arith.constant 19 : i32
    %dma_wait3A = arith.constant 38 : i32
    %dma_wait3A_32 = arith.constant 0 : i32
    %dma_wait3A_33 = arith.constant 0 : i32
    %dma_wait3A_34 = arith.constant 0 : i32
    %dma_wait3A_35 = tpu.memref_slice %arg9[%dma_wait3A_32, %dma_wait3A_33, %dma_wait3A_34] : memref<2x128x128xf32, #tpu.memory_space<vmem>> -> memref<1x128x128xf32, #tpu.memory_space<vmem>>
    %dma_wait3A_36 = tpu.memref_squeeze %dma_wait3A_35 : memref<1x128x128xf32, #tpu.memory_space<vmem>> -> memref<128x128xf32, #tpu.memory_space<vmem>>
    %dma_wait3A_37 = arith.constant 0 : i32
    %dma_wait3A_38 = tpu.memref_slice %arg7[%dma_wait3A, %dma_wait3A_37] : memref<40x128xi32, #tpu.memory_space<vmem>> -> memref<1x128xi32, #tpu.memory_space<vmem>>
    %dma_wait3A_39 = tpu.memref_squeeze %dma_wait3A_38 : memref<1x128xi32, #tpu.memory_space<vmem>> -> memref<128xi32, #tpu.memory_space<vmem>>
    %dma_wait3A_40 = arith.constant 0 : i32
    %dma_wait3A_41 = arith.constant 0 : i32
    %dma_wait3A_42 = tpu.memref_slice %arg2[%dma_wait3A_40, %dma_wait3A_41] : memref<10240x128xf32, #tpu.memory_space<hbm>> -> memref<10240x128xf32, #tpu.memory_space<hbm>>
    tpu.wait_indirect_dma semaphore(%arg11 : memref<!tpu.dma_semaphore, #tpu.memory_space<semaphore_mem>>) src(%dma_wait3A_42 : memref<10240x128xf32, #tpu.memory_space<hbm>>) dst(%dma_wait3A_36 : memref<128x128xf32, #tpu.memory_space<vmem>>)
    %run_scoped3A_43 = arith.constant 0 : i32
    %run_scoped3A_44 = arith.constant 38 : i32
    "tpu.region"() ({
      %run_scoped3A_124 = tpu.sem_alloc : memref<!tpu.dma_semaphore, #tpu.memory_space<semaphore_mem>>
      %dma_start3A_125 = arith.constant 0 : i32
      %dma_start3A_126 = arith.constant 0 : i32
      %dma_start3A_127 = tpu.memref_slice %arg9[%run_scoped3A_43, %dma_start3A_125, %dma_start3A_126] : memref<2x128x128xf32, #tpu.memory_space<vmem>> -> memref<1x128x128xf32, #tpu.memory_space<vmem>>
      %dma_start3A_128 = tpu.memref_squeeze %dma_start3A_127 : memref<1x128x128xf32, #tpu.memory_space<vmem>> -> memref<128x128xf32, #tpu.memory_space<vmem>>
      %dma_start3A_129 = arith.constant 0 : i32
      %dma_start3A_130 = tpu.memref_slice %arg8[%run_scoped3A_44, %dma_start3A_129] : memref<40x128xi32, #tpu.memory_space<vmem>> -> memref<1x128xi32, #tpu.memory_space<vmem>>
      %dma_start3A_131 = tpu.memref_squeeze %dma_start3A_130 : memref<1x128xi32, #tpu.memory_space<vmem>> -> memref<128xi32, #tpu.memory_space<vmem>>
      %dma_start3A_132 = arith.constant 0 : i32
      %dma_start3A_133 = arith.constant 0 : i32
      %dma_start3A_134 = tpu.memref_slice %arg10[%dma_start3A_132, %dma_start3A_133] : memref<10240x128xf32, #tpu.memory_space<vmem_shared>> -> memref<10240x128xf32, #tpu.memory_space<vmem_shared>>
      tpu.enqueue_indirect_dma source(%dma_start3A_128 : memref<128x128xf32, #tpu.memory_space<vmem>>) target(%dma_start3A_134 : memref<10240x128xf32, #tpu.memory_space<vmem_shared>>) offsets(%dma_start3A_131 : memref<128xi32, #tpu.memory_space<vmem>>) semaphore(%run_scoped3A_124 : memref<!tpu.dma_semaphore, #tpu.memory_space<semaphore_mem>>) {add = true}
      %dma_wait3A_135 = arith.constant 0 : i32
      %dma_wait3A_136 = arith.constant 0 : i32
      %dma_wait3A_137 = tpu.memref_slice %arg9[%run_scoped3A_43, %dma_wait3A_135, %dma_wait3A_136] : memref<2x128x128xf32, #tpu.memory_space<vmem>> -> memref<1x128x128xf32, #tpu.memory_space<vmem>>
      %dma_wait3A_138 = tpu.memref_squeeze %dma_wait3A_137 : memref<1x128x128xf32, #tpu.memory_space<vmem>> -> memref<128x128xf32, #tpu.memory_space<vmem>>
      %dma_wait3A_139 = arith.constant 0 : i32
      %dma_wait3A_140 = tpu.memref_slice %arg8[%run_scoped3A_44, %dma_wait3A_139] : memref<40x128xi32, #tpu.memory_space<vmem>> -> memref<1x128xi32, #tpu.memory_space<vmem>>
      %dma_wait3A_141 = tpu.memref_squeeze %dma_wait3A_140 : memref<1x128xi32, #tpu.memory_space<vmem>> -> memref<128xi32, #tpu.memory_space<vmem>>
      %dma_wait3A_142 = arith.constant 0 : i32
      %dma_wait3A_143 = arith.constant 0 : i32
      %dma_wait3A_144 = tpu.memref_slice %arg10[%dma_wait3A_142, %dma_wait3A_143] : memref<10240x128xf32, #tpu.memory_space<vmem_shared>> -> memref<10240x128xf32, #tpu.memory_space<vmem_shared>>
      tpu.wait_indirect_dma semaphore(%run_scoped3A_124 : memref<!tpu.dma_semaphore, #tpu.memory_space<semaphore_mem>>) src(%dma_wait3A_138 : memref<128x128xf32, #tpu.memory_space<vmem>>) dst(%dma_wait3A_144 : memref<10240x128xf32, #tpu.memory_space<vmem_shared>>)
      tpu.yield
    }) : () -> ()
    %dma_wait3A_45 = arith.constant 39 : i32
    %dma_wait3A_46 = arith.constant 1 : i32
    %dma_wait3A_47 = arith.constant 0 : i32
    %dma_wait3A_48 = arith.constant 0 : i32
    %dma_wait3A_49 = tpu.memref_slice %arg9[%dma_wait3A_46, %dma_wait3A_47, %dma_wait3A_48] : memref<2x128x128xf32, #tpu.memory_space<vmem>> -> memref<1x128x128xf32, #tpu.memory_space<vmem>>
    %dma_wait3A_50 = tpu.memref_squeeze %dma_wait3A_49 : memref<1x128x128xf32, #tpu.memory_space<vmem>> -> memref<128x128xf32, #tpu.memory_space<vmem>>
    %dma_wait3A_51 = arith.constant 0 : i32
    %dma_wait3A_52 = tpu.memref_slice %arg7[%dma_wait3A_45, %dma_wait3A_51] : memref<40x128xi32, #tpu.memory_space<vmem>> -> memref<1x128xi32, #tpu.memory_space<vmem>>
    %dma_wait3A_53 = tpu.memref_squeeze %dma_wait3A_52 : memref<1x128xi32, #tpu.memory_space<vmem>> -> memref<128xi32, #tpu.memory_space<vmem>>
    %dma_wait3A_54 = arith.constant 0 : i32
    %dma_wait3A_55 = arith.constant 0 : i32
    %dma_wait3A_56 = tpu.memref_slice %arg2[%dma_wait3A_54, %dma_wait3A_55] : memref<10240x128xf32, #tpu.memory_space<hbm>> -> memref<10240x128xf32, #tpu.memory_space<hbm>>
    tpu.wait_indirect_dma semaphore(%arg12 : memref<!tpu.dma_semaphore, #tpu.memory_space<semaphore_mem>>) src(%dma_wait3A_56 : memref<10240x128xf32, #tpu.memory_space<hbm>>) dst(%dma_wait3A_50 : memref<128x128xf32, #tpu.memory_space<vmem>>)
    %run_scoped3A_57 = arith.constant 1 : i32
    %run_scoped3A_58 = arith.constant 39 : i32
    "tpu.region"() ({
      %run_scoped3A_124 = tpu.sem_alloc : memref<!tpu.dma_semaphore, #tpu.memory_space<semaphore_mem>>
      %dma_start3A_125 = arith.constant 0 : i32
      %dma_start3A_126 = arith.constant 0 : i32
      %dma_start3A_127 = tpu.memref_slice %arg9[%run_scoped3A_57, %dma_start3A_125, %dma_start3A_126] : memref<2x128x128xf32, #tpu.memory_space<vmem>> -> memref<1x128x128xf32, #tpu.memory_space<vmem>>
      %dma_start3A_128 = tpu.memref_squeeze %dma_start3A_127 : memref<1x128x128xf32, #tpu.memory_space<vmem>> -> memref<128x128xf32, #tpu.memory_space<vmem>>
      %dma_start3A_129 = arith.constant 0 : i32
      %dma_start3A_130 = tpu.memref_slice %arg8[%run_scoped3A_58, %dma_start3A_129] : memref<40x128xi32, #tpu.memory_space<vmem>> -> memref<1x128xi32, #tpu.memory_space<vmem>>
      %dma_start3A_131 = tpu.memref_squeeze %dma_start3A_130 : memref<1x128xi32, #tpu.memory_space<vmem>> -> memref<128xi32, #tpu.memory_space<vmem>>
      %dma_start3A_132 = arith.constant 0 : i32
      %dma_start3A_133 = arith.constant 0 : i32
      %dma_start3A_134 = tpu.memref_slice %arg10[%dma_start3A_132, %dma_start3A_133] : memref<10240x128xf32, #tpu.memory_space<vmem_shared>> -> memref<10240x128xf32, #tpu.memory_space<vmem_shared>>
      tpu.enqueue_indirect_dma source(%dma_start3A_128 : memref<128x128xf32, #tpu.memory_space<vmem>>) target(%dma_start3A_134 : memref<10240x128xf32, #tpu.memory_space<vmem_shared>>) offsets(%dma_start3A_131 : memref<128xi32, #tpu.memory_space<vmem>>) semaphore(%run_scoped3A_124 : memref<!tpu.dma_semaphore, #tpu.memory_space<semaphore_mem>>) {add = true}
      %dma_wait3A_135 = arith.constant 0 : i32
      %dma_wait3A_136 = arith.constant 0 : i32
      %dma_wait3A_137 = tpu.memref_slice %arg9[%run_scoped3A_57, %dma_wait3A_135, %dma_wait3A_136] : memref<2x128x128xf32, #tpu.memory_space<vmem>> -> memref<1x128x128xf32, #tpu.memory_space<vmem>>
      %dma_wait3A_138 = tpu.memref_squeeze %dma_wait3A_137 : memref<1x128x128xf32, #tpu.memory_space<vmem>> -> memref<128x128xf32, #tpu.memory_space<vmem>>
      %dma_wait3A_139 = arith.constant 0 : i32
      %dma_wait3A_140 = tpu.memref_slice %arg8[%run_scoped3A_58, %dma_wait3A_139] : memref<40x128xi32, #tpu.memory_space<vmem>> -> memref<1x128xi32, #tpu.memory_space<vmem>>
      %dma_wait3A_141 = tpu.memref_squeeze %dma_wait3A_140 : memref<1x128xi32, #tpu.memory_space<vmem>> -> memref<128xi32, #tpu.memory_space<vmem>>
      %dma_wait3A_142 = arith.constant 0 : i32
      %dma_wait3A_143 = arith.constant 0 : i32
      %dma_wait3A_144 = tpu.memref_slice %arg10[%dma_wait3A_142, %dma_wait3A_143] : memref<10240x128xf32, #tpu.memory_space<vmem_shared>> -> memref<10240x128xf32, #tpu.memory_space<vmem_shared>>
      tpu.wait_indirect_dma semaphore(%run_scoped3A_124 : memref<!tpu.dma_semaphore, #tpu.memory_space<semaphore_mem>>) src(%dma_wait3A_138 : memref<128x128xf32, #tpu.memory_space<vmem>>) dst(%dma_wait3A_144 : memref<10240x128xf32, #tpu.memory_space<vmem_shared>>)
      tpu.yield
    }) : () -> ()
    %run_scoped3A_59 = arith.constant 1 : i32
    "tpu.region"() ({
      %run_scoped3A_124 = tpu.sem_alloc : memref<!tpu.dma_semaphore, #tpu.memory_space<semaphore_mem>>
      %dma_start3A_125 = arith.constant 0 : i32
      %dma_start3A_126 = arith.constant 0 : i32
      %dma_start3A_127 = tpu.memref_slice %arg3[%add3A, %run_scoped3A_59, %dma_start3A_125, %dma_start3A_126] : memref<32x2x40x128xi32, #tpu.memory_space<hbm>> -> memref<1x1x40x128xi32, #tpu.memory_space<hbm>>
      %dma_start3A_128 = tpu.memref_squeeze %dma_start3A_127 : memref<1x1x40x128xi32, #tpu.memory_space<hbm>> -> memref<40x128xi32, #tpu.memory_space<hbm>>
      %dma_start3A_129 = arith.constant 0 : i32
      %dma_start3A_130 = arith.constant 0 : i32
      %dma_start3A_131 = tpu.memref_slice %arg3[%add3A, %run_scoped3A_59, %dma_start3A_129, %dma_start3A_130] : memref<32x2x40x128xi32, #tpu.memory_space<hbm>> -> memref<1x1x40x128xi32, #tpu.memory_space<hbm>>
      %dma_start3A_132 = tpu.memref_squeeze %dma_start3A_131 : memref<1x1x40x128xi32, #tpu.memory_space<hbm>> -> memref<40x128xi32, #tpu.memory_space<hbm>>
      tpu.enqueue_dma source(%dma_start3A_132 : memref<40x128xi32, #tpu.memory_space<hbm>>) target(%arg7 : memref<40x128xi32, #tpu.memory_space<vmem>>) target_semaphore(%run_scoped3A_124 : memref<!tpu.dma_semaphore, #tpu.memory_space<semaphore_mem>>)
      %dma_wait3A_133 = arith.constant 0 : i32
      %dma_wait3A_134 = arith.constant 0 : i32
      %dma_wait3A_135 = tpu.memref_slice %arg3[%add3A, %run_scoped3A_59, %dma_wait3A_133, %dma_wait3A_134] : memref<32x2x40x128xi32, #tpu.memory_space<hbm>> -> memref<1x1x40x128xi32, #tpu.memory_space<hbm>>
      %dma_wait3A_136 = tpu.memref_squeeze %dma_wait3A_135 : memref<1x1x40x128xi32, #tpu.memory_space<hbm>> -> memref<40x128xi32, #tpu.memory_space<hbm>>
      %dma_wait3A_137 = arith.constant 0 : i32
      %dma_wait3A_138 = arith.constant 0 : i32
      %dma_wait3A_139 = tpu.memref_slice %arg3[%add3A, %run_scoped3A_59, %dma_wait3A_137, %dma_wait3A_138] : memref<32x2x40x128xi32, #tpu.memory_space<hbm>> -> memref<1x1x40x128xi32, #tpu.memory_space<hbm>>
      %dma_wait3A_140 = tpu.memref_squeeze %dma_wait3A_139 : memref<1x1x40x128xi32, #tpu.memory_space<hbm>> -> memref<40x128xi32, #tpu.memory_space<hbm>>
      tpu.wait_dma2 semaphore(%run_scoped3A_124 : memref<!tpu.dma_semaphore, #tpu.memory_space<semaphore_mem>>) src(%dma_wait3A_140 : memref<40x128xi32, #tpu.memory_space<hbm>>) dst(%arg7 : memref<40x128xi32, #tpu.memory_space<vmem>>)
      tpu.yield
    }) : () -> ()
    %run_scoped3A_60 = arith.constant 1 : i32
    "tpu.region"() ({
      %run_scoped3A_124 = tpu.sem_alloc : memref<!tpu.dma_semaphore, #tpu.memory_space<semaphore_mem>>
      %dma_start3A_125 = arith.constant 0 : i32
      %dma_start3A_126 = arith.constant 0 : i32
      %dma_start3A_127 = tpu.memref_slice %arg4[%add3A, %run_scoped3A_60, %dma_start3A_125, %dma_start3A_126] : memref<32x2x40x128xi32, #tpu.memory_space<hbm>> -> memref<1x1x40x128xi32, #tpu.memory_space<hbm>>
      %dma_start3A_128 = tpu.memref_squeeze %dma_start3A_127 : memref<1x1x40x128xi32, #tpu.memory_space<hbm>> -> memref<40x128xi32, #tpu.memory_space<hbm>>
      %dma_start3A_129 = arith.constant 0 : i32
      %dma_start3A_130 = arith.constant 0 : i32
      %dma_start3A_131 = tpu.memref_slice %arg4[%add3A, %run_scoped3A_60, %dma_start3A_129, %dma_start3A_130] : memref<32x2x40x128xi32, #tpu.memory_space<hbm>> -> memref<1x1x40x128xi32, #tpu.memory_space<hbm>>
      %dma_start3A_132 = tpu.memref_squeeze %dma_start3A_131 : memref<1x1x40x128xi32, #tpu.memory_space<hbm>> -> memref<40x128xi32, #tpu.memory_space<hbm>>
      tpu.enqueue_dma source(%dma_start3A_132 : memref<40x128xi32, #tpu.memory_space<hbm>>) target(%arg8 : memref<40x128xi32, #tpu.memory_space<vmem>>) target_semaphore(%run_scoped3A_124 : memref<!tpu.dma_semaphore, #tpu.memory_space<semaphore_mem>>)
      %dma_wait3A_133 = arith.constant 0 : i32
      %dma_wait3A_134 = arith.constant 0 : i32
      %dma_wait3A_135 = tpu.memref_slice %arg4[%add3A, %run_scoped3A_60, %dma_wait3A_133, %dma_wait3A_134] : memref<32x2x40x128xi32, #tpu.memory_space<hbm>> -> memref<1x1x40x128xi32, #tpu.memory_space<hbm>>
      %dma_wait3A_136 = tpu.memref_squeeze %dma_wait3A_135 : memref<1x1x40x128xi32, #tpu.memory_space<hbm>> -> memref<40x128xi32, #tpu.memory_space<hbm>>
      %dma_wait3A_137 = arith.constant 0 : i32
      %dma_wait3A_138 = arith.constant 0 : i32
      %dma_wait3A_139 = tpu.memref_slice %arg4[%add3A, %run_scoped3A_60, %dma_wait3A_137, %dma_wait3A_138] : memref<32x2x40x128xi32, #tpu.memory_space<hbm>> -> memref<1x1x40x128xi32, #tpu.memory_space<hbm>>
      %dma_wait3A_140 = tpu.memref_squeeze %dma_wait3A_139 : memref<1x1x40x128xi32, #tpu.memory_space<hbm>> -> memref<40x128xi32, #tpu.memory_space<hbm>>
      tpu.wait_dma2 semaphore(%run_scoped3A_124 : memref<!tpu.dma_semaphore, #tpu.memory_space<semaphore_mem>>) src(%dma_wait3A_140 : memref<40x128xi32, #tpu.memory_space<hbm>>) dst(%arg8 : memref<40x128xi32, #tpu.memory_space<vmem>>)
      tpu.yield
    }) : () -> ()
    %dma_start3A_61 = arith.constant 0 : i32
    %dma_start3A_62 = arith.constant 0 : i32
    %dma_start3A_63 = arith.constant 0 : i32
    %dma_start3A_64 = arith.constant 0 : i32
    %dma_start3A_65 = tpu.memref_slice %arg9[%dma_start3A_62, %dma_start3A_63, %dma_start3A_64] : memref<2x128x128xf32, #tpu.memory_space<vmem>> -> memref<1x128x128xf32, #tpu.memory_space<vmem>>
    %dma_start3A_66 = tpu.memref_squeeze %dma_start3A_65 : memref<1x128x128xf32, #tpu.memory_space<vmem>> -> memref<128x128xf32, #tpu.memory_space<vmem>>
    %dma_start3A_67 = arith.constant 0 : i32
    %dma_start3A_68 = tpu.memref_slice %arg7[%dma_start3A_61, %dma_start3A_67] : memref<40x128xi32, #tpu.memory_space<vmem>> -> memref<1x128xi32, #tpu.memory_space<vmem>>
    %dma_start3A_69 = tpu.memref_squeeze %dma_start3A_68 : memref<1x128xi32, #tpu.memory_space<vmem>> -> memref<128xi32, #tpu.memory_space<vmem>>
    %dma_start3A_70 = arith.constant 0 : i32
    %dma_start3A_71 = arith.constant 0 : i32
    %dma_start3A_72 = tpu.memref_slice %arg2[%dma_start3A_70, %dma_start3A_71] : memref<10240x128xf32, #tpu.memory_space<hbm>> -> memref<10240x128xf32, #tpu.memory_space<hbm>>
    tpu.enqueue_indirect_dma source(%dma_start3A_72 : memref<10240x128xf32, #tpu.memory_space<hbm>>) target(%dma_start3A_66 : memref<128x128xf32, #tpu.memory_space<vmem>>) offsets(%dma_start3A_69 : memref<128xi32, #tpu.memory_space<vmem>>) semaphore(%arg11 : memref<!tpu.dma_semaphore, #tpu.memory_space<semaphore_mem>>)
    %dma_start3A_73 = arith.constant 1 : i32
    %dma_start3A_74 = arith.constant 1 : i32
    %dma_start3A_75 = arith.constant 0 : i32
    %dma_start3A_76 = arith.constant 0 : i32
    %dma_start3A_77 = tpu.memref_slice %arg9[%dma_start3A_74, %dma_start3A_75, %dma_start3A_76] : memref<2x128x128xf32, #tpu.memory_space<vmem>> -> memref<1x128x128xf32, #tpu.memory_space<vmem>>
    %dma_start3A_78 = tpu.memref_squeeze %dma_start3A_77 : memref<1x128x128xf32, #tpu.memory_space<vmem>> -> memref<128x128xf32, #tpu.memory_space<vmem>>
    %dma_start3A_79 = arith.constant 0 : i32
    %dma_start3A_80 = tpu.memref_slice %arg7[%dma_start3A_73, %dma_start3A_79] : memref<40x128xi32, #tpu.memory_space<vmem>> -> memref<1x128xi32, #tpu.memory_space<vmem>>
    %dma_start3A_81 = tpu.memref_squeeze %dma_start3A_80 : memref<1x128xi32, #tpu.memory_space<vmem>> -> memref<128xi32, #tpu.memory_space<vmem>>
    %dma_start3A_82 = arith.constant 0 : i32
    %dma_start3A_83 = arith.constant 0 : i32
    %dma_start3A_84 = tpu.memref_slice %arg2[%dma_start3A_82, %dma_start3A_83] : memref<10240x128xf32, #tpu.memory_space<hbm>> -> memref<10240x128xf32, #tpu.memory_space<hbm>>
    tpu.enqueue_indirect_dma source(%dma_start3A_84 : memref<10240x128xf32, #tpu.memory_space<hbm>>) target(%dma_start3A_78 : memref<128x128xf32, #tpu.memory_space<vmem>>) offsets(%dma_start3A_81 : memref<128xi32, #tpu.memory_space<vmem>>) semaphore(%arg12 : memref<!tpu.dma_semaphore, #tpu.memory_space<semaphore_mem>>)
    %scan3A_85 = arith.constant 0 : i32
    %scan3A_86 = arith.constant 0 : i32
    %scan3A_87 = arith.constant 19 : i32
    %scan3A_88 = arith.addi %scan3A_86, %scan3A_87 : i32
    %scan3A_89 = arith.constant 1 : i32
    scf.for %scan3A_124 = %scan3A_86 to %scan3A_88 step %scan3A_89  : i32 {
      %mul3A_125 = arith.constant 2 : i32
      %mul3A_126 = arith.muli %scan3A_124, %mul3A_125 : i32
      %add3A_127 = arith.constant 0 : i32
      %add3A_128 = arith.addi %mul3A_126, %add3A_127 : i32
      %dma_wait3A_129 = arith.constant 0 : i32
      %dma_wait3A_130 = arith.constant 0 : i32
      %dma_wait3A_131 = arith.constant 0 : i32
      %dma_wait3A_132 = tpu.memref_slice %arg9[%dma_wait3A_129, %dma_wait3A_130, %dma_wait3A_131] : memref<2x128x128xf32, #tpu.memory_space<vmem>> -> memref<1x128x128xf32, #tpu.memory_space<vmem>>
      %dma_wait3A_133 = tpu.memref_squeeze %dma_wait3A_132 : memref<1x128x128xf32, #tpu.memory_space<vmem>> -> memref<128x128xf32, #tpu.memory_space<vmem>>
      %dma_wait3A_134 = arith.constant 0 : i32
      %dma_wait3A_135 = tpu.memref_slice %arg7[%add3A_128, %dma_wait3A_134] : memref<40x128xi32, #tpu.memory_space<vmem>> -> memref<1x128xi32, #tpu.memory_space<vmem>>
      %dma_wait3A_136 = tpu.memref_squeeze %dma_wait3A_135 : memref<1x128xi32, #tpu.memory_space<vmem>> -> memref<128xi32, #tpu.memory_space<vmem>>
      %dma_wait3A_137 = arith.constant 0 : i32
      %dma_wait3A_138 = arith.constant 0 : i32
      %dma_wait3A_139 = tpu.memref_slice %arg2[%dma_wait3A_137, %dma_wait3A_138] : memref<10240x128xf32, #tpu.memory_space<hbm>> -> memref<10240x128xf32, #tpu.memory_space<hbm>>
      tpu.wait_indirect_dma semaphore(%arg11 : memref<!tpu.dma_semaphore, #tpu.memory_space<semaphore_mem>>) src(%dma_wait3A_139 : memref<10240x128xf32, #tpu.memory_space<hbm>>) dst(%dma_wait3A_133 : memref<128x128xf32, #tpu.memory_space<vmem>>)
      %run_scoped3A_140 = arith.constant 0 : i32
      "tpu.region"() ({
        %run_scoped3A_183 = tpu.sem_alloc : memref<!tpu.dma_semaphore, #tpu.memory_space<semaphore_mem>>
        %dma_start3A_184 = arith.constant 0 : i32
        %dma_start3A_185 = arith.constant 0 : i32
        %dma_start3A_186 = tpu.memref_slice %arg9[%run_scoped3A_140, %dma_start3A_184, %dma_start3A_185] : memref<2x128x128xf32, #tpu.memory_space<vmem>> -> memref<1x128x128xf32, #tpu.memory_space<vmem>>
        %dma_start3A_187 = tpu.memref_squeeze %dma_start3A_186 : memref<1x128x128xf32, #tpu.memory_space<vmem>> -> memref<128x128xf32, #tpu.memory_space<vmem>>
        %dma_start3A_188 = arith.constant 0 : i32
        %dma_start3A_189 = tpu.memref_slice %arg8[%add3A_128, %dma_start3A_188] : memref<40x128xi32, #tpu.memory_space<vmem>> -> memref<1x128xi32, #tpu.memory_space<vmem>>
        %dma_start3A_190 = tpu.memref_squeeze %dma_start3A_189 : memref<1x128xi32, #tpu.memory_space<vmem>> -> memref<128xi32, #tpu.memory_space<vmem>>
        %dma_start3A_191 = arith.constant 0 : i32
        %dma_start3A_192 = arith.constant 0 : i32
        %dma_start3A_193 = tpu.memref_slice %arg10[%dma_start3A_191, %dma_start3A_192] : memref<10240x128xf32, #tpu.memory_space<vmem_shared>> -> memref<10240x128xf32, #tpu.memory_space<vmem_shared>>
        tpu.enqueue_indirect_dma source(%dma_start3A_187 : memref<128x128xf32, #tpu.memory_space<vmem>>) target(%dma_start3A_193 : memref<10240x128xf32, #tpu.memory_space<vmem_shared>>) offsets(%dma_start3A_190 : memref<128xi32, #tpu.memory_space<vmem>>) semaphore(%run_scoped3A_183 : memref<!tpu.dma_semaphore, #tpu.memory_space<semaphore_mem>>) {add = true}
        %dma_wait3A_194 = arith.constant 0 : i32
        %dma_wait3A_195 = arith.constant 0 : i32
        %dma_wait3A_196 = tpu.memref_slice %arg9[%run_scoped3A_140, %dma_wait3A_194, %dma_wait3A_195] : memref<2x128x128xf32, #tpu.memory_space<vmem>> -> memref<1x128x128xf32, #tpu.memory_space<vmem>>
        %dma_wait3A_197 = tpu.memref_squeeze %dma_wait3A_196 : memref<1x128x128xf32, #tpu.memory_space<vmem>> -> memref<128x128xf32, #tpu.memory_space<vmem>>
        %dma_wait3A_198 = arith.constant 0 : i32
        %dma_wait3A_199 = tpu.memref_slice %arg8[%add3A_128, %dma_wait3A_198] : memref<40x128xi32, #tpu.memory_space<vmem>> -> memref<1x128xi32, #tpu.memory_space<vmem>>
        %dma_wait3A_200 = tpu.memref_squeeze %dma_wait3A_199 : memref<1x128xi32, #tpu.memory_space<vmem>> -> memref<128xi32, #tpu.memory_space<vmem>>
        %dma_wait3A_201 = arith.constant 0 : i32
        %dma_wait3A_202 = arith.constant 0 : i32
        %dma_wait3A_203 = tpu.memref_slice %arg10[%dma_wait3A_201, %dma_wait3A_202] : memref<10240x128xf32, #tpu.memory_space<vmem_shared>> -> memref<10240x128xf32, #tpu.memory_space<vmem_shared>>
        tpu.wait_indirect_dma semaphore(%run_scoped3A_183 : memref<!tpu.dma_semaphore, #tpu.memory_space<semaphore_mem>>) src(%dma_wait3A_197 : memref<128x128xf32, #tpu.memory_space<vmem>>) dst(%dma_wait3A_203 : memref<10240x128xf32, #tpu.memory_space<vmem_shared>>)
        tpu.yield
      }) : () -> ()
      %add3A_141 = arith.constant 2 : i32
      %add3A_142 = arith.addi %add3A_128, %add3A_141 : i32
      %dma_start3A_143 = arith.constant 0 : i32
      %dma_start3A_144 = arith.constant 0 : i32
      %dma_start3A_145 = arith.constant 0 : i32
      %dma_start3A_146 = tpu.memref_slice %arg9[%dma_start3A_143, %dma_start3A_144, %dma_start3A_145] : memref<2x128x128xf32, #tpu.memory_space<vmem>> -> memref<1x128x128xf32, #tpu.memory_space<vmem>>
      %dma_start3A_147 = tpu.memref_squeeze %dma_start3A_146 : memref<1x128x128xf32, #tpu.memory_space<vmem>> -> memref<128x128xf32, #tpu.memory_space<vmem>>
      %dma_start3A_148 = arith.constant 0 : i32
      %dma_start3A_149 = tpu.memref_slice %arg7[%add3A_142, %dma_start3A_148] : memref<40x128xi32, #tpu.memory_space<vmem>> -> memref<1x128xi32, #tpu.memory_space<vmem>>
      %dma_start3A_150 = tpu.memref_squeeze %dma_start3A_149 : memref<1x128xi32, #tpu.memory_space<vmem>> -> memref<128xi32, #tpu.memory_space<vmem>>
      %dma_start3A_151 = arith.constant 0 : i32
      %dma_start3A_152 = arith.constant 0 : i32
      %dma_start3A_153 = tpu.memref_slice %arg2[%dma_start3A_151, %dma_start3A_152] : memref<10240x128xf32, #tpu.memory_space<hbm>> -> memref<10240x128xf32, #tpu.memory_space<hbm>>
      tpu.enqueue_indirect_dma source(%dma_start3A_153 : memref<10240x128xf32, #tpu.memory_space<hbm>>) target(%dma_start3A_147 : memref<128x128xf32, #tpu.memory_space<vmem>>) offsets(%dma_start3A_150 : memref<128xi32, #tpu.memory_space<vmem>>) semaphore(%arg11 : memref<!tpu.dma_semaphore, #tpu.memory_space<semaphore_mem>>)
      %mul3A_154 = arith.constant 2 : i32
      %mul3A_155 = arith.muli %scan3A_124, %mul3A_154 : i32
      %add3A_156 = arith.constant 1 : i32
      %add3A_157 = arith.addi %mul3A_155, %add3A_156 : i32
      %dma_wait3A_158 = arith.constant 1 : i32
      %dma_wait3A_159 = arith.constant 0 : i32
      %dma_wait3A_160 = arith.constant 0 : i32
      %dma_wait3A_161 = tpu.memref_slice %arg9[%dma_wait3A_158, %dma_wait3A_159, %dma_wait3A_160] : memref<2x128x128xf32, #tpu.memory_space<vmem>> -> memref<1x128x128xf32, #tpu.memory_space<vmem>>
      %dma_wait3A_162 = tpu.memref_squeeze %dma_wait3A_161 : memref<1x128x128xf32, #tpu.memory_space<vmem>> -> memref<128x128xf32, #tpu.memory_space<vmem>>
      %dma_wait3A_163 = arith.constant 0 : i32
      %dma_wait3A_164 = tpu.memref_slice %arg7[%add3A_157, %dma_wait3A_163] : memref<40x128xi32, #tpu.memory_space<vmem>> -> memref<1x128xi32, #tpu.memory_space<vmem>>
      %dma_wait3A_165 = tpu.memref_squeeze %dma_wait3A_164 : memref<1x128xi32, #tpu.memory_space<vmem>> -> memref<128xi32, #tpu.memory_space<vmem>>
      %dma_wait3A_166 = arith.constant 0 : i32
      %dma_wait3A_167 = arith.constant 0 : i32
      %dma_wait3A_168 = tpu.memref_slice %arg2[%dma_wait3A_166, %dma_wait3A_167] : memref<10240x128xf32, #tpu.memory_space<hbm>> -> memref<10240x128xf32, #tpu.memory_space<hbm>>
      tpu.wait_indirect_dma semaphore(%arg12 : memref<!tpu.dma_semaphore, #tpu.memory_space<semaphore_mem>>) src(%dma_wait3A_168 : memref<10240x128xf32, #tpu.memory_space<hbm>>) dst(%dma_wait3A_162 : memref<128x128xf32, #tpu.memory_space<vmem>>)
      %run_scoped3A_169 = arith.constant 1 : i32
      "tpu.region"() ({
        %run_scoped3A_183 = tpu.sem_alloc : memref<!tpu.dma_semaphore, #tpu.memory_space<semaphore_mem>>
        %dma_start3A_184 = arith.constant 0 : i32
        %dma_start3A_185 = arith.constant 0 : i32
        %dma_start3A_186 = tpu.memref_slice %arg9[%run_scoped3A_169, %dma_start3A_184, %dma_start3A_185] : memref<2x128x128xf32, #tpu.memory_space<vmem>> -> memref<1x128x128xf32, #tpu.memory_space<vmem>>
        %dma_start3A_187 = tpu.memref_squeeze %dma_start3A_186 : memref<1x128x128xf32, #tpu.memory_space<vmem>> -> memref<128x128xf32, #tpu.memory_space<vmem>>
        %dma_start3A_188 = arith.constant 0 : i32
        %dma_start3A_189 = tpu.memref_slice %arg8[%add3A_157, %dma_start3A_188] : memref<40x128xi32, #tpu.memory_space<vmem>> -> memref<1x128xi32, #tpu.memory_space<vmem>>
        %dma_start3A_190 = tpu.memref_squeeze %dma_start3A_189 : memref<1x128xi32, #tpu.memory_space<vmem>> -> memref<128xi32, #tpu.memory_space<vmem>>
        %dma_start3A_191 = arith.constant 0 : i32
        %dma_start3A_192 = arith.constant 0 : i32
        %dma_start3A_193 = tpu.memref_slice %arg10[%dma_start3A_191, %dma_start3A_192] : memref<10240x128xf32, #tpu.memory_space<vmem_shared>> -> memref<10240x128xf32, #tpu.memory_space<vmem_shared>>
        tpu.enqueue_indirect_dma source(%dma_start3A_187 : memref<128x128xf32, #tpu.memory_space<vmem>>) target(%dma_start3A_193 : memref<10240x128xf32, #tpu.memory_space<vmem_shared>>) offsets(%dma_start3A_190 : memref<128xi32, #tpu.memory_space<vmem>>) semaphore(%run_scoped3A_183 : memref<!tpu.dma_semaphore, #tpu.memory_space<semaphore_mem>>) {add = true}
        %dma_wait3A_194 = arith.constant 0 : i32
        %dma_wait3A_195 = arith.constant 0 : i32
        %dma_wait3A_196 = tpu.memref_slice %arg9[%run_scoped3A_169, %dma_wait3A_194, %dma_wait3A_195] : memref<2x128x128xf32, #tpu.memory_space<vmem>> -> memref<1x128x128xf32, #tpu.memory_space<vmem>>
        %dma_wait3A_197 = tpu.memref_squeeze %dma_wait3A_196 : memref<1x128x128xf32, #tpu.memory_space<vmem>> -> memref<128x128xf32, #tpu.memory_space<vmem>>
        %dma_wait3A_198 = arith.constant 0 : i32
        %dma_wait3A_199 = tpu.memref_slice %arg8[%add3A_157, %dma_wait3A_198] : memref<40x128xi32, #tpu.memory_space<vmem>> -> memref<1x128xi32, #tpu.memory_space<vmem>>
        %dma_wait3A_200 = tpu.memref_squeeze %dma_wait3A_199 : memref<1x128xi32, #tpu.memory_space<vmem>> -> memref<128xi32, #tpu.memory_space<vmem>>
        %dma_wait3A_201 = arith.constant 0 : i32
        %dma_wait3A_202 = arith.constant 0 : i32
        %dma_wait3A_203 = tpu.memref_slice %arg10[%dma_wait3A_201, %dma_wait3A_202] : memref<10240x128xf32, #tpu.memory_space<vmem_shared>> -> memref<10240x128xf32, #tpu.memory_space<vmem_shared>>
        tpu.wait_indirect_dma semaphore(%run_scoped3A_183 : memref<!tpu.dma_semaphore, #tpu.memory_space<semaphore_mem>>) src(%dma_wait3A_197 : memref<128x128xf32, #tpu.memory_space<vmem>>) dst(%dma_wait3A_203 : memref<10240x128xf32, #tpu.memory_space<vmem_shared>>)
        tpu.yield
      }) : () -> ()
      %add3A_170 = arith.constant 2 : i32
      %add3A_171 = arith.addi %add3A_157, %add3A_170 : i32
      %dma_start3A_172 = arith.constant 1 : i32
      %dma_start3A_173 = arith.constant 0 : i32
      %dma_start3A_174 = arith.constant 0 : i32
      %dma_start3A_175 = tpu.memref_slice %arg9[%dma_start3A_172, %dma_start3A_173, %dma_start3A_174] : memref<2x128x128xf32, #tpu.memory_space<vmem>> -> memref<1x128x128xf32, #tpu.memory_space<vmem>>
      %dma_start3A_176 = tpu.memref_squeeze %dma_start3A_175 : memref<1x128x128xf32, #tpu.memory_space<vmem>> -> memref<128x128xf32, #tpu.memory_space<vmem>>
      %dma_start3A_177 = arith.constant 0 : i32
      %dma_start3A_178 = tpu.memref_slice %arg7[%add3A_171, %dma_start3A_177] : memref<40x128xi32, #tpu.memory_space<vmem>> -> memref<1x128xi32, #tpu.memory_space<vmem>>
      %dma_start3A_179 = tpu.memref_squeeze %dma_start3A_178 : memref<1x128xi32, #tpu.memory_space<vmem>> -> memref<128xi32, #tpu.memory_space<vmem>>
      %dma_start3A_180 = arith.constant 0 : i32
      %dma_start3A_181 = arith.constant 0 : i32
      %dma_start3A_182 = tpu.memref_slice %arg2[%dma_start3A_180, %dma_start3A_181] : memref<10240x128xf32, #tpu.memory_space<hbm>> -> memref<10240x128xf32, #tpu.memory_space<hbm>>
      tpu.enqueue_indirect_dma source(%dma_start3A_182 : memref<10240x128xf32, #tpu.memory_space<hbm>>) target(%dma_start3A_176 : memref<128x128xf32, #tpu.memory_space<vmem>>) offsets(%dma_start3A_179 : memref<128xi32, #tpu.memory_space<vmem>>) semaphore(%arg12 : memref<!tpu.dma_semaphore, #tpu.memory_space<semaphore_mem>>)
    }
    %scan3A_90 = arith.constant 19 : i32
    %dma_wait3A_91 = arith.constant 38 : i32
    %dma_wait3A_92 = arith.constant 0 : i32
    %dma_wait3A_93 = arith.constant 0 : i32
    %dma_wait3A_94 = arith.constant 0 : i32
    %dma_wait3A_95 = tpu.memref_slice %arg9[%dma_wait3A_92, %dma_wait3A_93, %dma_wait3A_94] : memref<2x128x128xf32, #tpu.memory_space<vmem>> -> memref<1x128x128xf32, #tpu.memory_space<vmem>>
    %dma_wait3A_96 = tpu.memref_squeeze %dma_wait3A_95 : memref<1x128x128xf32, #tpu.memory_space<vmem>> -> memref<128x128xf32, #tpu.memory_space<vmem>>
    %dma_wait3A_97 = arith.constant 0 : i32
    %dma_wait3A_98 = tpu.memref_slice %arg7[%dma_wait3A_91, %dma_wait3A_97] : memref<40x128xi32, #tpu.memory_space<vmem>> -> memref<1x128xi32, #tpu.memory_space<vmem>>
    %dma_wait3A_99 = tpu.memref_squeeze %dma_wait3A_98 : memref<1x128xi32, #tpu.memory_space<vmem>> -> memref<128xi32, #tpu.memory_space<vmem>>
    %dma_wait3A_100 = arith.constant 0 : i32
    %dma_wait3A_101 = arith.constant 0 : i32
    %dma_wait3A_102 = tpu.memref_slice %arg2[%dma_wait3A_100, %dma_wait3A_101] : memref<10240x128xf32, #tpu.memory_space<hbm>> -> memref<10240x128xf32, #tpu.memory_space<hbm>>
    tpu.wait_indirect_dma semaphore(%arg11 : memref<!tpu.dma_semaphore, #tpu.memory_space<semaphore_mem>>) src(%dma_wait3A_102 : memref<10240x128xf32, #tpu.memory_space<hbm>>) dst(%dma_wait3A_96 : memref<128x128xf32, #tpu.memory_space<vmem>>)
    %run_scoped3A_103 = arith.constant 0 : i32
    %run_scoped3A_104 = arith.constant 38 : i32
    "tpu.region"() ({
      %run_scoped3A_124 = tpu.sem_alloc : memref<!tpu.dma_semaphore, #tpu.memory_space<semaphore_mem>>
      %dma_start3A_125 = arith.constant 0 : i32
      %dma_start3A_126 = arith.constant 0 : i32
      %dma_start3A_127 = tpu.memref_slice %arg9[%run_scoped3A_103, %dma_start3A_125, %dma_start3A_126] : memref<2x128x128xf32, #tpu.memory_space<vmem>> -> memref<1x128x128xf32, #tpu.memory_space<vmem>>
      %dma_start3A_128 = tpu.memref_squeeze %dma_start3A_127 : memref<1x128x128xf32, #tpu.memory_space<vmem>> -> memref<128x128xf32, #tpu.memory_space<vmem>>
      %dma_start3A_129 = arith.constant 0 : i32
      %dma_start3A_130 = tpu.memref_slice %arg8[%run_scoped3A_104, %dma_start3A_129] : memref<40x128xi32, #tpu.memory_space<vmem>> -> memref<1x128xi32, #tpu.memory_space<vmem>>
      %dma_start3A_131 = tpu.memref_squeeze %dma_start3A_130 : memref<1x128xi32, #tpu.memory_space<vmem>> -> memref<128xi32, #tpu.memory_space<vmem>>
      %dma_start3A_132 = arith.constant 0 : i32
      %dma_start3A_133 = arith.constant 0 : i32
      %dma_start3A_134 = tpu.memref_slice %arg10[%dma_start3A_132, %dma_start3A_133] : memref<10240x128xf32, #tpu.memory_space<vmem_shared>> -> memref<10240x128xf32, #tpu.memory_space<vmem_shared>>
      tpu.enqueue_indirect_dma source(%dma_start3A_128 : memref<128x128xf32, #tpu.memory_space<vmem>>) target(%dma_start3A_134 : memref<10240x128xf32, #tpu.memory_space<vmem_shared>>) offsets(%dma_start3A_131 : memref<128xi32, #tpu.memory_space<vmem>>) semaphore(%run_scoped3A_124 : memref<!tpu.dma_semaphore, #tpu.memory_space<semaphore_mem>>) {add = true}
      %dma_wait3A_135 = arith.constant 0 : i32
      %dma_wait3A_136 = arith.constant 0 : i32
      %dma_wait3A_137 = tpu.memref_slice %arg9[%run_scoped3A_103, %dma_wait3A_135, %dma_wait3A_136] : memref<2x128x128xf32, #tpu.memory_space<vmem>> -> memref<1x128x128xf32, #tpu.memory_space<vmem>>
      %dma_wait3A_138 = tpu.memref_squeeze %dma_wait3A_137 : memref<1x128x128xf32, #tpu.memory_space<vmem>> -> memref<128x128xf32, #tpu.memory_space<vmem>>
      %dma_wait3A_139 = arith.constant 0 : i32
      %dma_wait3A_140 = tpu.memref_slice %arg8[%run_scoped3A_104, %dma_wait3A_139] : memref<40x128xi32, #tpu.memory_space<vmem>> -> memref<1x128xi32, #tpu.memory_space<vmem>>
      %dma_wait3A_141 = tpu.memref_squeeze %dma_wait3A_140 : memref<1x128xi32, #tpu.memory_space<vmem>> -> memref<128xi32, #tpu.memory_space<vmem>>
      %dma_wait3A_142 = arith.constant 0 : i32
      %dma_wait3A_143 = arith.constant 0 : i32
      %dma_wait3A_144 = tpu.memref_slice %arg10[%dma_wait3A_142, %dma_wait3A_143] : memref<10240x128xf32, #tpu.memory_space<vmem_shared>> -> memref<10240x128xf32, #tpu.memory_space<vmem_shared>>
      tpu.wait_indirect_dma semaphore(%run_scoped3A_124 : memref<!tpu.dma_semaphore, #tpu.memory_space<semaphore_mem>>) src(%dma_wait3A_138 : memref<128x128xf32, #tpu.memory_space<vmem>>) dst(%dma_wait3A_144 : memref<10240x128xf32, #tpu.memory_space<vmem_shared>>)
      tpu.yield
    }) : () -> ()
    %dma_wait3A_105 = arith.constant 39 : i32
    %dma_wait3A_106 = arith.constant 1 : i32
    %dma_wait3A_107 = arith.constant 0 : i32
    %dma_wait3A_108 = arith.constant 0 : i32
    %dma_wait3A_109 = tpu.memref_slice %arg9[%dma_wait3A_106, %dma_wait3A_107, %dma_wait3A_108] : memref<2x128x128xf32, #tpu.memory_space<vmem>> -> memref<1x128x128xf32, #tpu.memory_space<vmem>>
    %dma_wait3A_110 = tpu.memref_squeeze %dma_wait3A_109 : memref<1x128x128xf32, #tpu.memory_space<vmem>> -> memref<128x128xf32, #tpu.memory_space<vmem>>
    %dma_wait3A_111 = arith.constant 0 : i32
    %dma_wait3A_112 = tpu.memref_slice %arg7[%dma_wait3A_105, %dma_wait3A_111] : memref<40x128xi32, #tpu.memory_space<vmem>> -> memref<1x128xi32, #tpu.memory_space<vmem>>
    %dma_wait3A_113 = tpu.memref_squeeze %dma_wait3A_112 : memref<1x128xi32, #tpu.memory_space<vmem>> -> memref<128xi32, #tpu.memory_space<vmem>>
    %dma_wait3A_114 = arith.constant 0 : i32
    %dma_wait3A_115 = arith.constant 0 : i32
    %dma_wait3A_116 = tpu.memref_slice %arg2[%dma_wait3A_114, %dma_wait3A_115] : memref<10240x128xf32, #tpu.memory_space<hbm>> -> memref<10240x128xf32, #tpu.memory_space<hbm>>
    tpu.wait_indirect_dma semaphore(%arg12 : memref<!tpu.dma_semaphore, #tpu.memory_space<semaphore_mem>>) src(%dma_wait3A_116 : memref<10240x128xf32, #tpu.memory_space<hbm>>) dst(%dma_wait3A_110 : memref<128x128xf32, #tpu.memory_space<vmem>>)
    %run_scoped3A_117 = arith.constant 1 : i32
    %run_scoped3A_118 = arith.constant 39 : i32
    "tpu.region"() ({
      %run_scoped3A_124 = tpu.sem_alloc : memref<!tpu.dma_semaphore, #tpu.memory_space<semaphore_mem>>
      %dma_start3A_125 = arith.constant 0 : i32
      %dma_start3A_126 = arith.constant 0 : i32
      %dma_start3A_127 = tpu.memref_slice %arg9[%run_scoped3A_117, %dma_start3A_125, %dma_start3A_126] : memref<2x128x128xf32, #tpu.memory_space<vmem>> -> memref<1x128x128xf32, #tpu.memory_space<vmem>>
      %dma_start3A_128 = tpu.memref_squeeze %dma_start3A_127 : memref<1x128x128xf32, #tpu.memory_space<vmem>> -> memref<128x128xf32, #tpu.memory_space<vmem>>
      %dma_start3A_129 = arith.constant 0 : i32
      %dma_start3A_130 = tpu.memref_slice %arg8[%run_scoped3A_118, %dma_start3A_129] : memref<40x128xi32, #tpu.memory_space<vmem>> -> memref<1x128xi32, #tpu.memory_space<vmem>>
      %dma_start3A_131 = tpu.memref_squeeze %dma_start3A_130 : memref<1x128xi32, #tpu.memory_space<vmem>> -> memref<128xi32, #tpu.memory_space<vmem>>
      %dma_start3A_132 = arith.constant 0 : i32
      %dma_start3A_133 = arith.constant 0 : i32
      %dma_start3A_134 = tpu.memref_slice %arg10[%dma_start3A_132, %dma_start3A_133] : memref<10240x128xf32, #tpu.memory_space<vmem_shared>> -> memref<10240x128xf32, #tpu.memory_space<vmem_shared>>
      tpu.enqueue_indirect_dma source(%dma_start3A_128 : memref<128x128xf32, #tpu.memory_space<vmem>>) target(%dma_start3A_134 : memref<10240x128xf32, #tpu.memory_space<vmem_shared>>) offsets(%dma_start3A_131 : memref<128xi32, #tpu.memory_space<vmem>>) semaphore(%run_scoped3A_124 : memref<!tpu.dma_semaphore, #tpu.memory_space<semaphore_mem>>) {add = true}
      %dma_wait3A_135 = arith.constant 0 : i32
      %dma_wait3A_136 = arith.constant 0 : i32
      %dma_wait3A_137 = tpu.memref_slice %arg9[%run_scoped3A_117, %dma_wait3A_135, %dma_wait3A_136] : memref<2x128x128xf32, #tpu.memory_space<vmem>> -> memref<1x128x128xf32, #tpu.memory_space<vmem>>
      %dma_wait3A_138 = tpu.memref_squeeze %dma_wait3A_137 : memref<1x128x128xf32, #tpu.memory_space<vmem>> -> memref<128x128xf32, #tpu.memory_space<vmem>>
      %dma_wait3A_139 = arith.constant 0 : i32
      %dma_wait3A_140 = tpu.memref_slice %arg8[%run_scoped3A_118, %dma_wait3A_139] : memref<40x128xi32, #tpu.memory_space<vmem>> -> memref<1x128xi32, #tpu.memory_space<vmem>>
      %dma_wait3A_141 = tpu.memref_squeeze %dma_wait3A_140 : memref<1x128xi32, #tpu.memory_space<vmem>> -> memref<128xi32, #tpu.memory_space<vmem>>
      %dma_wait3A_142 = arith.constant 0 : i32
      %dma_wait3A_143 = arith.constant 0 : i32
      %dma_wait3A_144 = tpu.memref_slice %arg10[%dma_wait3A_142, %dma_wait3A_143] : memref<10240x128xf32, #tpu.memory_space<vmem_shared>> -> memref<10240x128xf32, #tpu.memory_space<vmem_shared>>
      tpu.wait_indirect_dma semaphore(%run_scoped3A_124 : memref<!tpu.dma_semaphore, #tpu.memory_space<semaphore_mem>>) src(%dma_wait3A_138 : memref<128x128xf32, #tpu.memory_space<vmem>>) dst(%dma_wait3A_144 : memref<10240x128xf32, #tpu.memory_space<vmem_shared>>)
      tpu.yield
    }) : () -> ()
    %barrier3A_119 = arith.constant 0 : index
    tpu.barrier barrier_id(%barrier3A_119)
    %mul3A_120 = arith.constant 640 : i32
    %mul3A_121 = arith.muli %arg1, %mul3A_120 : i32
    %mul3A_122 = arith.constant 640 : i32
    %mul3A_123 = arith.muli %arg1, %mul3A_122 : i32
    "tpu.region"() ({
      %run_scoped3A_124 = tpu.sem_alloc : memref<!tpu.dma_semaphore, #tpu.memory_space<semaphore_mem>>
      %dma_start3A_125 = arith.constant 0 : i32
      %dma_start3A_126 = tpu.memref_slice %arg6[%arg0, %mul3A_123, %dma_start3A_125] : memref<2x10240x128xf32, #tpu.memory_space<hbm>> -> memref<1x640x128xf32, #tpu.memory_space<hbm>>
      %dma_start3A_127 = tpu.memref_squeeze %dma_start3A_126 : memref<1x640x128xf32, #tpu.memory_space<hbm>> -> memref<640x128xf32, #tpu.memory_space<hbm>>
      %dma_start3A_128 = arith.constant 0 : i32
      %dma_start3A_129 = tpu.memref_slice %arg10[%mul3A_121, %dma_start3A_128] : memref<10240x128xf32, #tpu.memory_space<vmem_shared>> -> memref<640x128xf32, #tpu.memory_space<vmem_shared>>
      tpu.enqueue_dma source(%dma_start3A_129 : memref<640x128xf32, #tpu.memory_space<vmem_shared>>) target(%dma_start3A_127 : memref<640x128xf32, #tpu.memory_space<hbm>>) target_semaphore(%run_scoped3A_124 : memref<!tpu.dma_semaphore, #tpu.memory_space<semaphore_mem>>)
      %dma_wait3A_130 = arith.constant 0 : i32
      %dma_wait3A_131 = tpu.memref_slice %arg6[%arg0, %mul3A_123, %dma_wait3A_130] : memref<2x10240x128xf32, #tpu.memory_space<hbm>> -> memref<1x640x128xf32, #tpu.memory_space<hbm>>
      %dma_wait3A_132 = tpu.memref_squeeze %dma_wait3A_131 : memref<1x640x128xf32, #tpu.memory_space<hbm>> -> memref<640x128xf32, #tpu.memory_space<hbm>>
      %dma_wait3A_133 = arith.constant 0 : i32
      %dma_wait3A_134 = tpu.memref_slice %arg10[%mul3A_121, %dma_wait3A_133] : memref<10240x128xf32, #tpu.memory_space<vmem_shared>> -> memref<640x128xf32, #tpu.memory_space<vmem_shared>>
      tpu.wait_dma2 semaphore(%run_scoped3A_124 : memref<!tpu.dma_semaphore, #tpu.memory_space<semaphore_mem>>) src(%dma_wait3A_134 : memref<640x128xf32, #tpu.memory_space<vmem_shared>>) dst(%dma_wait3A_132 : memref<640x128xf32, #tpu.memory_space<hbm>>)
      tpu.yield
    }) : () -> ()
    return
  }
}

module attributes {stable_mosaic.version = 14 : i64} {
  func.func @_tc1_body(%arg0: i32, %arg1: memref<1024x128xf32, #tpu.memory_space<vmem>>, %arg2: memref<128x128xf32, #tpu.memory_space<vmem>>, %arg3: memref<2x1024x128xf32, #tpu.memory_space<vmem>>, %arg4: memref<1024x128xf32, #tpu.memory_space<vmem>>, %arg5: memref<1x1x1024xf32, #tpu.memory_space<vmem>>) attributes {dimension_semantics = [#tpu.dimension_semantics<arbitrary>], iteration_bounds = array<i64: 10>, scalar_prefetch = 0 : i64, scratch_operands = 0 : i64, tpu.core_type = #tpu.core_type<tc>, window_params = [{transform_indices = @transform_0, window_bounds = array<i64: 1024, 128>}, {pipeline_mode = #tpu.pipeline_mode<synchronous>, transform_indices = @transform_1, window_bounds = array<i64: 128, 128>}, {transform_indices = @transform_2, window_bounds = array<i64: 2, 1024, 128>}, {transform_indices = @transform_3, window_bounds = array<i64: 1024, 128>}, {transform_indices = @transform_4, window_bounds = array<i64: 1, 1, 1024>}]} {
    %get3A = arith.constant 0 : index
    %get3A_0 = arith.constant 0 : index
    %get3A_1 = arith.constant 0 : index
    %get3A_2 = vector.load %arg3[%get3A, %get3A_0, %get3A_1] : memref<2x1024x128xf32, #tpu.memory_space<vmem>>, vector<1x1024x1xf32>
    %get3A_3 = vector.shape_cast %get3A_2 : vector<1x1024x1xf32> to vector<1024xf32>
    %get3A_4 = arith.constant 1 : index
    %get3A_5 = arith.constant 0 : index
    %get3A_6 = arith.constant 0 : index
    %get3A_7 = vector.load %arg3[%get3A_4, %get3A_5, %get3A_6] : memref<2x1024x128xf32, #tpu.memory_space<vmem>>, vector<1x1024x1xf32>
    %get3A_8 = vector.shape_cast %get3A_7 : vector<1x1024x1xf32> to vector<1024xf32>
    %add3A = arith.addf %get3A_3, %get3A_8 : vector<1024xf32>
    %gt3A = arith.constant 0.000000e+00 : f32
    %gt3A_9 = vector.broadcast %gt3A : f32 to vector<1024xf32>
    %gt3A_10 = arith.cmpf ogt, %add3A, %gt3A_9 : vector<1024xf32>
    %rsqrt3A = math.rsqrt %add3A : vector<1024xf32>
    %jit3A = arith.constant 0.000000e+00 : f32
    %broadcast_in_dim3A = vector.broadcast %jit3A : f32 to vector<1024xf32>
    %select_n3A = arith.select %gt3A_10, %rsqrt3A, %broadcast_in_dim3A : vector<1024xi1>, vector<1024xf32>
    %get3A_11 = arith.constant 0 : index
    %get3A_12 = arith.constant 0 : index
    %get3A_13 = vector.load %arg1[%get3A_11, %get3A_12] : memref<1024x128xf32, #tpu.memory_space<vmem>>, vector<1024x128xf32>
    %get3A_14 = arith.constant 0 : index
    %get3A_15 = arith.constant 0 : index
    %get3A_16 = vector.load %arg2[%get3A_14, %get3A_15] : memref<128x128xf32, #tpu.memory_space<vmem>>, vector<128x128xf32>
    %dot_general3A = arith.constant dense<0.000000e+00> : vector<1024x128xf32>
    %dot_general3A_17 = tpu.matmul %get3A_13, %get3A_16, %dot_general3A {dimension_numbers = #tpu.dot_dimension_numbers<[1], [0], [0], [1], [0, 0, 1, 1], [], []>, transpose_lhs_hint = false} : vector<1024x128xf32>, vector<128x128xf32>, vector<1024x128xf32> -> vector<1024x128xf32>
    %broadcast_in_dim3A_18 = vector.shape_cast %select_n3A : vector<1024xf32> to vector<1024x1xf32>
    %mul3A = vector.broadcast %broadcast_in_dim3A_18 : vector<1024x1xf32> to vector<1024x128xf32>
    %mul3A_19 = arith.mulf %dot_general3A_17, %mul3A : vector<1024x128xf32>
    %swap3A = arith.constant 0 : index
    %swap3A_20 = arith.constant 0 : index
    %swap3A_21 = vector.load %arg4[%swap3A, %swap3A_20] : memref<1024x128xf32, #tpu.memory_space<vmem>>, vector<1024x128xf32>
    tpu.vector_store %arg4[%swap3A, %swap3A_20], %mul3A_19 {strides = array<i32>} : memref<1024x128xf32, #tpu.memory_space<vmem>>, vector<1024x128xf32>,
    %swap3A_22 = arith.constant 0 : index
    %swap3A_23 = arith.constant 0 : index
    %swap3A_24 = arith.constant 0 : index
    %swap3A_25 = vector.load %arg5[%swap3A_22, %swap3A_23, %swap3A_24] : memref<1x1x1024xf32, #tpu.memory_space<vmem>>, vector<1x1x1024xf32>
    %swap3A_26 = vector.shape_cast %swap3A_25 : vector<1x1x1024xf32> to vector<1024xf32>
    %swap3A_27 = vector.shape_cast %select_n3A : vector<1024xf32> to vector<1x1x1024xf32>
    tpu.vector_store %arg5[%swap3A_22, %swap3A_23, %swap3A_24], %swap3A_27 {strides = array<i32>} : memref<1x1x1024xf32, #tpu.memory_space<vmem>>, vector<1x1x1024xf32>,
    return
  }
  func.func @transform_0(%arg0: i32) -> (i32, i32) {
    %c0_i32 = arith.constant 0 : i32
    %c0_i32_0 = arith.constant 0 : i32
    return %arg0, %c0_i32 : i32, i32
  }
  func.func @transform_1(%arg0: i32) -> (i32, i32) {
    %c0_i32 = arith.constant 0 : i32
    %c0_i32_0 = arith.constant 0 : i32
    %c0_i32_1 = arith.constant 0 : i32
    return %c0_i32, %c0_i32_0 : i32, i32
  }
  func.func @transform_2(%arg0: i32) -> (i32, i32, i32) {
    %c0_i32 = arith.constant 0 : i32
    %c0_i32_0 = arith.constant 0 : i32
    %c0_i32_1 = arith.constant 0 : i32
    return %c0_i32, %arg0, %c0_i32_0 : i32, i32, i32
  }
  func.func @transform_3(%arg0: i32) -> (i32, i32) {
    %c0_i32 = arith.constant 0 : i32
    %c0_i32_0 = arith.constant 0 : i32
    return %arg0, %c0_i32 : i32, i32
  }
  func.func @transform_4(%arg0: i32) -> (i32, i32, i32) {
    %c0_i32 = arith.constant 0 : i32
    %c0_i32_0 = arith.constant 0 : i32
    %c0_i32_1 = arith.constant 0 : i32
    return %arg0, %c0_i32, %c0_i32_0 : i32, i32, i32
  }
}

module attributes {stable_mosaic.version = 14 : i64} {
  func.func @_tc2_body(%arg0: i32, %arg1: memref<2x1024x128xf32, #tpu.memory_space<vmem>>, %arg2: memref<1x1x1024xf32, #tpu.memory_space<vmem>>, %arg3: memref<1x128xf32, #tpu.memory_space<vmem>>, %arg4: memref<128x128xf32, #tpu.memory_space<vmem>>, %arg5: memref<1024x128xf32, #tpu.memory_space<vmem>>) attributes {dimension_semantics = [#tpu.dimension_semantics<arbitrary>], iteration_bounds = array<i64: 10>, scalar_prefetch = 0 : i64, scratch_operands = 0 : i64, tpu.core_type = #tpu.core_type<tc>, window_params = [{transform_indices = @transform_0, window_bounds = array<i64: 2, 1024, 128>}, {transform_indices = @transform_1, window_bounds = array<i64: 1, 1, 1024>}, {pipeline_mode = #tpu.pipeline_mode<synchronous>, transform_indices = @transform_2, window_bounds = array<i64: 1, 128>}, {pipeline_mode = #tpu.pipeline_mode<synchronous>, transform_indices = @transform_3, window_bounds = array<i64: 128, 128>}, {transform_indices = @transform_4, window_bounds = array<i64: 1024, 128>}]} {
    %get3A = arith.constant 0 : index
    %get3A_0 = arith.constant 0 : index
    %get3A_1 = arith.constant 0 : index
    %get3A_2 = vector.load %arg2[%get3A, %get3A_0, %get3A_1] : memref<1x1x1024xf32, #tpu.memory_space<vmem>>, vector<1x1x1024xf32>
    %get3A_3 = vector.shape_cast %get3A_2 : vector<1x1x1024xf32> to vector<1024xf32>
    %get3A_4 = arith.constant 0 : index
    %get3A_5 = arith.constant 0 : index
    %get3A_6 = arith.constant 0 : index
    %get3A_7 = vector.load %arg1[%get3A_4, %get3A_5, %get3A_6] : memref<2x1024x128xf32, #tpu.memory_space<vmem>>, vector<1x1024x128xf32>
    %get3A_8 = vector.shape_cast %get3A_7 : vector<1x1024x128xf32> to vector<1024x128xf32>
    %get3A_9 = arith.constant 1 : index
    %get3A_10 = arith.constant 0 : index
    %get3A_11 = arith.constant 0 : index
    %get3A_12 = vector.load %arg1[%get3A_9, %get3A_10, %get3A_11] : memref<2x1024x128xf32, #tpu.memory_space<vmem>>, vector<1x1024x128xf32>
    %get3A_13 = vector.shape_cast %get3A_12 : vector<1x1024x128xf32> to vector<1024x128xf32>
    %add3A = arith.addf %get3A_8, %get3A_13 : vector<1024x128xf32>
    %broadcast_in_dim3A = vector.shape_cast %get3A_3 : vector<1024xf32> to vector<1024x1xf32>
    %mul3A = vector.broadcast %broadcast_in_dim3A : vector<1024x1xf32> to vector<1024x128xf32>
    %mul3A_14 = arith.mulf %add3A, %mul3A : vector<1024x128xf32>
    %get3A_15 = arith.constant 0 : index
    %get3A_16 = arith.constant 0 : index
    %get3A_17 = vector.load %arg3[%get3A_15, %get3A_16] : memref<1x128xf32, #tpu.memory_space<vmem>>, vector<1x128xf32>
    %add3A_18 = vector.broadcast %get3A_17 : vector<1x128xf32> to vector<1024x128xf32>
    %add3A_19 = arith.addf %mul3A_14, %add3A_18 : vector<1024x128xf32>
    %get3A_20 = arith.constant 0 : index
    %get3A_21 = arith.constant 0 : index
    %get3A_22 = vector.load %arg4[%get3A_20, %get3A_21] : memref<128x128xf32, #tpu.memory_space<vmem>>, vector<128x128xf32>
    %dot_general3A = arith.constant dense<0.000000e+00> : vector<1024x128xf32>
    %dot_general3A_23 = tpu.matmul %add3A_19, %get3A_22, %dot_general3A {dimension_numbers = #tpu.dot_dimension_numbers<[1], [0], [0], [1], [0, 0, 1, 1], [], []>, transpose_lhs_hint = false} : vector<1024x128xf32>, vector<128x128xf32>, vector<1024x128xf32> -> vector<1024x128xf32>
    %broadcast_in_dim3A_24 = vector.shape_cast %get3A_3 : vector<1024xf32> to vector<1024x1xf32>
    %mul3A_25 = vector.broadcast %broadcast_in_dim3A_24 : vector<1024x1xf32> to vector<1024x128xf32>
    %mul3A_26 = arith.mulf %dot_general3A_23, %mul3A_25 : vector<1024x128xf32>
    %swap3A = arith.constant 0 : index
    %swap3A_27 = arith.constant 0 : index
    %swap3A_28 = vector.load %arg5[%swap3A, %swap3A_27] : memref<1024x128xf32, #tpu.memory_space<vmem>>, vector<1024x128xf32>
    tpu.vector_store %arg5[%swap3A, %swap3A_27], %mul3A_26 {strides = array<i32>} : memref<1024x128xf32, #tpu.memory_space<vmem>>, vector<1024x128xf32>,
    return
  }
  func.func @transform_0(%arg0: i32) -> (i32, i32, i32) {
    %c0_i32 = arith.constant 0 : i32
    %c0_i32_0 = arith.constant 0 : i32
    %c0_i32_1 = arith.constant 0 : i32
    return %c0_i32, %arg0, %c0_i32_0 : i32, i32, i32
  }
  func.func @transform_1(%arg0: i32) -> (i32, i32, i32) {
    %c0_i32 = arith.constant 0 : i32
    %c0_i32_0 = arith.constant 0 : i32
    %c0_i32_1 = arith.constant 0 : i32
    return %arg0, %c0_i32, %c0_i32_0 : i32, i32, i32
  }
  func.func @transform_2(%arg0: i32) -> (i32, i32) {
    %c0_i32 = arith.constant 0 : i32
    %c0_i32_0 = arith.constant 0 : i32
    %c0_i32_1 = arith.constant 0 : i32
    return %c0_i32, %c0_i32_0 : i32, i32
  }
  func.func @transform_3(%arg0: i32) -> (i32, i32) {
    %c0_i32 = arith.constant 0 : i32
    %c0_i32_0 = arith.constant 0 : i32
    %c0_i32_1 = arith.constant 0 : i32
    return %c0_i32, %c0_i32_0 : i32, i32
  }
  func.func @transform_4(%arg0: i32) -> (i32, i32) {
    %c0_i32 = arith.constant 0 : i32
    %c0_i32_0 = arith.constant 0 : i32
    return %arg0, %c0_i32 : i32, i32
  }
}

module attributes {stable_mosaic.version = 14 : i64} {
  func.func @_tc3_body(%arg0: i32, %arg1: memref<2x1024x128xf32, #tpu.memory_space<vmem>>, %arg2: memref<1x1x1024xf32, #tpu.memory_space<vmem>>, %arg3: memref<1x128xf32, #tpu.memory_space<vmem>>, %arg4: memref<1x1x1024xi32, #tpu.memory_space<vmem>>, %arg5: memref<16x128xf32, #tpu.memory_space<vmem>>) attributes {dimension_semantics = [#tpu.dimension_semantics<arbitrary>], iteration_bounds = array<i64: 10>, scalar_prefetch = 0 : i64, scratch_operands = 0 : i64, tpu.core_type = #tpu.core_type<tc>, window_params = [{transform_indices = @transform_0, window_bounds = array<i64: 2, 1024, 128>}, {transform_indices = @transform_1, window_bounds = array<i64: 1, 1, 1024>}, {pipeline_mode = #tpu.pipeline_mode<synchronous>, transform_indices = @transform_2, window_bounds = array<i64: 1, 128>}, {transform_indices = @transform_3, window_bounds = array<i64: 1, 1, 1024>}, {pipeline_mode = #tpu.pipeline_mode<synchronous>, transform_indices = @transform_4, window_bounds = array<i64: 16, 128>}]} {
    %get3A = arith.constant 0 : index
    %get3A_0 = arith.constant 0 : index
    %get3A_1 = arith.constant 0 : index
    %get3A_2 = vector.load %arg2[%get3A, %get3A_0, %get3A_1] : memref<1x1x1024xf32, #tpu.memory_space<vmem>>, vector<1x1x1024xf32>
    %get3A_3 = vector.shape_cast %get3A_2 : vector<1x1x1024xf32> to vector<1024xf32>
    %get3A_4 = arith.constant 0 : index
    %get3A_5 = arith.constant 0 : index
    %get3A_6 = arith.constant 0 : index
    %get3A_7 = vector.load %arg1[%get3A_4, %get3A_5, %get3A_6] : memref<2x1024x128xf32, #tpu.memory_space<vmem>>, vector<1x1024x128xf32>
    %get3A_8 = vector.shape_cast %get3A_7 : vector<1x1024x128xf32> to vector<1024x128xf32>
    %get3A_9 = arith.constant 1 : index
    %get3A_10 = arith.constant 0 : index
    %get3A_11 = arith.constant 0 : index
    %get3A_12 = vector.load %arg1[%get3A_9, %get3A_10, %get3A_11] : memref<2x1024x128xf32, #tpu.memory_space<vmem>>, vector<1x1024x128xf32>
    %get3A_13 = vector.shape_cast %get3A_12 : vector<1x1024x128xf32> to vector<1024x128xf32>
    %add3A = arith.addf %get3A_8, %get3A_13 : vector<1024x128xf32>
    %broadcast_in_dim3A = vector.shape_cast %get3A_3 : vector<1024xf32> to vector<1024x1xf32>
    %mul3A = vector.broadcast %broadcast_in_dim3A : vector<1024x1xf32> to vector<1024x128xf32>
    %mul3A_14 = arith.mulf %add3A, %mul3A : vector<1024x128xf32>
    %get3A_15 = arith.constant 0 : index
    %get3A_16 = arith.constant 0 : index
    %get3A_17 = vector.load %arg3[%get3A_15, %get3A_16] : memref<1x128xf32, #tpu.memory_space<vmem>>, vector<1x128xf32>
    %add3A_18 = vector.broadcast %get3A_17 : vector<1x128xf32> to vector<1024x128xf32>
    %add3A_19 = arith.addf %mul3A_14, %add3A_18 : vector<1024x128xf32>
    %get3A_20 = arith.constant 0 : index
    %get3A_21 = arith.constant 0 : index
    %get3A_22 = arith.constant 0 : index
    %get3A_23 = vector.load %arg4[%get3A_20, %get3A_21, %get3A_22] : memref<1x1x1024xi32, #tpu.memory_space<vmem>>, vector<1x1x1024xi32>
    %get3A_24 = vector.shape_cast %get3A_23 : vector<1x1x1024xi32> to vector<1024xi32>
    %broadcast_in_dim3A_25 = vector.shape_cast %get3A_24 : vector<1024xi32> to vector<1x1024xi32>
    %iota3A = tpu.iota {dimensions = array<i32: 0>} : vector<16x1024xi32>
    %eq3A = vector.broadcast %broadcast_in_dim3A_25 : vector<1x1024xi32> to vector<16x1024xi32>
    %eq3A_26 = arith.cmpi eq, %eq3A, %iota3A : vector<16x1024xi32>
    %convert_element_type3A = arith.extui %eq3A_26 : vector<16x1024xi1> to vector<16x1024xi32>
    %convert_element_type3A_27 = arith.sitofp %convert_element_type3A : vector<16x1024xi32> to vector<16x1024xf32>
    %dot_general3A = arith.constant dense<0.000000e+00> : vector<16x128xf32>
    %dot_general3A_28 = tpu.matmul %convert_element_type3A_27, %add3A_19, %dot_general3A {dimension_numbers = #tpu.dot_dimension_numbers<[1], [0], [0], [1], [0, 0, 1, 1], [], []>, transpose_lhs_hint = false} : vector<16x1024xf32>, vector<1024x128xf32>, vector<16x128xf32> -> vector<16x128xf32>
    %eq3A_29 = arith.constant 0 : i32
    %eq3A_30 = arith.cmpi eq, %arg0, %eq3A_29 : i32
    %convert_element_type3A_31 = arith.extui %eq3A_30 : i1 to i32
    %cond3A = arith.constant 0 : i32
    %cond3A_32 = arith.cmpi ne, %convert_element_type3A_31, %cond3A : i32
    scf.if %cond3A_32 {
      %broadcast_in_dim3A_39 = arith.constant 0.000000e+00 : f32
      %broadcast_in_dim3A_40 = vector.broadcast %broadcast_in_dim3A_39 : f32 to vector<16x128xf32>
      %swap3A_41 = arith.constant 0 : index
      %swap3A_42 = arith.constant 0 : index
      %swap3A_43 = vector.load %arg5[%swap3A_41, %swap3A_42] : memref<16x128xf32, #tpu.memory_space<vmem>>, vector<16x128xf32>
      tpu.vector_store %arg5[%swap3A_41, %swap3A_42], %broadcast_in_dim3A_40 {strides = array<i32>} : memref<16x128xf32, #tpu.memory_space<vmem>>, vector<16x128xf32>,
    } else {
    }
    %get3A_33 = arith.constant 0 : index
    %get3A_34 = arith.constant 0 : index
    %get3A_35 = vector.load %arg5[%get3A_33, %get3A_34] : memref<16x128xf32, #tpu.memory_space<vmem>>, vector<16x128xf32>
    %add3A_36 = arith.addf %get3A_35, %dot_general3A_28 : vector<16x128xf32>
    %swap3A = arith.constant 0 : index
    %swap3A_37 = arith.constant 0 : index
    %swap3A_38 = vector.load %arg5[%swap3A, %swap3A_37] : memref<16x128xf32, #tpu.memory_space<vmem>>, vector<16x128xf32>
    tpu.vector_store %arg5[%swap3A, %swap3A_37], %add3A_36 {strides = array<i32>} : memref<16x128xf32, #tpu.memory_space<vmem>>, vector<16x128xf32>,
    return
  }
  func.func @transform_0(%arg0: i32) -> (i32, i32, i32) {
    %c0_i32 = arith.constant 0 : i32
    %c0_i32_0 = arith.constant 0 : i32
    %c0_i32_1 = arith.constant 0 : i32
    return %c0_i32, %arg0, %c0_i32_0 : i32, i32, i32
  }
  func.func @transform_1(%arg0: i32) -> (i32, i32, i32) {
    %c0_i32 = arith.constant 0 : i32
    %c0_i32_0 = arith.constant 0 : i32
    %c0_i32_1 = arith.constant 0 : i32
    return %arg0, %c0_i32, %c0_i32_0 : i32, i32, i32
  }
  func.func @transform_2(%arg0: i32) -> (i32, i32) {
    %c0_i32 = arith.constant 0 : i32
    %c0_i32_0 = arith.constant 0 : i32
    %c0_i32_1 = arith.constant 0 : i32
    return %c0_i32, %c0_i32_0 : i32, i32
  }
  func.func @transform_3(%arg0: i32) -> (i32, i32, i32) {
    %c0_i32 = arith.constant 0 : i32
    %c0_i32_0 = arith.constant 0 : i32
    %c0_i32_1 = arith.constant 0 : i32
    return %arg0, %c0_i32, %c0_i32_0 : i32, i32, i32
  }
  func.func @transform_4(%arg0: i32) -> (i32, i32) {
    %c0_i32 = arith.constant 0 : i32
    %c0_i32_0 = arith.constant 0 : i32
    %c0_i32_1 = arith.constant 0 : i32
    return %c0_i32, %c0_i32_0 : i32, i32
  }
}

</mosaic_0001>

<sc_bundles>
// kernel: kernel.11.cloned.1.call-start
scs
__scs_entry_jumppad:
0x0: {  	(pc) =	sbr.rel $0x88, $3  }
0x1: {  	(tag) =	ssettag $0x0;
	lr =	simm.s32 $0x1  }
0x2: {  	[smem:$0x3F9A] =	sst lr;
	_ =	strace $0xD0000000  }
0x3: {  	_ = 	snop  }
0x4: {  	_ = 	snop  }
0x5: {  	_ = 	snop  }
0x6: {  	_ = 	snop  }
0x7: {  	_ = 	snop  }
__scs_overlays_trampoline_lowered:
0x8: {  	[smem:$0x3FA9] =	sst s0  }
0x9: {  	[smem:$0x3FAA] =	sst s1  }
0xa: {  	[smem:$0x3FAB] =	sst s2  }
0xb: {  	[smem:$0x3FAC] =	sst s3  }
0xc: {  	[smem:$0x3FAD] =	sst s4  }
0xd: {  	[smem:$0x3FAE] =	sst s5  }
0xe: {  	[smem:$0x3FAF] =	sst s6  }
0xf: {  	[smem:$0x3FB0] =	sst s7  }
0x10: {  	[smem:$0x3FB1] =	sst s8  }
0x11: {  	[smem:$0x3FB2] =	sst s9;
	s0 =	simm.s32 @!p0 $0x0  }
0x12: {  	s1 =	sld [smem:$0x3F98];
	s0 =	simm.s32 @p0 $0x1  }
0x13: {  	[smem:$0x3FB3] =	sst s0;
	s0 =	simm.s32 @!p1 $0x0  }
0x14: {  	s2 =	sld [smem:$0x3F97];
	s0 =	simm.s32 @p1 $0x1  }
0x15: {  	[smem:$0x3FB4] =	sst s0;
	s0 =	simm.s32 @!p2 $0x0  }
0x16: {  	s3 =	sld [smem:$0x3FDB];
	s0 =	simm.s32 @p2 $0x1  }
0x17: {  	s4 =	simm.s32 $0x1BF5;
	[smem:$0x3FB6] =	sst s0  }
0x18: {  	s0 =	sld [smem:$0x3F99];
	_ =	swait.ge [sflag:s4], $0x0  }
0x19: {  	s7 =	sld [smem:$0x3F9A]  }
0x1a: {  	s8 =	sadd.s32 $0xFFFFE003, lr  }
0x1b: {  	s9 =	sadd.s32 $0xFFFFFEF7, lr;
	s5 =	simm.s32 $0xFFFFFFFF;
	p2 =	slt.u32 s8, $0xFFFFF086  }
0x1c: {  	p1 =	slt.u32 s9, $0xF7A;
	s5 =	simm.s32 @!p2 $0x0  }
0x1d: {  	s5 =	simm.s32 @p1 $0x1;
	p0 =	seq.s32 s7, s2  }
0x1e: {  	s7 =	smul.u32 @!p0 $0xF7A, s2;
	p2 =	seq.s32 @!p0 s5, $0x0  }
0x1f: {  	s9 =	smul.u32 $0xF7A, s1;
	s8 =	simm.s32 @!p0 $0x1BF5;
	p2 =	por !p2, p0  }
0x20: {  	[sflag:s8] =	ssyncset.s32 @!p0 $0xFFFFF086;
	s6 =	sadd.s32 @!p0 s3, s7;
	s7 =	simm.s32 @!p0 $0x108  }
0x21: {  	s3 =	sadd.s32 s3, s9;
	s6 =	sadd.s32 @!p0 $0x88, s6;
	s7 =	simm.s32 @p2 $0x1082  }
0x22: {  	[simem:s7], [sflag:s8] =	dma.local @!p0 [hbm:s6], $0xF7A  }
0x23: {  	s9 =	sor.u32 $0xD0000000, s2;
	s6 =	simm.s32 $0x108;
	_ =	swait.ge @!p0 [sflag:s8], $0x0  }
0x24: {  	s3 =	sadd.s32 $0x88, s3;
	s6 =	simm.s32 @!p1 $0x1082;
	[sflag:s4] =	ssyncset.s32 $0xFFFFF086  }
0x25: {  	[simem:s6], [sflag:s4] =	dma.local [hbm:s3], $0xF7A  }
0x26: {  	[smem:$0x3F9A] =	sst s1;
	(tag) =	ssettag s2;
	_ =	strace s9  }
0x27: {  	s1 =	sld [smem:$0x3FAA]  }
0x28: {  	s2 =	sld [smem:$0x3FAB]  }
0x29: {  	s4 =	sld [smem:$0x3FAD]  }
0x2a: {  	p0 =	seq.s32 s5, $0x0;
	s5 =	sld [smem:$0x3FAE]  }
0x2b: {  	s6 =	sld [smem:$0x3FAF]  }
0x2c: {  	s7 =	sld [smem:$0x3FB0]  }
0x2d: {  	s3 =	simm.s32 $0x108;
	s8 =	sld [smem:$0x3FB1]  }
0x2e: {  	s3 =	simm.s32 @!p0 $0x1082;
	s9 =	sld [smem:$0x3FB2]  }
0x2f: {  	lr =	sadd.s32 s0, s3;
	s0 =	sld [smem:$0x3FA9]  }
0x30: {  	s3 =	sld [smem:$0x3FAC]  }
0x31: {  	[smem:$0x3FB5] =	sst s10  }
0x32: {  	s10 =	sld [smem:$0x3FB3];
	_ =	sdelay $0x3  }
0x33: {  	p0 =	seq.s32 s10, $0x1;
	s10 =	sld [smem:$0x3FB5];
	_ =	sdelay $0x3  }
0x34: {  	[smem:$0x3FB5] =	sst s10  }
0x35: {  	s10 =	sld [smem:$0x3FB4];
	_ =	sdelay $0x3  }
0x36: {  	p1 =	seq.s32 s10, $0x1;
	s10 =	sld [smem:$0x3FB5];
	_ =	sdelay $0x3  }
0x37: {  	[smem:$0x3FB5] =	sst s10  }
0x38: {  	s10 =	sld [smem:$0x3FB6]  }
0x39: {  	_ = 	snop;
	(pc) =	sbr.ind lr, $3  }
0x3a: {  	_ = 	snop  }
0x3b: {  	_ = 	snop  }
0x3c: {  	p2 =	seq.s32 s10, $0x1;
	s10 =	sld [smem:$0x3FB5]  }
0x3d: {  	_ =	shalt  }
0x3e: {  	_ =	shalt  }
0x3f: {  	_ =	shalt  }
0x40: {  	_ =	shalt  }
0x41: {  	_ =	shalt  }
0x42: {  	_ =	shalt  }
0x43: {  	_ =	shalt  }
0x44: {  	_ =	shalt  }
0x45: {  	_ =	shalt  }
0x46: {  	_ =	shalt  }
0x47: {  	_ =	shalt  }
0x48: {  	_ =	shalt  }
0x49: {  	_ =	shalt  }
0x4a: {  	_ =	shalt  }
0x4b: {  	_ =	shalt  }
0x4c: {  	_ =	shalt  }
0x4d: {  	_ =	shalt  }
0x4e: {  	_ =	shalt  }
0x4f: {  	_ =	shalt  }
0x50: {  	_ =	shalt  }
0x51: {  	_ =	shalt  }
0x52: {  	_ =	shalt  }
0x53: {  	_ =	shalt  }
0x54: {  	_ =	shalt  }
0x55: {  	_ =	shalt  }
0x56: {  	_ =	shalt  }
0x57: {  	_ =	shalt  }
0x58: {  	_ =	shalt  }
0x59: {  	_ =	shalt  }
0x5a: {  	_ =	shalt  }
0x5b: {  	_ =	shalt  }
0x5c: {  	_ =	shalt  }
0x5d: {  	_ =	shalt  }
0x5e: {  	_ =	shalt  }
0x5f: {  	_ =	shalt  }
0x60: {  	_ =	shalt  }
0x61: {  	_ =	shalt  }
0x62: {  	_ =	shalt  }
0x63: {  	_ =	shalt  }
0x64: {  	_ =	shalt  }
0x65: {  	_ =	shalt  }
0x66: {  	_ =	shalt  }
0x67: {  	_ =	shalt  }
0x68: {  	_ =	shalt  }
0x69: {  	_ =	shalt  }
0x6a: {  	_ =	shalt  }
0x6b: {  	_ =	shalt  }
0x6c: {  	_ =	shalt  }
0x6d: {  	_ =	shalt  }
0x6e: {  	_ =	shalt  }
0x6f: {  	_ =	shalt  }
0x70: {  	_ =	shalt  }
0x71: {  	_ =	shalt  }
0x72: {  	_ =	shalt  }
0x73: {  	_ =	shalt  }
0x74: {  	_ =	shalt  }
0x75: {  	_ =	shalt  }
0x76: {  	_ =	shalt  }
0x77: {  	_ =	shalt  }
0x78: {  	_ =	shalt  }
0x79: {  	_ =	shalt  }
0x7a: {  	_ =	shalt  }
0x7b: {  	_ =	shalt  }
0x7c: {  	_ =	shalt  }
0x7d: {  	_ =	shalt  }
0x7e: {  	_ =	shalt  }
0x7f: {  	_ =	shalt  }
0x80: {  	_ =	shalt  }
0x81: {  	_ =	shalt  }
0x82: {  	_ =	shalt  }
0x83: {  	_ =	shalt  }
0x84: {  	_ =	shalt  }
0x85: {  	_ =	shalt  }
0x86: {  	_ =	shalt  }
0x87: {  	_ =	shalt  }
.Lfunc_end0:
.L_simem_size_0:
called_computation.1_lowered:
.L_overlay_start_0:
0x88: {  	s2 =	sld [smem:$0x3FD9]  }
0x89: {  	s3 =	sld [smem:$0x3FFE];
	_ =	sdelay $0x1  }
0x8a: {  	s1 =	srdreg.scid  }
0x8b: {  	s0 =	sand.u32 $0x1, s1  }
0x8c: {  	s16 =	sshll.u32 s0, $0xA;
	s2 =	sadd.s32 s3, s2  }
0x8d: {  	s2 =	sadd.s32 s2, s16  }
0x8e: {  	[smem:$0x3FC1] =	sst s2  }
0x8f: {  	_ = 	snop  }
0x90: {  	(tm) =	ssettm $0x1  }
0x91: {  	s17 =	sld [smem:$0x3FFB];
	_ =	sdelay $0x3  }
0x92: {  	_ =	strace s17  }
0x93: {  	s2 =	sld [smem:$0x3FFC];
	_ =	sdelay $0x3  }
0x94: {  	_ =	strace s2  }
0x95: {  	s2 =	sld [smem:$0x3FFD];
	_ =	sdelay $0x3  }
0x96: {  	_ =	strace s2  }
0x97: {  	_ =	strace $0x8FFFFFFF  }
0x98: {  	s18 =	sld [smem:$0x3FDB];
	_ =	sdelay $0x1  }
0x99: {  	s19 =	simm.s32 $_scs_section_size  }
0x9a: {  	s4 =	simm.s32 $_size__tile_overlayer_lowered;
	s5 =	simm.s32 $_tile_overlayer_lowered  }
0x9b: {  	s22 =	simm.s32 $0x1BFF;
	s21 =	sshll.u32 s5, $0x1;
	s2 =	sadd.s32 s19, s18  }
0x9c: {  	s6 =	simm.s32 $0x0;
	s20 =	sshll.u32 s4, $0x1;
	s4 =	sadd.s32 s21, s2  }
0x9d: {  	[timem:s6], [sflag:s22] =	dma.local [hbm:s4], s20  }
0x9e: {  	_ =	swait.ge [sflag:s22], s20  }
0x9f: {  	s3 =	ssub.s32 $0x0, s20;
	[sflag:s22] =	ssyncset.done $0x0  }
0xa0: {  	[sflag:s22] =	ssyncadd.s32 s3;
	_ =	sdelay $0x1  }
0xa1: {  	s23 =	simm.s32 $0x1B8B  }
0xa2: {  	_ =	swait.ge [sflag:s23], $0x1  }
0xa3: {  	[sflag:s23] =	ssyncset.done $0x0  }
0xa4: {  	s25 =	simm.s32 $0x1B8E;
	s24 =	sld [smem:$0x3FFE];
	[sflag:s23] =	ssyncadd.s32 $0xFFFFFFFF  }
0xa5: {  	s26 =	simm.s32 $execute0_lowered;
	[smem:$0x3FD2] =	sst s25  }
0xa6: {  	s4 =	sshll.u32 s26, $0x1;
	_ =	strace $0x80000049;
	[dreg:$0x1] =	wrdreg $0xFFFFFFFF  }
0xa7: {  	s28 =	simm.s32 $_size_execute0_lowered;
	s2 =	sadd.s32 s2, s4;
	[dreg:$0x0] =	wrdreg $0x0  }
0xa8: {  	s4 =	sshll.u32 s28, $0x1;
	[dreg:$0x2] =	wrdreg s2  }
0xa9: {  	[dreg:$0x3] =	wrdreg s4  }
0xaa: {  	[dreg:$0x4] =	wrdreg $0xC0  }
0xab: {  	_ =	task [dreg:s6], $0x5FFFF  }
0xac: {  	[dreg:$0x1] =	wrdreg $0xFFFFFFFF  }
0xad: {  	[dreg:$0x0] =	wrdreg $0x60  }
0xae: {  	[dreg:$0x2] =	wrdreg s24  }
0xaf: {  	[dreg:$0x3] =	wrdreg $0xA8000  }
0xb0: {  	[dreg:$0x4] =	wrdreg $0x9  }
0xb1: {  	_ =	task.clear_ibuf [dreg:s6], $0x5FFFF;
	_ =	strace $0x90000049  }
0xb2: {  	s29 =	simm.s32 $0x9;
	_ =	strace $0x8000004B  }
0xb3: {  	_ =	swait.ge [sflag:s29], $0x1  }
0xb4: {  	[sflag:s29] =	ssyncadd.s32 $0xFFFFFFFF  }
0xb5: {  	_ =	strace $0x9000004B  }
0xb6: {  	_ =	sfence  }
0xb7: {  	s30 =	sld [smem:$0x0];
	_ =	sdelay $0x2  }
0xb8: {  	s31 =	sshll.u32 s1, $0xD;
	s1 =	sshrl.u32 s1, $0x2  }
0xb9: {  	s3 =	sand.u32 $0x4000, s31;
	s1 =	sadd.s32 s1, s30  }
0xba: {  	s0 =	sor.u32 s3, s0;
	s1 =	sshll.u32 s1, $0x11  }
0xbb: {  	s0 =	sor.u32 s1, s0  }
0xbc: {  	s0 =	sadd.s32 $0x8F2B, s0  }
0xbd: {  	[sflag:s0] =	ssyncadd.remote.s32 $0x1  }
0xbe: {  	_ =	sfence.sel $0xFFFF  }
0xbf: {  	[dreg:$0x0] =	wrdreg $0xFFFFFFFF;
	(pc) =	sbr.abs _section_cstart, $3  }
0xc0: {  	[dreg:$0x1] =	wrdreg $0xFFFFFFFF  }
0xc1: {  	_ =	task.clear_ibuf [dreg:s6], $0x2FFFF;
	_ =	strace $0x9FFFFFFF  }
0xc2: {  	(tm) =	ssettm $0x7FFFFFFF  }
0xc3: {  	_ =	shalt  }
tec
execute0_lowered:
.L_overlay_start_1:
0x0: {  	(tag) =	ssettag $0x1  }
0x1: {  	s6 =	rddreg [dreg:$0x0]  }
0x2: {  	s1 =	rddreg [dreg:$0x1];
	s2 =	srdreg.scid  }
0x3: {  	s0 =	rddreg [dreg:$0x2];
	s3 =	simm.s32 $0x0;
	s15 =	simm.s32 $0x1400  }
0x4: {  	s16 =	simm.s32 $0x80;
	s17 =	simm.s32 $0x2800;
	s18 =	simm.s32 $0x6800  }
0x5: {  	s19 =	simm.s32 $0x1;
	s20 =	simm.s32 $0x2;
	s21 =	simm.s32 $0x2700  }
0x6: {  	s22 =	simm.s32 $0x2780;
	s23 =	simm.s32 $0x0;
	s7 =	sand.u32 $0x1, s2  }
0x7: {  	s2 =	stileid.u32;
	[smem:$0x7FF] =	sst s3;
	s4 =	sadd.s32 $0x19400, s6  }
0x8: {  	s9 =	sadd.s32 $0x2C00, s6;
	s10 =	sadd.s32 $0xCC00, s6;
	s5 =	smul.u32 $0x140000, s7  }
0x9: {  	s8 =	smul.u32 $0x14000, s2;
	_ =	strace $0x8000004A;
	s11 =	sshll.u32 s2, $0x1  }
0xa: {  	s12 =	ssub.s32 $0x2, s7;
	s26 =	smul.u32 $0x50000, s2;
	s30 =	sshll.u32 s2, $0x6  }
0xb: {  	s7 =	sor.u32 s7, s11;
	s28 =	sshrl.u32 s12, $0x1;
	s8 =	sadd.s32 s8, s5  }
0xc: {  	s5 =	sadd.s32 $0x16C00, s6;
	s7 =	smul.u32 $0x2800, s7;
	s29 =	sshrl.u32 s26, $0x2  }
0xd: {  	s12 =	ssub.s32 s12, s28;
	s8 =	sshrl.u32 s8, $0x3;
	s14 =	sadd.s32 s29, s1  }
0xe: {  	s12 =	smax.u32 s12, $0x1;
	s13 =	sadd.s32 s8, s6;
	s31 =	sshrl.u32 s7, $0x3  }
0xf: {  	s6 =	sor.u32 $0x1C03, s30;
	s7 =	sadd.s32 s9, s31;
	s11 =	sadd.s32 $0x280, s31  }
0x10: {  	s8 =	sadd.s32 s10, s31;
	s9 =	sadd.s32 s9, s11;
	s10 =	sadd.s32 s10, s11  }
0x11: {  	s11 =	sadd.s32 $0x41400, s13;
	s13 =	sshrl.u32 s14, $0x3;
	s14 =	simm.s32 $0x3  }
.LBB2_1:
0x12: {  	[spmem:s13], [sflag:s6] =	dma.local [hbm:s5], $0x2800  }
0x13: {  	_ =	swait.ge [sflag:s14], $0x2800  }
0x14: {  	[sflag:s14] =	ssyncset.done $0x0  }
0x15: {  	[sflag:s14] =	ssyncadd.s32 $0xFFFFD800  }
0x16: {  	[bflag:$0x0] =	sbarrier.arrive $0xFFFF  }
0x17: {  	[tilespmem:s3], [sflag:$0x3] =	stream.linear.gather [hbm4b:s7+s3], $0x1400, $0x38;
	[tilespmem:$0x1E800] =	vst v63  }
0x18: {  	_ =	swait.ge [sflag:s14], $0x1400  }
0x19: {  	[sflag:s14] =	ssyncset.done $0x0  }
0x1a: {  	[sflag:s14] =	ssyncadd.s32 $0xFFFFEC00  }
0x1b: {  	[tilespmem:s15], [sflag:$0x3] =	stream.linear.gather [hbm4b:s8+s3], $0x1400, $0x38;
	[tilespmem:$0x1E800] =	vst v63  }
0x1c: {  	_ =	swait.ge [sflag:s14], $0x1400  }
0x1d: {  	[sflag:s14] =	ssyncset.done $0x0  }
0x1e: {  	[sflag:s14] =	ssyncadd.s32 $0xFFFFEC00  }
0x1f: {  	[tilespmem:s17], [sflag:$0x1] =	stream.indirect.gather [hbm4b:s4+s16], $0x80, s3, s16, $0xb8;
	[tilespmem:$0x1E800] =	vst v63  }
0x20: {  	_ = 	snop  }
0x21: {  	[tilespmem:s18], [sflag:$0x2] =	stream.indirect.gather [hbm4b:s4+s16], $0x80, s16, s16, $0xb8;
	[tilespmem:$0x1E800] =	vst v63  }
0x22: {  	_ =	swait.ge [sflag:s19], $0x4000  }
0x23: {  	[sflag:s19] =	ssyncset.done $0x0  }
0x24: {  	s24 =	simm.s32 $0x1400;
	[sflag:s19] =	ssyncadd.s32 $0xFFFFC000  }
0x25: {  	[spmem:s1] =	stream.indirect.scatter.add.f32 [tilespmem:s17], [sflag:$0x3], $0x80, s24, s16, $0xb8;
	[tilespmem:$0x1E800] =	vst v63  }
0x26: {  	_ =	swait.ge [sflag:s14], $0x4000  }
0x27: {  	[sflag:s14] =	ssyncset.done $0x0  }
0x28: {  	s30 =	simm.s32 $0x100;
	[sflag:s14] =	ssyncadd.s32 $0xFFFFC000  }
0x29: {  	[tilespmem:s17], [sflag:$0x1] =	stream.indirect.gather [hbm4b:s4+s16], $0x80, s30, s16, $0xb8;
	[tilespmem:$0x1E800] =	vst v63  }
0x2a: {  	_ =	swait.ge [sflag:s20], $0x4000  }
0x2b: {  	[sflag:s20] =	ssyncset.done $0x0  }
0x2c: {  	s31 =	simm.s32 $0x1480;
	[sflag:s20] =	ssyncadd.s32 $0xFFFFC000  }
0x2d: {  	[spmem:s1] =	stream.indirect.scatter.add.f32 [tilespmem:s18], [sflag:$0x3], $0x80, s31, s16, $0xb8;
	[tilespmem:$0x1E800] =	vst v63  }
0x2e: {  	_ =	swait.ge [sflag:s14], $0x4000  }
0x2f: {  	[sflag:s14] =	ssyncset.done $0x0  }
0x30: {  	s25 =	simm.s32 $0x180;
	s24 =	simm.s32 $0x400;
	[sflag:s14] =	ssyncadd.s32 $0xFFFFC000  }
.LBB2_2:
0x31: {  	[tilespmem:s18], [sflag:$0x2] =	stream.indirect.gather [hbm4b:s4+s16], $0x80, s25, s16, $0xb8;
	[tilespmem:$0x1E800] =	vst v63  }
0x32: {  	s25 =	smov.u32 s24  }
0x33: {  	p0 =	sne.s32 s24, $0x4800;
	s24 =	sadd.s32 $0x400, s24;
	_ =	swait.ge [sflag:s19], $0x4000  }
0x34: {  	s25 =	sshra.s32 s25, $0x2;
	[sflag:s19] =	ssyncset.done $0x0  }
0x35: {  	s26 =	sadd.s32 $0x1400, s25;
	[sflag:s19] =	ssyncadd.s32 $0xFFFFC000  }
0x36: {  	[spmem:s1] =	stream.indirect.scatter.add.f32 [tilespmem:s17], [sflag:$0x3], $0x80, s26, s16, $0xb8;
	[tilespmem:$0x1E800] =	vst v63  }
0x37: {  	_ =	swait.ge [sflag:s14], $0x4000  }
0x38: {  	[sflag:s14] =	ssyncset.done $0x0  }
0x39: {  	s26 =	sadd.s32 $0x100, s25;
	[sflag:s14] =	ssyncadd.s32 $0xFFFFC000  }
0x3a: {  	[tilespmem:s17], [sflag:$0x1] =	stream.indirect.gather [hbm4b:s4+s16], $0x80, s26, s16, $0xb8;
	[tilespmem:$0x1E800] =	vst v63  }
0x3b: {  	_ =	swait.ge [sflag:s20], $0x4000  }
0x3c: {  	[sflag:s20] =	ssyncset.done $0x0  }
.Ltmp0:
0x3d: {  	s26 =	sadd.s32 $0x1480, s25;
	[sflag:s20] =	ssyncadd.s32 $0xFFFFC000;
	(pc) =	sbr.rel @p0 .LBB2_2-.Ltmp0, $4  }
0x3e: {  	[spmem:s1] =	stream.indirect.scatter.add.f32 [tilespmem:s18], [sflag:$0x3], $0x80, s26, s16, $0xb8;
	[tilespmem:$0x1E800] =	vst v63  }
0x3f: {  	_ =	swait.ge [sflag:s14], $0x4000  }
0x40: {  	[sflag:s14] =	ssyncset.done $0x0  }
0x41: {  	s25 =	sadd.s32 $0x180, s25;
	[sflag:s14] =	ssyncadd.s32 $0xFFFFC000  }
0x42: {  	[tilespmem:s18], [sflag:$0x2] =	stream.indirect.gather [hbm4b:s4+s16], $0x80, s25, s16, $0xb8;
	[tilespmem:$0x1E800] =	vst v63  }
0x43: {  	_ =	swait.ge [sflag:s19], $0x4000  }
0x44: {  	[sflag:s19] =	ssyncset.done $0x0  }
0x45: {  	[sflag:s19] =	ssyncadd.s32 $0xFFFFC000  }
0x46: {  	[spmem:s1] =	stream.indirect.scatter.add.f32 [tilespmem:s17], [sflag:$0x3], $0x80, s21, s16, $0xb8;
	[tilespmem:$0x1E800] =	vst v63  }
0x47: {  	_ =	swait.ge [sflag:s14], $0x4000  }
0x48: {  	[sflag:s14] =	ssyncset.done $0x0  }
0x49: {  	[sflag:s14] =	ssyncadd.s32 $0xFFFFC000  }
0x4a: {  	_ =	swait.ge [sflag:s20], $0x4000  }
0x4b: {  	[sflag:s20] =	ssyncset.done $0x0  }
0x4c: {  	[sflag:s20] =	ssyncadd.s32 $0xFFFFC000  }
0x4d: {  	[spmem:s1] =	stream.indirect.scatter.add.f32 [tilespmem:s18], [sflag:$0x3], $0x80, s22, s16, $0xb8;
	[tilespmem:$0x1E800] =	vst v63  }
0x4e: {  	_ =	swait.ge [sflag:s14], $0x4000  }
0x4f: {  	[sflag:s14] =	ssyncset.done $0x0  }
0x50: {  	s24 =	simm.s32 $0x0;
	[sflag:s14] =	ssyncadd.s32 $0xFFFFC000  }
0x51: {  	[tilespmem:s24], [sflag:$0x3] =	stream.linear.gather [hbm4b:s9+s24], $0x1400, $0x38;
	[tilespmem:$0x1E800] =	vst v63  }
0x52: {  	_ =	swait.ge [sflag:s14], $0x1400  }
0x53: {  	[sflag:s14] =	ssyncset.done $0x0  }
0x54: {  	[sflag:s14] =	ssyncadd.s32 $0xFFFFEC00  }
0x55: {  	[tilespmem:s15], [sflag:$0x3] =	stream.linear.gather [hbm4b:s10+s24], $0x1400, $0x38;
	[tilespmem:$0x1E800] =	vst v63  }
0x56: {  	_ =	swait.ge [sflag:s14], $0x1400  }
0x57: {  	[sflag:s14] =	ssyncset.done $0x0  }
0x58: {  	[sflag:s14] =	ssyncadd.s32 $0xFFFFEC00  }
0x59: {  	[tilespmem:s17], [sflag:$0x1] =	stream.indirect.gather [hbm4b:s4+s16], $0x80, s24, s16, $0xb8;
	[tilespmem:$0x1E800] =	vst v63  }
0x5a: {  	_ = 	snop  }
0x5b: {  	[tilespmem:s18], [sflag:$0x2] =	stream.indirect.gather [hbm4b:s4+s16], $0x80, s16, s16, $0xb8;
	[tilespmem:$0x1E800] =	vst v63  }
0x5c: {  	_ =	swait.ge [sflag:s19], $0x4000  }
0x5d: {  	[sflag:s19] =	ssyncset.done $0x0  }
0x5e: {  	s29 =	simm.s32 $0x1400;
	[sflag:s19] =	ssyncadd.s32 $0xFFFFC000  }
0x5f: {  	[spmem:s1] =	stream.indirect.scatter.add.f32 [tilespmem:s17], [sflag:$0x3], $0x80, s29, s16, $0xb8;
	[tilespmem:$0x1E800] =	vst v63  }
0x60: {  	_ =	swait.ge [sflag:s14], $0x4000  }
0x61: {  	[sflag:s14] =	ssyncset.done $0x0  }
0x62: {  	s30 =	simm.s32 $0x100;
	[sflag:s14] =	ssyncadd.s32 $0xFFFFC000  }
0x63: {  	[tilespmem:s17], [sflag:$0x1] =	stream.indirect.gather [hbm4b:s4+s16], $0x80, s30, s16, $0xb8;
	[tilespmem:$0x1E800] =	vst v63  }
0x64: {  	_ =	swait.ge [sflag:s20], $0x4000  }
0x65: {  	[sflag:s20] =	ssyncset.done $0x0  }
0x66: {  	s31 =	simm.s32 $0x1480;
	[sflag:s20] =	ssyncadd.s32 $0xFFFFC000  }
0x67: {  	[spmem:s1] =	stream.indirect.scatter.add.f32 [tilespmem:s18], [sflag:$0x3], $0x80, s31, s16, $0xb8;
	[tilespmem:$0x1E800] =	vst v63  }
0x68: {  	_ =	swait.ge [sflag:s14], $0x4000  }
0x69: {  	[sflag:s14] =	ssyncset.done $0x0  }
0x6a: {  	s25 =	simm.s32 $0x180;
	s24 =	simm.s32 $0x400;
	[sflag:s14] =	ssyncadd.s32 $0xFFFFC000  }
.LBB2_4:
0x6b: {  	[tilespmem:s18], [sflag:$0x2] =	stream.indirect.gather [hbm4b:s4+s16], $0x80, s25, s16, $0xb8;
	[tilespmem:$0x1E800] =	vst v63  }
0x6c: {  	s25 =	smov.u32 s24  }
0x6d: {  	p0 =	sne.s32 s24, $0x4800;
	s24 =	sadd.s32 $0x400, s24;
	_ =	swait.ge [sflag:s19], $0x4000  }
0x6e: {  	s25 =	sshra.s32 s25, $0x2;
	[sflag:s19] =	ssyncset.done $0x0  }
0x6f: {  	s26 =	sadd.s32 $0x1400, s25;
	[sflag:s19] =	ssyncadd.s32 $0xFFFFC000  }
0x70: {  	[spmem:s1] =	stream.indirect.scatter.add.f32 [tilespmem:s17], [sflag:$0x3], $0x80, s26, s16, $0xb8;
	[tilespmem:$0x1E800] =	vst v63  }
0x71: {  	_ =	swait.ge [sflag:s14], $0x4000  }
0x72: {  	[sflag:s14] =	ssyncset.done $0x0  }
0x73: {  	s26 =	sadd.s32 $0x100, s25;
	[sflag:s14] =	ssyncadd.s32 $0xFFFFC000  }
0x74: {  	[tilespmem:s17], [sflag:$0x1] =	stream.indirect.gather [hbm4b:s4+s16], $0x80, s26, s16, $0xb8;
	[tilespmem:$0x1E800] =	vst v63  }
0x75: {  	_ =	swait.ge [sflag:s20], $0x4000  }
0x76: {  	[sflag:s20] =	ssyncset.done $0x0  }
.Ltmp1:
0x77: {  	s26 =	sadd.s32 $0x1480, s25;
	[sflag:s20] =	ssyncadd.s32 $0xFFFFC000;
	(pc) =	sbr.rel @p0 .LBB2_4-.Ltmp1, $4  }
0x78: {  	[spmem:s1] =	stream.indirect.scatter.add.f32 [tilespmem:s18], [sflag:$0x3], $0x80, s26, s16, $0xb8;
	[tilespmem:$0x1E800] =	vst v63  }
0x79: {  	_ =	swait.ge [sflag:s14], $0x4000  }
0x7a: {  	[sflag:s14] =	ssyncset.done $0x0  }
0x7b: {  	s25 =	sadd.s32 $0x180, s25;
	[sflag:s14] =	ssyncadd.s32 $0xFFFFC000  }
0x7c: {  	[tilespmem:s18], [sflag:$0x2] =	stream.indirect.gather [hbm4b:s4+s16], $0x80, s25, s16, $0xb8;
	[tilespmem:$0x1E800] =	vst v63  }
0x7d: {  	_ =	swait.ge [sflag:s19], $0x4000  }
0x7e: {  	[sflag:s19] =	ssyncset.done $0x0  }
0x7f: {  	[sflag:s19] =	ssyncadd.s32 $0xFFFFC000  }
0x80: {  	[spmem:s1] =	stream.indirect.scatter.add.f32 [tilespmem:s17], [sflag:$0x3], $0x80, s21, s16, $0xb8;
	[tilespmem:$0x1E800] =	vst v63  }
0x81: {  	_ =	swait.ge [sflag:s14], $0x4000  }
0x82: {  	[sflag:s14] =	ssyncset.done $0x0  }
0x83: {  	[sflag:s14] =	ssyncadd.s32 $0xFFFFC000  }
0x84: {  	_ =	swait.ge [sflag:s20], $0x4000  }
0x85: {  	[sflag:s20] =	ssyncset.done $0x0  }
0x86: {  	[sflag:s20] =	ssyncadd.s32 $0xFFFFC000  }
0x87: {  	[spmem:s1] =	stream.indirect.scatter.add.f32 [tilespmem:s18], [sflag:$0x3], $0x80, s22, s16, $0xb8;
	[tilespmem:$0x1E800] =	vst v63  }
0x88: {  	_ =	swait.ge [sflag:s14], $0x4000  }
0x89: {  	s23 =	sadd.s32 $0x1, s23;
	[sflag:s14] =	ssyncset.done $0x0  }
0x8a: {  	p0 =	sne.s32 s23, s12;
	[sflag:s14] =	ssyncadd.s32 $0xFFFFC000  }
.Ltmp2:
0x8b: {  	[bflag:$0x0] =	sbarrier.arrive $0xFFFF;
	(pc) =	sbr.rel @p0 .LBB2_1-.Ltmp2, $4  }
0x8c: {  	[hbm:s11], [sflag:s6] =	dma.local [spmem:s13], $0x2800  }
0x8d: {  	_ =	swait.ge [sflag:s14], $0x2800  }
0x8e: {  	[sflag:s14] =	ssyncset.done $0x0  }
0x8f: {  	[sflag:s14] =	ssyncadd.s32 $0xFFFFD800  }
0x90: {  	_ =	sfence.sel $0x180000  }
0x91: {  	[bflag:$0x0] =	sbarrier.arrive $0xFFFF  }
0x92: {  	p0 =	sne.s32 s2, $0x0;
	_ =	strace $0x9000004A  }
0x93: {  	s0 =	sadd.s32 @!p0 $0x100000, s0;
	[bflag:$0x2] =	sbarrier.arrive $0xFFFF  }
0x94: {  	[sflag:s0] =	ssyncadd.tile.s32 @!p0 $0x1;
	_ =	shalt  }
.Lfunc_end2:
_tile_overlayer_lowered:
.L_overlay_start_2:
0x95: {  	(tag) =	ssettag $0x2  }
0x96: {  	s0 =	rddreg [dreg:$0x0];
	s2 =	stileid.u32  }
0x97: {  	s1 =	rddreg [dreg:$0x1];
	p0 =	sne.s32 s2, $0x0  }
0x98: {  	s3 =	rddreg [dreg:$0x2];
	[bflag:$0x3] =	sbarrier.arrive $0xFFFF;
	s2 =	simm.s32 @!p0 $0x1C03  }
0x99: {  	[timem:s3], [sflag:s2] =	dma.local @!p0 [hbm:s0], s1  }
0x9a: {  	s0 =	simm.s32 @!p0 $0x3  }
0x9b: {  	_ =	swait.ge @!p0 [sflag:s0], s1  }
0x9c: {  	s1 =	ssub.s32 @!p0 $0x0, s1;
	[sflag:s0] =	ssyncset.done @!p0 $0x0  }
0x9d: {  	[sflag:s0] =	ssyncadd.s32 @!p0 s1  }
0x9e: {  	[bflag:$0x3] =	sbarrier.arrive $0xFFFF  }
0x9f: {  	_ =	shalt  }

// kernel: kernel.14.cloned.1.call-start
scs
__scs_entry_jumppad:
0x0: {  	(pc) =	sbr.rel $0x88, $3  }
0x1: {  	(tag) =	ssettag $0x0;
	lr =	simm.s32 $0x1  }
0x2: {  	[smem:$0x3F9A] =	sst lr;
	_ =	strace $0xD0000000  }
0x3: {  	_ = 	snop  }
0x4: {  	_ = 	snop  }
0x5: {  	_ = 	snop  }
0x6: {  	_ = 	snop  }
0x7: {  	_ = 	snop  }
__scs_overlays_trampoline_lowered:
0x8: {  	[smem:$0x3FA9] =	sst s0  }
0x9: {  	[smem:$0x3FAA] =	sst s1  }
0xa: {  	[smem:$0x3FAB] =	sst s2  }
0xb: {  	[smem:$0x3FAC] =	sst s3  }
0xc: {  	[smem:$0x3FAD] =	sst s4  }
0xd: {  	[smem:$0x3FAE] =	sst s5  }
0xe: {  	[smem:$0x3FAF] =	sst s6  }
0xf: {  	[smem:$0x3FB0] =	sst s7  }
0x10: {  	[smem:$0x3FB1] =	sst s8  }
0x11: {  	[smem:$0x3FB2] =	sst s9;
	s0 =	simm.s32 @!p0 $0x0  }
0x12: {  	s1 =	sld [smem:$0x3F98];
	s0 =	simm.s32 @p0 $0x1  }
0x13: {  	[smem:$0x3FB3] =	sst s0;
	s0 =	simm.s32 @!p1 $0x0  }
0x14: {  	s2 =	sld [smem:$0x3F97];
	s0 =	simm.s32 @p1 $0x1  }
0x15: {  	[smem:$0x3FB4] =	sst s0;
	s0 =	simm.s32 @!p2 $0x0  }
0x16: {  	s3 =	sld [smem:$0x3FDB];
	s0 =	simm.s32 @p2 $0x1  }
0x17: {  	s4 =	simm.s32 $0x1BF5;
	[smem:$0x3FB6] =	sst s0  }
0x18: {  	s0 =	sld [smem:$0x3F99];
	_ =	swait.ge [sflag:s4], $0x0  }
0x19: {  	s7 =	sld [smem:$0x3F9A]  }
0x1a: {  	s8 =	sadd.s32 $0xFFFFE003, lr  }
0x1b: {  	s9 =	sadd.s32 $0xFFFFFEF7, lr;
	s5 =	simm.s32 $0xFFFFFFFF;
	p2 =	slt.u32 s8, $0xFFFFF086  }
0x1c: {  	p1 =	slt.u32 s9, $0xF7A;
	s5 =	simm.s32 @!p2 $0x0  }
0x1d: {  	s5 =	simm.s32 @p1 $0x1;
	p0 =	seq.s32 s7, s2  }
0x1e: {  	s7 =	smul.u32 @!p0 $0xF7A, s2;
	p2 =	seq.s32 @!p0 s5, $0x0  }
0x1f: {  	s9 =	smul.u32 $0xF7A, s1;
	s8 =	simm.s32 @!p0 $0x1BF5;
	p2 =	por !p2, p0  }
0x20: {  	[sflag:s8] =	ssyncset.s32 @!p0 $0xFFFFF086;
	s6 =	sadd.s32 @!p0 s3, s7;
	s7 =	simm.s32 @!p0 $0x108  }
0x21: {  	s3 =	sadd.s32 s3, s9;
	s6 =	sadd.s32 @!p0 $0x88, s6;
	s7 =	simm.s32 @p2 $0x1082  }
0x22: {  	[simem:s7], [sflag:s8] =	dma.local @!p0 [hbm:s6], $0xF7A  }
0x23: {  	s9 =	sor.u32 $0xD0000000, s2;
	s6 =	simm.s32 $0x108;
	_ =	swait.ge @!p0 [sflag:s8], $0x0  }
0x24: {  	s3 =	sadd.s32 $0x88, s3;
	s6 =	simm.s32 @!p1 $0x1082;
	[sflag:s4] =	ssyncset.s32 $0xFFFFF086  }
0x25: {  	[simem:s6], [sflag:s4] =	dma.local [hbm:s3], $0xF7A  }
0x26: {  	[smem:$0x3F9A] =	sst s1;
	(tag) =	ssettag s2;
	_ =	strace s9  }
0x27: {  	s1 =	sld [smem:$0x3FAA]  }
0x28: {  	s2 =	sld [smem:$0x3FAB]  }
0x29: {  	s4 =	sld [smem:$0x3FAD]  }
0x2a: {  	p0 =	seq.s32 s5, $0x0;
	s5 =	sld [smem:$0x3FAE]  }
0x2b: {  	s6 =	sld [smem:$0x3FAF]  }
0x2c: {  	s7 =	sld [smem:$0x3FB0]  }
0x2d: {  	s3 =	simm.s32 $0x108;
	s8 =	sld [smem:$0x3FB1]  }
0x2e: {  	s3 =	simm.s32 @!p0 $0x1082;
	s9 =	sld [smem:$0x3FB2]  }
0x2f: {  	lr =	sadd.s32 s0, s3;
	s0 =	sld [smem:$0x3FA9]  }
0x30: {  	s3 =	sld [smem:$0x3FAC]  }
0x31: {  	[smem:$0x3FB5] =	sst s10  }
0x32: {  	s10 =	sld [smem:$0x3FB3];
	_ =	sdelay $0x3  }
0x33: {  	p0 =	seq.s32 s10, $0x1;
	s10 =	sld [smem:$0x3FB5];
	_ =	sdelay $0x3  }
0x34: {  	[smem:$0x3FB5] =	sst s10  }
0x35: {  	s10 =	sld [smem:$0x3FB4];
	_ =	sdelay $0x3  }
0x36: {  	p1 =	seq.s32 s10, $0x1;
	s10 =	sld [smem:$0x3FB5];
	_ =	sdelay $0x3  }
0x37: {  	[smem:$0x3FB5] =	sst s10  }
0x38: {  	s10 =	sld [smem:$0x3FB6]  }
0x39: {  	_ = 	snop;
	(pc) =	sbr.ind lr, $3  }
0x3a: {  	_ = 	snop  }
0x3b: {  	_ = 	snop  }
0x3c: {  	p2 =	seq.s32 s10, $0x1;
	s10 =	sld [smem:$0x3FB5]  }
0x3d: {  	_ =	shalt  }
0x3e: {  	_ =	shalt  }
0x3f: {  	_ =	shalt  }
0x40: {  	_ =	shalt  }
0x41: {  	_ =	shalt  }
0x42: {  	_ =	shalt  }
0x43: {  	_ =	shalt  }
0x44: {  	_ =	shalt  }
0x45: {  	_ =	shalt  }
0x46: {  	_ =	shalt  }
0x47: {  	_ =	shalt  }
0x48: {  	_ =	shalt  }
0x49: {  	_ =	shalt  }
0x4a: {  	_ =	shalt  }
0x4b: {  	_ =	shalt  }
0x4c: {  	_ =	shalt  }
0x4d: {  	_ =	shalt  }
0x4e: {  	_ =	shalt  }
0x4f: {  	_ =	shalt  }
0x50: {  	_ =	shalt  }
0x51: {  	_ =	shalt  }
0x52: {  	_ =	shalt  }
0x53: {  	_ =	shalt  }
0x54: {  	_ =	shalt  }
0x55: {  	_ =	shalt  }
0x56: {  	_ =	shalt  }
0x57: {  	_ =	shalt  }
0x58: {  	_ =	shalt  }
0x59: {  	_ =	shalt  }
0x5a: {  	_ =	shalt  }
0x5b: {  	_ =	shalt  }
0x5c: {  	_ =	shalt  }
0x5d: {  	_ =	shalt  }
0x5e: {  	_ =	shalt  }
0x5f: {  	_ =	shalt  }
0x60: {  	_ =	shalt  }
0x61: {  	_ =	shalt  }
0x62: {  	_ =	shalt  }
0x63: {  	_ =	shalt  }
0x64: {  	_ =	shalt  }
0x65: {  	_ =	shalt  }
0x66: {  	_ =	shalt  }
0x67: {  	_ =	shalt  }
0x68: {  	_ =	shalt  }
0x69: {  	_ =	shalt  }
0x6a: {  	_ =	shalt  }
0x6b: {  	_ =	shalt  }
0x6c: {  	_ =	shalt  }
0x6d: {  	_ =	shalt  }
0x6e: {  	_ =	shalt  }
0x6f: {  	_ =	shalt  }
0x70: {  	_ =	shalt  }
0x71: {  	_ =	shalt  }
0x72: {  	_ =	shalt  }
0x73: {  	_ =	shalt  }
0x74: {  	_ =	shalt  }
0x75: {  	_ =	shalt  }
0x76: {  	_ =	shalt  }
0x77: {  	_ =	shalt  }
0x78: {  	_ =	shalt  }
0x79: {  	_ =	shalt  }
0x7a: {  	_ =	shalt  }
0x7b: {  	_ =	shalt  }
0x7c: {  	_ =	shalt  }
0x7d: {  	_ =	shalt  }
0x7e: {  	_ =	shalt  }
0x7f: {  	_ =	shalt  }
0x80: {  	_ =	shalt  }
0x81: {  	_ =	shalt  }
0x82: {  	_ =	shalt  }
0x83: {  	_ =	shalt  }
0x84: {  	_ =	shalt  }
0x85: {  	_ =	shalt  }
0x86: {  	_ =	shalt  }
0x87: {  	_ =	shalt  }
.Lfunc_end0:
.L_simem_size_0:
called_computation.2_lowered:
.L_overlay_start_0:
0x88: {  	s2 =	sld [smem:$0x3FD9]  }
0x89: {  	s3 =	sld [smem:$0x3FFE];
	_ =	sdelay $0x1  }
0x8a: {  	s1 =	srdreg.scid  }
0x8b: {  	s0 =	sand.u32 $0x1, s1  }
0x8c: {  	s16 =	sshll.u32 s0, $0xA;
	s2 =	sadd.s32 s3, s2  }
0x8d: {  	s2 =	sadd.s32 s2, s16  }
0x8e: {  	[smem:$0x3FC1] =	sst s2  }
0x8f: {  	_ = 	snop  }
0x90: {  	(tm) =	ssettm $0x1  }
0x91: {  	s17 =	sld [smem:$0x3FFB];
	_ =	sdelay $0x3  }
0x92: {  	_ =	strace s17  }
0x93: {  	s2 =	sld [smem:$0x3FFC];
	_ =	sdelay $0x3  }
0x94: {  	_ =	strace s2  }
0x95: {  	s2 =	sld [smem:$0x3FFD];
	_ =	sdelay $0x3  }
0x96: {  	_ =	strace s2  }
0x97: {  	_ =	strace $0x8FFFFFFF  }
0x98: {  	s18 =	sld [smem:$0x3FDB];
	_ =	sdelay $0x1  }
0x99: {  	s19 =	simm.s32 $_scs_section_size  }
0x9a: {  	s4 =	simm.s32 $_size__tile_overlayer_lowered;
	s5 =	simm.s32 $_tile_overlayer_lowered  }
0x9b: {  	s22 =	simm.s32 $0x1BFF;
	s21 =	sshll.u32 s5, $0x1;
	s2 =	sadd.s32 s19, s18  }
0x9c: {  	s6 =	simm.s32 $0x0;
	s20 =	sshll.u32 s4, $0x1;
	s4 =	sadd.s32 s21, s2  }
0x9d: {  	[timem:s6], [sflag:s22] =	dma.local [hbm:s4], s20  }
0x9e: {  	_ =	swait.ge [sflag:s22], s20  }
0x9f: {  	s3 =	ssub.s32 $0x0, s20;
	[sflag:s22] =	ssyncset.done $0x0  }
0xa0: {  	[sflag:s22] =	ssyncadd.s32 s3;
	_ =	sdelay $0x1  }
0xa1: {  	s23 =	simm.s32 $0x1B8B  }
0xa2: {  	_ =	swait.ge [sflag:s23], $0x1  }
0xa3: {  	[sflag:s23] =	ssyncset.done $0x0  }
0xa4: {  	s25 =	simm.s32 $0x1B8E;
	s24 =	sld [smem:$0x3FFE];
	[sflag:s23] =	ssyncadd.s32 $0xFFFFFFFF  }
0xa5: {  	s26 =	simm.s32 $execute0_lowered;
	[smem:$0x3FD2] =	sst s25  }
0xa6: {  	s4 =	sshll.u32 s26, $0x1;
	_ =	strace $0x8000004C;
	[dreg:$0x1] =	wrdreg $0xFFFFFFFF  }
0xa7: {  	s28 =	simm.s32 $_size_execute0_lowered;
	s2 =	sadd.s32 s2, s4;
	[dreg:$0x0] =	wrdreg $0x0  }
0xa8: {  	s4 =	sshll.u32 s28, $0x1;
	[dreg:$0x2] =	wrdreg s2  }
0xa9: {  	[dreg:$0x3] =	wrdreg s4  }
0xaa: {  	[dreg:$0x4] =	wrdreg $0xC0  }
0xab: {  	_ =	task [dreg:s6], $0x5FFFF  }
0xac: {  	[dreg:$0x1] =	wrdreg $0xFFFFFFFF  }
0xad: {  	[dreg:$0x0] =	wrdreg $0x60  }
0xae: {  	[dreg:$0x2] =	wrdreg s24  }
0xaf: {  	[dreg:$0x3] =	wrdreg $0xA8000  }
0xb0: {  	[dreg:$0x4] =	wrdreg $0x9  }
0xb1: {  	_ =	task.clear_ibuf [dreg:s6], $0x5FFFF;
	_ =	strace $0x9000004C  }
0xb2: {  	s29 =	simm.s32 $0x9;
	_ =	strace $0x8000004E  }
0xb3: {  	_ =	swait.ge [sflag:s29], $0x1  }
0xb4: {  	[sflag:s29] =	ssyncadd.s32 $0xFFFFFFFF  }
0xb5: {  	_ =	strace $0x9000004E  }
0xb6: {  	_ =	sfence  }
0xb7: {  	s30 =	sld [smem:$0x0];
	_ =	sdelay $0x2  }
0xb8: {  	s31 =	sshll.u32 s1, $0xD;
	s1 =	sshrl.u32 s1, $0x2  }
0xb9: {  	s3 =	sand.u32 $0x4000, s31;
	s1 =	sadd.s32 s1, s30  }
0xba: {  	s0 =	sor.u32 s3, s0;
	s1 =	sshll.u32 s1, $0x11  }
0xbb: {  	s0 =	sor.u32 s1, s0  }
0xbc: {  	s0 =	sadd.s32 $0x8F2B, s0  }
0xbd: {  	[sflag:s0] =	ssyncadd.remote.s32 $0x1  }
0xbe: {  	_ =	sfence.sel $0xFFFF  }
0xbf: {  	[dreg:$0x0] =	wrdreg $0xFFFFFFFF;
	(pc) =	sbr.abs _section_cstart, $3  }
0xc0: {  	[dreg:$0x1] =	wrdreg $0xFFFFFFFF  }
0xc1: {  	_ =	task.clear_ibuf [dreg:s6], $0x2FFFF;
	_ =	strace $0x9FFFFFFF  }
0xc2: {  	(tm) =	ssettm $0x7FFFFFFF  }
0xc3: {  	_ =	shalt  }
tec
execute0_lowered:
.L_overlay_start_1:
0x0: {  	(tag) =	ssettag $0x1  }
0x1: {  	s6 =	rddreg [dreg:$0x0]  }
0x2: {  	s1 =	rddreg [dreg:$0x1];
	s2 =	srdreg.scid  }
0x3: {  	s0 =	rddreg [dreg:$0x2];
	s3 =	simm.s32 $0x0;
	s15 =	simm.s32 $0x1400  }
0x4: {  	s16 =	simm.s32 $0x80;
	s17 =	simm.s32 $0x2800;
	s18 =	simm.s32 $0x6800  }
0x5: {  	s19 =	simm.s32 $0x1;
	s20 =	simm.s32 $0x2;
	s21 =	simm.s32 $0x2700  }
0x6: {  	s22 =	simm.s32 $0x2780;
	s23 =	simm.s32 $0x0;
	s7 =	sand.u32 $0x1, s2  }
0x7: {  	s2 =	stileid.u32;
	[smem:$0x7FF] =	sst s3;
	s4 =	sadd.s32 $0x19400, s6  }
0x8: {  	s9 =	sadd.s32 $0x2C00, s6;
	s10 =	sadd.s32 $0xCC00, s6;
	s5 =	smul.u32 $0x140000, s7  }
0x9: {  	s8 =	smul.u32 $0x14000, s2;
	_ =	strace $0x8000004D;
	s11 =	sshll.u32 s2, $0x1  }
0xa: {  	s12 =	ssub.s32 $0x2, s7;
	s26 =	smul.u32 $0x50000, s2;
	s30 =	sshll.u32 s2, $0x6  }
0xb: {  	s7 =	sor.u32 s7, s11;
	s28 =	sshrl.u32 s12, $0x1;
	s8 =	sadd.s32 s8, s5  }
0xc: {  	s5 =	sadd.s32 $0x16C00, s6;
	s7 =	smul.u32 $0x2800, s7;
	s29 =	sshrl.u32 s26, $0x2  }
0xd: {  	s12 =	ssub.s32 s12, s28;
	s8 =	sshrl.u32 s8, $0x3;
	s14 =	sadd.s32 s29, s1  }
0xe: {  	s12 =	smax.u32 s12, $0x1;
	s13 =	sadd.s32 s8, s6;
	s31 =	sshrl.u32 s7, $0x3  }
0xf: {  	s6 =	sor.u32 $0x1C03, s30;
	s7 =	sadd.s32 s9, s31;
	s11 =	sadd.s32 $0x280, s31  }
0x10: {  	s8 =	sadd.s32 s10, s31;
	s9 =	sadd.s32 s9, s11;
	s10 =	sadd.s32 s10, s11  }
0x11: {  	s11 =	sadd.s32 $0x41400, s13;
	s13 =	sshrl.u32 s14, $0x3;
	s14 =	simm.s32 $0x3  }
.LBB2_1:
0x12: {  	[spmem:s13], [sflag:s6] =	dma.local [hbm:s5], $0x2800  }
0x13: {  	_ =	swait.ge [sflag:s14], $0x2800  }
0x14: {  	[sflag:s14] =	ssyncset.done $0x0  }
0x15: {  	[sflag:s14] =	ssyncadd.s32 $0xFFFFD800  }
0x16: {  	[bflag:$0x0] =	sbarrier.arrive $0xFFFF  }
0x17: {  	[tilespmem:s3], [sflag:$0x3] =	stream.linear.gather [hbm4b:s7+s3], $0x1400, $0x38;
	[tilespmem:$0x1E800] =	vst v63  }
0x18: {  	_ =	swait.ge [sflag:s14], $0x1400  }
0x19: {  	[sflag:s14] =	ssyncset.done $0x0  }
0x1a: {  	[sflag:s14] =	ssyncadd.s32 $0xFFFFEC00  }
0x1b: {  	[tilespmem:s15], [sflag:$0x3] =	stream.linear.gather [hbm4b:s8+s3], $0x1400, $0x38;
	[tilespmem:$0x1E800] =	vst v63  }
0x1c: {  	_ =	swait.ge [sflag:s14], $0x1400  }
0x1d: {  	[sflag:s14] =	ssyncset.done $0x0  }
0x1e: {  	[sflag:s14] =	ssyncadd.s32 $0xFFFFEC00  }
0x1f: {  	[tilespmem:s17], [sflag:$0x1] =	stream.indirect.gather [hbm4b:s4+s16], $0x80, s3, s16, $0xb8;
	[tilespmem:$0x1E800] =	vst v63  }
0x20: {  	_ = 	snop  }
0x21: {  	[tilespmem:s18], [sflag:$0x2] =	stream.indirect.gather [hbm4b:s4+s16], $0x80, s16, s16, $0xb8;
	[tilespmem:$0x1E800] =	vst v63  }
0x22: {  	_ =	swait.ge [sflag:s19], $0x4000  }
0x23: {  	[sflag:s19] =	ssyncset.done $0x0  }
0x24: {  	s24 =	simm.s32 $0x1400;
	[sflag:s19] =	ssyncadd.s32 $0xFFFFC000  }
0x25: {  	[spmem:s1] =	stream.indirect.scatter.add.f32 [tilespmem:s17], [sflag:$0x3], $0x80, s24, s16, $0xb8;
	[tilespmem:$0x1E800] =	vst v63  }
0x26: {  	_ =	swait.ge [sflag:s14], $0x4000  }
0x27: {  	[sflag:s14] =	ssyncset.done $0x0  }
0x28: {  	s30 =	simm.s32 $0x100;
	[sflag:s14] =	ssyncadd.s32 $0xFFFFC000  }
0x29: {  	[tilespmem:s17], [sflag:$0x1] =	stream.indirect.gather [hbm4b:s4+s16], $0x80, s30, s16, $0xb8;
	[tilespmem:$0x1E800] =	vst v63  }
0x2a: {  	_ =	swait.ge [sflag:s20], $0x4000  }
0x2b: {  	[sflag:s20] =	ssyncset.done $0x0  }
0x2c: {  	s31 =	simm.s32 $0x1480;
	[sflag:s20] =	ssyncadd.s32 $0xFFFFC000  }
0x2d: {  	[spmem:s1] =	stream.indirect.scatter.add.f32 [tilespmem:s18], [sflag:$0x3], $0x80, s31, s16, $0xb8;
	[tilespmem:$0x1E800] =	vst v63  }
0x2e: {  	_ =	swait.ge [sflag:s14], $0x4000  }
0x2f: {  	[sflag:s14] =	ssyncset.done $0x0  }
0x30: {  	s25 =	simm.s32 $0x180;
	s24 =	simm.s32 $0x400;
	[sflag:s14] =	ssyncadd.s32 $0xFFFFC000  }
.LBB2_2:
0x31: {  	[tilespmem:s18], [sflag:$0x2] =	stream.indirect.gather [hbm4b:s4+s16], $0x80, s25, s16, $0xb8;
	[tilespmem:$0x1E800] =	vst v63  }
0x32: {  	s25 =	smov.u32 s24  }
0x33: {  	p0 =	sne.s32 s24, $0x4800;
	s24 =	sadd.s32 $0x400, s24;
	_ =	swait.ge [sflag:s19], $0x4000  }
0x34: {  	s25 =	sshra.s32 s25, $0x2;
	[sflag:s19] =	ssyncset.done $0x0  }
0x35: {  	s26 =	sadd.s32 $0x1400, s25;
	[sflag:s19] =	ssyncadd.s32 $0xFFFFC000  }
0x36: {  	[spmem:s1] =	stream.indirect.scatter.add.f32 [tilespmem:s17], [sflag:$0x3], $0x80, s26, s16, $0xb8;
	[tilespmem:$0x1E800] =	vst v63  }
0x37: {  	_ =	swait.ge [sflag:s14], $0x4000  }
0x38: {  	[sflag:s14] =	ssyncset.done $0x0  }
0x39: {  	s26 =	sadd.s32 $0x100, s25;
	[sflag:s14] =	ssyncadd.s32 $0xFFFFC000  }
0x3a: {  	[tilespmem:s17], [sflag:$0x1] =	stream.indirect.gather [hbm4b:s4+s16], $0x80, s26, s16, $0xb8;
	[tilespmem:$0x1E800] =	vst v63  }
0x3b: {  	_ =	swait.ge [sflag:s20], $0x4000  }
0x3c: {  	[sflag:s20] =	ssyncset.done $0x0  }
.Ltmp0:
0x3d: {  	s26 =	sadd.s32 $0x1480, s25;
	[sflag:s20] =	ssyncadd.s32 $0xFFFFC000;
	(pc) =	sbr.rel @p0 .LBB2_2-.Ltmp0, $4  }
0x3e: {  	[spmem:s1] =	stream.indirect.scatter.add.f32 [tilespmem:s18], [sflag:$0x3], $0x80, s26, s16, $0xb8;
	[tilespmem:$0x1E800] =	vst v63  }
0x3f: {  	_ =	swait.ge [sflag:s14], $0x4000  }
0x40: {  	[sflag:s14] =	ssyncset.done $0x0  }
0x41: {  	s25 =	sadd.s32 $0x180, s25;
	[sflag:s14] =	ssyncadd.s32 $0xFFFFC000  }
0x42: {  	[tilespmem:s18], [sflag:$0x2] =	stream.indirect.gather [hbm4b:s4+s16], $0x80, s25, s16, $0xb8;
	[tilespmem:$0x1E800] =	vst v63  }
0x43: {  	_ =	swait.ge [sflag:s19], $0x4000  }
0x44: {  	[sflag:s19] =	ssyncset.done $0x0  }
0x45: {  	[sflag:s19] =	ssyncadd.s32 $0xFFFFC000  }
0x46: {  	[spmem:s1] =	stream.indirect.scatter.add.f32 [tilespmem:s17], [sflag:$0x3], $0x80, s21, s16, $0xb8;
	[tilespmem:$0x1E800] =	vst v63  }
0x47: {  	_ =	swait.ge [sflag:s14], $0x4000  }
0x48: {  	[sflag:s14] =	ssyncset.done $0x0  }
0x49: {  	[sflag:s14] =	ssyncadd.s32 $0xFFFFC000  }
0x4a: {  	_ =	swait.ge [sflag:s20], $0x4000  }
0x4b: {  	[sflag:s20] =	ssyncset.done $0x0  }
0x4c: {  	[sflag:s20] =	ssyncadd.s32 $0xFFFFC000  }
0x4d: {  	[spmem:s1] =	stream.indirect.scatter.add.f32 [tilespmem:s18], [sflag:$0x3], $0x80, s22, s16, $0xb8;
	[tilespmem:$0x1E800] =	vst v63  }
0x4e: {  	_ =	swait.ge [sflag:s14], $0x4000  }
0x4f: {  	[sflag:s14] =	ssyncset.done $0x0  }
0x50: {  	s24 =	simm.s32 $0x0;
	[sflag:s14] =	ssyncadd.s32 $0xFFFFC000  }
0x51: {  	[tilespmem:s24], [sflag:$0x3] =	stream.linear.gather [hbm4b:s9+s24], $0x1400, $0x38;
	[tilespmem:$0x1E800] =	vst v63  }
0x52: {  	_ =	swait.ge [sflag:s14], $0x1400  }
0x53: {  	[sflag:s14] =	ssyncset.done $0x0  }
0x54: {  	[sflag:s14] =	ssyncadd.s32 $0xFFFFEC00  }
0x55: {  	[tilespmem:s15], [sflag:$0x3] =	stream.linear.gather [hbm4b:s10+s24], $0x1400, $0x38;
	[tilespmem:$0x1E800] =	vst v63  }
0x56: {  	_ =	swait.ge [sflag:s14], $0x1400  }
0x57: {  	[sflag:s14] =	ssyncset.done $0x0  }
0x58: {  	[sflag:s14] =	ssyncadd.s32 $0xFFFFEC00  }
0x59: {  	[tilespmem:s17], [sflag:$0x1] =	stream.indirect.gather [hbm4b:s4+s16], $0x80, s24, s16, $0xb8;
	[tilespmem:$0x1E800] =	vst v63  }
0x5a: {  	_ = 	snop  }
0x5b: {  	[tilespmem:s18], [sflag:$0x2] =	stream.indirect.gather [hbm4b:s4+s16], $0x80, s16, s16, $0xb8;
	[tilespmem:$0x1E800] =	vst v63  }
0x5c: {  	_ =	swait.ge [sflag:s19], $0x4000  }
0x5d: {  	[sflag:s19] =	ssyncset.done $0x0  }
0x5e: {  	s29 =	simm.s32 $0x1400;
	[sflag:s19] =	ssyncadd.s32 $0xFFFFC000  }
0x5f: {  	[spmem:s1] =	stream.indirect.scatter.add.f32 [tilespmem:s17], [sflag:$0x3], $0x80, s29, s16, $0xb8;
	[tilespmem:$0x1E800] =	vst v63  }
0x60: {  	_ =	swait.ge [sflag:s14], $0x4000  }
0x61: {  	[sflag:s14] =	ssyncset.done $0x0  }
0x62: {  	s30 =	simm.s32 $0x100;
	[sflag:s14] =	ssyncadd.s32 $0xFFFFC000  }
0x63: {  	[tilespmem:s17], [sflag:$0x1] =	stream.indirect.gather [hbm4b:s4+s16], $0x80, s30, s16, $0xb8;
	[tilespmem:$0x1E800] =	vst v63  }
0x64: {  	_ =	swait.ge [sflag:s20], $0x4000  }
0x65: {  	[sflag:s20] =	ssyncset.done $0x0  }
0x66: {  	s31 =	simm.s32 $0x1480;
	[sflag:s20] =	ssyncadd.s32 $0xFFFFC000  }
0x67: {  	[spmem:s1] =	stream.indirect.scatter.add.f32 [tilespmem:s18], [sflag:$0x3], $0x80, s31, s16, $0xb8;
	[tilespmem:$0x1E800] =	vst v63  }
0x68: {  	_ =	swait.ge [sflag:s14], $0x4000  }
0x69: {  	[sflag:s14] =	ssyncset.done $0x0  }
0x6a: {  	s25 =	simm.s32 $0x180;
	s24 =	simm.s32 $0x400;
	[sflag:s14] =	ssyncadd.s32 $0xFFFFC000  }
.LBB2_4:
0x6b: {  	[tilespmem:s18], [sflag:$0x2] =	stream.indirect.gather [hbm4b:s4+s16], $0x80, s25, s16, $0xb8;
	[tilespmem:$0x1E800] =	vst v63  }
0x6c: {  	s25 =	smov.u32 s24  }
0x6d: {  	p0 =	sne.s32 s24, $0x4800;
	s24 =	sadd.s32 $0x400, s24;
	_ =	swait.ge [sflag:s19], $0x4000  }
0x6e: {  	s25 =	sshra.s32 s25, $0x2;
	[sflag:s19] =	ssyncset.done $0x0  }
0x6f: {  	s26 =	sadd.s32 $0x1400, s25;
	[sflag:s19] =	ssyncadd.s32 $0xFFFFC000  }
0x70: {  	[spmem:s1] =	stream.indirect.scatter.add.f32 [tilespmem:s17], [sflag:$0x3], $0x80, s26, s16, $0xb8;
	[tilespmem:$0x1E800] =	vst v63  }
0x71: {  	_ =	swait.ge [sflag:s14], $0x4000  }
0x72: {  	[sflag:s14] =	ssyncset.done $0x0  }
0x73: {  	s26 =	sadd.s32 $0x100, s25;
	[sflag:s14] =	ssyncadd.s32 $0xFFFFC000  }
0x74: {  	[tilespmem:s17], [sflag:$0x1] =	stream.indirect.gather [hbm4b:s4+s16], $0x80, s26, s16, $0xb8;
	[tilespmem:$0x1E800] =	vst v63  }
0x75: {  	_ =	swait.ge [sflag:s20], $0x4000  }
0x76: {  	[sflag:s20] =	ssyncset.done $0x0  }
.Ltmp1:
0x77: {  	s26 =	sadd.s32 $0x1480, s25;
	[sflag:s20] =	ssyncadd.s32 $0xFFFFC000;
	(pc) =	sbr.rel @p0 .LBB2_4-.Ltmp1, $4  }
0x78: {  	[spmem:s1] =	stream.indirect.scatter.add.f32 [tilespmem:s18], [sflag:$0x3], $0x80, s26, s16, $0xb8;
	[tilespmem:$0x1E800] =	vst v63  }
0x79: {  	_ =	swait.ge [sflag:s14], $0x4000  }
0x7a: {  	[sflag:s14] =	ssyncset.done $0x0  }
0x7b: {  	s25 =	sadd.s32 $0x180, s25;
	[sflag:s14] =	ssyncadd.s32 $0xFFFFC000  }
0x7c: {  	[tilespmem:s18], [sflag:$0x2] =	stream.indirect.gather [hbm4b:s4+s16], $0x80, s25, s16, $0xb8;
	[tilespmem:$0x1E800] =	vst v63  }
0x7d: {  	_ =	swait.ge [sflag:s19], $0x4000  }
0x7e: {  	[sflag:s19] =	ssyncset.done $0x0  }
0x7f: {  	[sflag:s19] =	ssyncadd.s32 $0xFFFFC000  }
0x80: {  	[spmem:s1] =	stream.indirect.scatter.add.f32 [tilespmem:s17], [sflag:$0x3], $0x80, s21, s16, $0xb8;
	[tilespmem:$0x1E800] =	vst v63  }
0x81: {  	_ =	swait.ge [sflag:s14], $0x4000  }
0x82: {  	[sflag:s14] =	ssyncset.done $0x0  }
0x83: {  	[sflag:s14] =	ssyncadd.s32 $0xFFFFC000  }
0x84: {  	_ =	swait.ge [sflag:s20], $0x4000  }
0x85: {  	[sflag:s20] =	ssyncset.done $0x0  }
0x86: {  	[sflag:s20] =	ssyncadd.s32 $0xFFFFC000  }
0x87: {  	[spmem:s1] =	stream.indirect.scatter.add.f32 [tilespmem:s18], [sflag:$0x3], $0x80, s22, s16, $0xb8;
	[tilespmem:$0x1E800] =	vst v63  }
0x88: {  	_ =	swait.ge [sflag:s14], $0x4000  }
0x89: {  	s23 =	sadd.s32 $0x1, s23;
	[sflag:s14] =	ssyncset.done $0x0  }
0x8a: {  	p0 =	sne.s32 s23, s12;
	[sflag:s14] =	ssyncadd.s32 $0xFFFFC000  }
.Ltmp2:
0x8b: {  	[bflag:$0x0] =	sbarrier.arrive $0xFFFF;
	(pc) =	sbr.rel @p0 .LBB2_1-.Ltmp2, $4  }
0x8c: {  	[hbm:s11], [sflag:s6] =	dma.local [spmem:s13], $0x2800  }
0x8d: {  	_ =	swait.ge [sflag:s14], $0x2800  }
0x8e: {  	[sflag:s14] =	ssyncset.done $0x0  }
0x8f: {  	[sflag:s14] =	ssyncadd.s32 $0xFFFFD800  }
0x90: {  	_ =	sfence.sel $0x180000  }
0x91: {  	[bflag:$0x0] =	sbarrier.arrive $0xFFFF  }
0x92: {  	p0 =	sne.s32 s2, $0x0;
	_ =	strace $0x9000004D  }
0x93: {  	s0 =	sadd.s32 @!p0 $0x100000, s0;
	[bflag:$0x2] =	sbarrier.arrive $0xFFFF  }
0x94: {  	[sflag:s0] =	ssyncadd.tile.s32 @!p0 $0x1;
	_ =	shalt  }
.Lfunc_end2:
_tile_overlayer_lowered:
.L_overlay_start_2:
0x95: {  	(tag) =	ssettag $0x2  }
0x96: {  	s0 =	rddreg [dreg:$0x0];
	s2 =	stileid.u32  }
0x97: {  	s1 =	rddreg [dreg:$0x1];
	p0 =	sne.s32 s2, $0x0  }
0x98: {  	s3 =	rddreg [dreg:$0x2];
	[bflag:$0x3] =	sbarrier.arrive $0xFFFF;
	s2 =	simm.s32 @!p0 $0x1C03  }
0x99: {  	[timem:s3], [sflag:s2] =	dma.local @!p0 [hbm:s0], s1  }
0x9a: {  	s0 =	simm.s32 @!p0 $0x3  }
0x9b: {  	_ =	swait.ge @!p0 [sflag:s0], s1  }
0x9c: {  	s1 =	ssub.s32 @!p0 $0x0, s1;
	[sflag:s0] =	ssyncset.done @!p0 $0x0  }
0x9d: {  	[sflag:s0] =	ssyncadd.s32 @!p0 s1  }
0x9e: {  	[bflag:$0x3] =	sbarrier.arrive $0xFFFF  }
0x9f: {  	_ =	shalt  }

// kernel: kernel.8.cloned.1.call-start
scs
__scs_entry_jumppad:
0x0: {  	(pc) =	sbr.rel $0x88, $3  }
0x1: {  	(tag) =	ssettag $0x0;
	lr =	simm.s32 $0x1  }
0x2: {  	[smem:$0x3F9A] =	sst lr;
	_ =	strace $0xD0000000  }
0x3: {  	_ = 	snop  }
0x4: {  	_ = 	snop  }
0x5: {  	_ = 	snop  }
0x6: {  	_ = 	snop  }
0x7: {  	_ = 	snop  }
__scs_overlays_trampoline_lowered:
0x8: {  	[smem:$0x3FA9] =	sst s0  }
0x9: {  	[smem:$0x3FAA] =	sst s1  }
0xa: {  	[smem:$0x3FAB] =	sst s2  }
0xb: {  	[smem:$0x3FAC] =	sst s3  }
0xc: {  	[smem:$0x3FAD] =	sst s4  }
0xd: {  	[smem:$0x3FAE] =	sst s5  }
0xe: {  	[smem:$0x3FAF] =	sst s6  }
0xf: {  	[smem:$0x3FB0] =	sst s7  }
0x10: {  	[smem:$0x3FB1] =	sst s8  }
0x11: {  	[smem:$0x3FB2] =	sst s9;
	s0 =	simm.s32 @!p0 $0x0  }
0x12: {  	s1 =	sld [smem:$0x3F98];
	s0 =	simm.s32 @p0 $0x1  }
0x13: {  	[smem:$0x3FB3] =	sst s0;
	s0 =	simm.s32 @!p1 $0x0  }
0x14: {  	s2 =	sld [smem:$0x3F97];
	s0 =	simm.s32 @p1 $0x1  }
0x15: {  	[smem:$0x3FB4] =	sst s0;
	s0 =	simm.s32 @!p2 $0x0  }
0x16: {  	s3 =	sld [smem:$0x3FDB];
	s0 =	simm.s32 @p2 $0x1  }
0x17: {  	s4 =	simm.s32 $0x1BF5;
	[smem:$0x3FB6] =	sst s0  }
0x18: {  	s0 =	sld [smem:$0x3F99];
	_ =	swait.ge [sflag:s4], $0x0  }
0x19: {  	s7 =	sld [smem:$0x3F9A]  }
0x1a: {  	s8 =	sadd.s32 $0xFFFFE003, lr  }
0x1b: {  	s9 =	sadd.s32 $0xFFFFFEF7, lr;
	s5 =	simm.s32 $0xFFFFFFFF;
	p2 =	slt.u32 s8, $0xFFFFF086  }
0x1c: {  	p1 =	slt.u32 s9, $0xF7A;
	s5 =	simm.s32 @!p2 $0x0  }
0x1d: {  	s5 =	simm.s32 @p1 $0x1;
	p0 =	seq.s32 s7, s2  }
0x1e: {  	s7 =	smul.u32 @!p0 $0xF7A, s2;
	p2 =	seq.s32 @!p0 s5, $0x0  }
0x1f: {  	s9 =	smul.u32 $0xF7A, s1;
	s8 =	simm.s32 @!p0 $0x1BF5;
	p2 =	por !p2, p0  }
0x20: {  	[sflag:s8] =	ssyncset.s32 @!p0 $0xFFFFF086;
	s6 =	sadd.s32 @!p0 s3, s7;
	s7 =	simm.s32 @!p0 $0x108  }
0x21: {  	s3 =	sadd.s32 s3, s9;
	s6 =	sadd.s32 @!p0 $0x88, s6;
	s7 =	simm.s32 @p2 $0x1082  }
0x22: {  	[simem:s7], [sflag:s8] =	dma.local @!p0 [hbm:s6], $0xF7A  }
0x23: {  	s9 =	sor.u32 $0xD0000000, s2;
	s6 =	simm.s32 $0x108;
	_ =	swait.ge @!p0 [sflag:s8], $0x0  }
0x24: {  	s3 =	sadd.s32 $0x88, s3;
	s6 =	simm.s32 @!p1 $0x1082;
	[sflag:s4] =	ssyncset.s32 $0xFFFFF086  }
0x25: {  	[simem:s6], [sflag:s4] =	dma.local [hbm:s3], $0xF7A  }
0x26: {  	[smem:$0x3F9A] =	sst s1;
	(tag) =	ssettag s2;
	_ =	strace s9  }
0x27: {  	s1 =	sld [smem:$0x3FAA]  }
0x28: {  	s2 =	sld [smem:$0x3FAB]  }
0x29: {  	s4 =	sld [smem:$0x3FAD]  }
0x2a: {  	p0 =	seq.s32 s5, $0x0;
	s5 =	sld [smem:$0x3FAE]  }
0x2b: {  	s6 =	sld [smem:$0x3FAF]  }
0x2c: {  	s7 =	sld [smem:$0x3FB0]  }
0x2d: {  	s3 =	simm.s32 $0x108;
	s8 =	sld [smem:$0x3FB1]  }
0x2e: {  	s3 =	simm.s32 @!p0 $0x1082;
	s9 =	sld [smem:$0x3FB2]  }
0x2f: {  	lr =	sadd.s32 s0, s3;
	s0 =	sld [smem:$0x3FA9]  }
0x30: {  	s3 =	sld [smem:$0x3FAC]  }
0x31: {  	[smem:$0x3FB5] =	sst s10  }
0x32: {  	s10 =	sld [smem:$0x3FB3];
	_ =	sdelay $0x3  }
0x33: {  	p0 =	seq.s32 s10, $0x1;
	s10 =	sld [smem:$0x3FB5];
	_ =	sdelay $0x3  }
0x34: {  	[smem:$0x3FB5] =	sst s10  }
0x35: {  	s10 =	sld [smem:$0x3FB4];
	_ =	sdelay $0x3  }
0x36: {  	p1 =	seq.s32 s10, $0x1;
	s10 =	sld [smem:$0x3FB5];
	_ =	sdelay $0x3  }
0x37: {  	[smem:$0x3FB5] =	sst s10  }
0x38: {  	s10 =	sld [smem:$0x3FB6]  }
0x39: {  	_ = 	snop;
	(pc) =	sbr.ind lr, $3  }
0x3a: {  	_ = 	snop  }
0x3b: {  	_ = 	snop  }
0x3c: {  	p2 =	seq.s32 s10, $0x1;
	s10 =	sld [smem:$0x3FB5]  }
0x3d: {  	_ =	shalt  }
0x3e: {  	_ =	shalt  }
0x3f: {  	_ =	shalt  }
0x40: {  	_ =	shalt  }
0x41: {  	_ =	shalt  }
0x42: {  	_ =	shalt  }
0x43: {  	_ =	shalt  }
0x44: {  	_ =	shalt  }
0x45: {  	_ =	shalt  }
0x46: {  	_ =	shalt  }
0x47: {  	_ =	shalt  }
0x48: {  	_ =	shalt  }
0x49: {  	_ =	shalt  }
0x4a: {  	_ =	shalt  }
0x4b: {  	_ =	shalt  }
0x4c: {  	_ =	shalt  }
0x4d: {  	_ =	shalt  }
0x4e: {  	_ =	shalt  }
0x4f: {  	_ =	shalt  }
0x50: {  	_ =	shalt  }
0x51: {  	_ =	shalt  }
0x52: {  	_ =	shalt  }
0x53: {  	_ =	shalt  }
0x54: {  	_ =	shalt  }
0x55: {  	_ =	shalt  }
0x56: {  	_ =	shalt  }
0x57: {  	_ =	shalt  }
0x58: {  	_ =	shalt  }
0x59: {  	_ =	shalt  }
0x5a: {  	_ =	shalt  }
0x5b: {  	_ =	shalt  }
0x5c: {  	_ =	shalt  }
0x5d: {  	_ =	shalt  }
0x5e: {  	_ =	shalt  }
0x5f: {  	_ =	shalt  }
0x60: {  	_ =	shalt  }
0x61: {  	_ =	shalt  }
0x62: {  	_ =	shalt  }
0x63: {  	_ =	shalt  }
0x64: {  	_ =	shalt  }
0x65: {  	_ =	shalt  }
0x66: {  	_ =	shalt  }
0x67: {  	_ =	shalt  }
0x68: {  	_ =	shalt  }
0x69: {  	_ =	shalt  }
0x6a: {  	_ =	shalt  }
0x6b: {  	_ =	shalt  }
0x6c: {  	_ =	shalt  }
0x6d: {  	_ =	shalt  }
0x6e: {  	_ =	shalt  }
0x6f: {  	_ =	shalt  }
0x70: {  	_ =	shalt  }
0x71: {  	_ =	shalt  }
0x72: {  	_ =	shalt  }
0x73: {  	_ =	shalt  }
0x74: {  	_ =	shalt  }
0x75: {  	_ =	shalt  }
0x76: {  	_ =	shalt  }
0x77: {  	_ =	shalt  }
0x78: {  	_ =	shalt  }
0x79: {  	_ =	shalt  }
0x7a: {  	_ =	shalt  }
0x7b: {  	_ =	shalt  }
0x7c: {  	_ =	shalt  }
0x7d: {  	_ =	shalt  }
0x7e: {  	_ =	shalt  }
0x7f: {  	_ =	shalt  }
0x80: {  	_ =	shalt  }
0x81: {  	_ =	shalt  }
0x82: {  	_ =	shalt  }
0x83: {  	_ =	shalt  }
0x84: {  	_ =	shalt  }
0x85: {  	_ =	shalt  }
0x86: {  	_ =	shalt  }
0x87: {  	_ =	shalt  }
.Lfunc_end0:
.L_simem_size_0:
called_computation_lowered:
.L_overlay_start_0:
0x88: {  	s2 =	sld [smem:$0x3FD9]  }
0x89: {  	s3 =	sld [smem:$0x3FFE];
	_ =	sdelay $0x1  }
0x8a: {  	s1 =	srdreg.scid  }
0x8b: {  	s0 =	sand.u32 $0x1, s1  }
0x8c: {  	s16 =	sshll.u32 s0, $0xA;
	s2 =	sadd.s32 s3, s2  }
0x8d: {  	s2 =	sadd.s32 s2, s16  }
0x8e: {  	[smem:$0x3FC1] =	sst s2  }
0x8f: {  	_ = 	snop  }
0x90: {  	(tm) =	ssettm $0x1  }
0x91: {  	s17 =	sld [smem:$0x3FFB];
	_ =	sdelay $0x3  }
0x92: {  	_ =	strace s17  }
0x93: {  	s2 =	sld [smem:$0x3FFC];
	_ =	sdelay $0x3  }
0x94: {  	_ =	strace s2  }
0x95: {  	s2 =	sld [smem:$0x3FFD];
	_ =	sdelay $0x3  }
0x96: {  	_ =	strace s2  }
0x97: {  	_ =	strace $0x8FFFFFFF  }
0x98: {  	s18 =	sld [smem:$0x3FDB];
	_ =	sdelay $0x1  }
0x99: {  	s19 =	simm.s32 $_scs_section_size  }
0x9a: {  	s4 =	simm.s32 $_size__tile_overlayer_lowered;
	s5 =	simm.s32 $_tile_overlayer_lowered  }
0x9b: {  	s22 =	simm.s32 $0x1BFF;
	s21 =	sshll.u32 s5, $0x1;
	s2 =	sadd.s32 s19, s18  }
0x9c: {  	s6 =	simm.s32 $0x0;
	s20 =	sshll.u32 s4, $0x1;
	s4 =	sadd.s32 s21, s2  }
0x9d: {  	[timem:s6], [sflag:s22] =	dma.local [hbm:s4], s20  }
0x9e: {  	_ =	swait.ge [sflag:s22], s20  }
0x9f: {  	s3 =	ssub.s32 $0x0, s20;
	[sflag:s22] =	ssyncset.done $0x0  }
0xa0: {  	[sflag:s22] =	ssyncadd.s32 s3;
	_ =	sdelay $0x1  }
0xa1: {  	s23 =	simm.s32 $0x1B8B  }
0xa2: {  	_ =	swait.ge [sflag:s23], $0x1  }
0xa3: {  	[sflag:s23] =	ssyncset.done $0x0  }
0xa4: {  	s25 =	simm.s32 $0x1B8E;
	s24 =	sld [smem:$0x3FFE];
	[sflag:s23] =	ssyncadd.s32 $0xFFFFFFFF  }
0xa5: {  	s26 =	simm.s32 $execute0_lowered;
	[smem:$0x3FD2] =	sst s25  }
0xa6: {  	s4 =	sshll.u32 s26, $0x1;
	_ =	strace $0x80000046;
	[dreg:$0x1] =	wrdreg $0xFFFFFFFF  }
0xa7: {  	s28 =	simm.s32 $_size_execute0_lowered;
	s2 =	sadd.s32 s2, s4;
	[dreg:$0x0] =	wrdreg $0x0  }
0xa8: {  	s4 =	sshll.u32 s28, $0x1;
	[dreg:$0x2] =	wrdreg s2  }
0xa9: {  	[dreg:$0x3] =	wrdreg s4  }
0xaa: {  	[dreg:$0x4] =	wrdreg $0xC0  }
0xab: {  	_ =	task [dreg:s6], $0x5FFFF  }
0xac: {  	[dreg:$0x1] =	wrdreg $0xFFFFFFFF  }
0xad: {  	[dreg:$0x0] =	wrdreg $0x60  }
0xae: {  	[dreg:$0x2] =	wrdreg s24  }
0xaf: {  	[dreg:$0x3] =	wrdreg $0x68000  }
0xb0: {  	[dreg:$0x4] =	wrdreg $0x9  }
0xb1: {  	_ =	task.clear_ibuf [dreg:s6], $0x5FFFF;
	_ =	strace $0x90000046  }
0xb2: {  	s29 =	simm.s32 $0x9;
	_ =	strace $0x80000048  }
0xb3: {  	_ =	swait.ge [sflag:s29], $0x1  }
0xb4: {  	[sflag:s29] =	ssyncadd.s32 $0xFFFFFFFF  }
0xb5: {  	_ =	strace $0x90000048  }
0xb6: {  	_ =	sfence  }
0xb7: {  	s30 =	sld [smem:$0x0];
	_ =	sdelay $0x2  }
0xb8: {  	s31 =	sshll.u32 s1, $0xD;
	s1 =	sshrl.u32 s1, $0x2  }
0xb9: {  	s3 =	sand.u32 $0x4000, s31;
	s1 =	sadd.s32 s1, s30  }
0xba: {  	s0 =	sor.u32 s3, s0;
	s1 =	sshll.u32 s1, $0x11  }
0xbb: {  	s0 =	sor.u32 s1, s0  }
0xbc: {  	s0 =	sadd.s32 $0x8F2B, s0  }
0xbd: {  	[sflag:s0] =	ssyncadd.remote.s32 $0x1  }
0xbe: {  	_ =	sfence.sel $0xFFFF  }
0xbf: {  	[dreg:$0x0] =	wrdreg $0xFFFFFFFF;
	(pc) =	sbr.abs _section_cstart, $3  }
0xc0: {  	[dreg:$0x1] =	wrdreg $0xFFFFFFFF  }
0xc1: {  	_ =	task.clear_ibuf [dreg:s6], $0x2FFFF;
	_ =	strace $0x9FFFFFFF  }
0xc2: {  	(tm) =	ssettm $0x7FFFFFFF  }
0xc3: {  	_ =	shalt  }
tec
execute0_lowered:
.L_overlay_start_1:
0x0: {  	(tag) =	ssettag $0x1  }
0x1: {  	s1 =	srdreg.scid  }
0x2: {  	s0 =	stileid.u32;
	s7 =	rddreg [dreg:$0x0]  }
0x3: {  	s2 =	rddreg [dreg:$0x1];
	s3 =	simm.s32 $0x0;
	s12 =	simm.s32 $0x2800  }
0x4: {  	s13 =	simm.s32 $0x80;
	s14 =	simm.s32 $0x0;
	s8 =	smul.u32 $0x14000, s0  }
0x5: {  	s6 =	sand.u32 $0x1, s1;
	s29 =	sshll.u32 s0, $0x1;
	s10 =	smul.u32 $0x50000, s0  }
0x6: {  	[smem:$0x7FF] =	sst s3;
	s1 =	sor.u32 s6, s29;
	s5 =	smul.u32 $0x140000, s6  }
0x7: {  	s31 =	sshll.u32 s0, $0x6;
	s6 =	ssub.s32 $0x2, s6;
	s4 =	smul.u32 $0x500, s1  }
0x8: {  	s1 =	rddreg [dreg:$0x2];
	_ =	strace $0x80000047;
	s30 =	sshrl.u32 s6, $0x1  }
0x9: {  	s10 =	sshrl.u32 s10, $0x2;
	s8 =	sadd.s32 s8, s5;
	s5 =	sadd.s32 $0x19400, s7  }
0xa: {  	s11 =	ssub.s32 s6, s30;
	s10 =	sadd.s32 s10, s2;
	s6 =	sor.u32 $0x1C01, s31  }
0xb: {  	s9 =	sadd.s32 s4, s7;
	s4 =	sadd.s32 $0x16C00, s7;
	s8 =	sshrl.u32 s8, $0x3  }
0xc: {  	s10 =	sshrl.u32 s10, $0x3;
	s8 =	sadd.s32 s8, s7;
	s7 =	sadd.s32 $0xCC00, s9  }
0xd: {  	s9 =	smax.u32 s11, $0x1;
	s11 =	simm.s32 $0x1;
	s8 =	sadd.s32 $0x19C00, s8  }
.LBB2_1:
0xe: {  	[spmem:s10], [sflag:s6] =	dma.local [hbm:s4], $0x2800  }
0xf: {  	_ =	swait.ge [sflag:s11], $0x2800  }
0x10: {  	[sflag:s11] =	ssyncset.done $0x0  }
0x11: {  	[sflag:s11] =	ssyncadd.s32 $0xFFFFD800  }
0x12: {  	[tilespmem:s3], [sflag:$0x1] =	stream.linear.gather [hbm4b:s7+s3], $0x2800, $0x38;
	[tilespmem:$0x1A800] =	vst v63  }
0x13: {  	_ =	swait.ge [sflag:s11], $0x2800  }
0x14: {  	[sflag:s11] =	ssyncset.done $0x0  }
0x15: {  	p0 =	por $0x1, $0x1;
	[sflag:s11] =	ssyncadd.s32 $0xFFFFD800  }
0x16: {  	[tilespmem:s12], [sflag:$0x1] =	stream.linear.gather [hbm4b:s5+s3], $0x4000, $0x38;
	[tilespmem:$0x1A800] =	vst v63  }
0x17: {  	s15 =	simm.s32 $0xFFFFB000;
	p1 =	por $0x0, $0x0;
	_ =	swait.ge [sflag:s11], $0x4000  }
0x18: {  	s16 =	simm.s32 $0x1400;
	s15 =	smov.u32 @p0 s3;
	[sflag:s11] =	ssyncset.done $0x0  }
0x19: {  	s16 =	simm.s32 @!p1 $0x0;
	s15 =	sshra.s32 s15, $0x2;
	[sflag:s11] =	ssyncadd.s32 $0xFFFFC000  }
0x1a: {  	s15 =	sadd.s32 s15, s16;
	[bflag:$0x0] =	sbarrier.arrive $0xFFFF  }
0x1b: {  	[spmem:s2] =	stream.indirect.scatter.add.f32 [tilespmem:s12], [sflag:$0x1], $0x80, s15, s13, $0xb8;
	[tilespmem:$0x1A800] =	vst v63  }
0x1c: {  	s16 =	simm.s32 $0x1;
	s15 =	simm.s32 $0x200  }
.LBB2_2:
0x1d: {  	p0 =	slt.u32 s16, $0x28;
	s17 =	sadd.s32 $0xFFFFB000, s15  }
0x1e: {  	s17 =	smov.u32 @p0 s15;
	p0 =	sne.s32 s16, $0x4F  }
.Ltmp0:
0x1f: {  	p1 =	sgt.u32 s16, $0x27;
	s18 =	simm.s32 $0x1400;
	(pc) =	sbr.rel @p0 .LBB2_2-.Ltmp0, $4  }
0x20: {  	s18 =	simm.s32 @!p1 $0x0;
	s17 =	sshra.s32 s17, $0x2;
	_ =	swait.ge [sflag:s11], $0x4000  }
0x21: {  	s15 =	sadd.s32 $0x200, s15;
	s17 =	sadd.s32 s17, s18;
	[sflag:s11] =	ssyncset.done $0x0  }
0x22: {  	s16 =	sadd.s32 $0x1, s16;
	[sflag:s11] =	ssyncadd.s32 $0xFFFFC000  }
0x23: {  	[spmem:s2] =	stream.indirect.scatter.add.f32 [tilespmem:s12], [sflag:$0x1], $0x80, s17, s13, $0xb8;
	[tilespmem:$0x1A800] =	vst v63  }
0x24: {  	_ =	swait.ge [sflag:s11], $0x4000  }
0x25: {  	s14 =	sadd.s32 $0x1, s14;
	[sflag:s11] =	ssyncset.done $0x0  }
0x26: {  	p0 =	sne.s32 s14, s9;
	[sflag:s11] =	ssyncadd.s32 $0xFFFFC000  }
.Ltmp1:
0x27: {  	[bflag:$0x0] =	sbarrier.arrive $0xFFFF;
	(pc) =	sbr.rel @p0 .LBB2_1-.Ltmp1, $4  }
0x28: {  	[hbm:s8], [sflag:s6] =	dma.local [spmem:s10], $0x2800  }
0x29: {  	_ =	swait.ge [sflag:s11], $0x2800  }
0x2a: {  	[sflag:s11] =	ssyncset.done $0x0  }
0x2b: {  	[sflag:s11] =	ssyncadd.s32 $0xFFFFD800  }
0x2c: {  	_ =	sfence.sel $0x180000  }
0x2d: {  	[bflag:$0x0] =	sbarrier.arrive $0xFFFF  }
0x2e: {  	p0 =	sne.s32 s0, $0x0;
	_ =	strace $0x90000047  }
0x2f: {  	s0 =	sadd.s32 @!p0 $0x100000, s1;
	[bflag:$0x2] =	sbarrier.arrive $0xFFFF  }
0x30: {  	[sflag:s0] =	ssyncadd.tile.s32 @!p0 $0x1;
	_ =	shalt  }
.Lfunc_end2:
_tile_overlayer_lowered:
.L_overlay_start_2:
0x31: {  	(tag) =	ssettag $0x2  }
0x32: {  	s0 =	rddreg [dreg:$0x0];
	s2 =	stileid.u32  }
0x33: {  	s1 =	rddreg [dreg:$0x1];
	p0 =	sne.s32 s2, $0x0  }
0x34: {  	s3 =	rddreg [dreg:$0x2];
	[bflag:$0x3] =	sbarrier.arrive $0xFFFF;
	s2 =	simm.s32 @!p0 $0x1C01  }
0x35: {  	[timem:s3], [sflag:s2] =	dma.local @!p0 [hbm:s0], s1  }
0x36: {  	s0 =	simm.s32 @!p0 $0x1  }
0x37: {  	_ =	swait.ge @!p0 [sflag:s0], s1  }
0x38: {  	s1 =	ssub.s32 @!p0 $0x0, s1;
	[sflag:s0] =	ssyncset.done @!p0 $0x0  }
0x39: {  	[sflag:s0] =	ssyncadd.s32 @!p0 s1  }
0x3a: {  	[bflag:$0x3] =	sbarrier.arrive $0xFFFF  }
0x3b: {  	_ =	shalt  }

</sc_bundles>
